<compile_context>
chip_gen: v7x
topology: tpu7x:2x2x1
jax: 0.10.2.dev20260603
libtpu: 0.0.44.dev20260713+nightly
codegen_flags: <defaults>
</compile_context>

<pallas_src>
import functools

import jax
import jax.numpy as jnp
from jax import lax
from jax.experimental import pallas as pl
from jax.experimental.pallas import tpu as pltpu
from jax.experimental.pallas import tpu_sc as plsc

S, B, D, H, HD = 2048, 2, 1024, 4, 256
E, FF = 32, 4096
N = S * B
RT = 512
TT = 256
GT = N // TT + E
NP = GT * TT


def _qkv_body(x_ref, w_ref, b_ref, o_ref):
    o_ref[...] = lax.dot_general(
        x_ref[...], w_ref[...], (((1,), (1,)), ((), ())),
        preferred_element_type=jnp.float32) + b_ref[0]


def _qkv(x2d, wi, bi3):
    return pl.pallas_call(
        _qkv_body,
        grid=(N // RT, 3),
        in_specs=[
            pl.BlockSpec((RT, D), lambda i, j: (i, 0)),
            pl.BlockSpec((D, D), lambda i, j: (j, 0)),
            pl.BlockSpec((1, 1, D), lambda i, j: (j, 0, 0)),
        ],
        out_specs=pl.BlockSpec((RT, D), lambda i, j: (i, j)),
        out_shape=jax.ShapeDtypeStruct((N, 3 * D), jnp.float32),
    )(x2d, wi, bi3)


def _attn_body(q_ref, k_ref, v_ref, o_ref):
    q = q_ref[0]
    k = k_ref[0]
    v = v_ref[0]
    s = lax.dot_general(q, k, (((1,), (1,)), ((), ())),
                        preferred_element_type=jnp.float32) * (1.0 / 16.0)
    m = jnp.max(s, axis=-1, keepdims=True)
    p = jnp.exp(s - m)
    o = jnp.dot(p, v, preferred_element_type=jnp.float32)
    o_ref[0] = o / jnp.sum(p, axis=-1, keepdims=True)


def _attn(q, k, v):
    qt = 512
    return pl.pallas_call(
        _attn_body,
        grid=(B * H, S // qt),
        in_specs=[
            pl.BlockSpec((1, qt, HD), lambda h, i: (h, i, 0)),
            pl.BlockSpec((1, S, HD), lambda h, i: (h, 0, 0)),
            pl.BlockSpec((1, S, HD), lambda h, i: (h, 0, 0)),
        ],
        out_specs=pl.BlockSpec((1, qt, HD), lambda h, i: (h, i, 0)),
        out_shape=jax.ShapeDtypeStruct((B * H, S, HD), jnp.float32),
    )(q, k, v)


_NRT = N // RT


def _route_body(x_ref, a_ref, wo_ref, bo_ref, g_ref, b_ref, oh_ref,
                h_ref, dest_ref, te_ref, vd_ref, ohs, cntp, cnt_run):
    i = pl.program_id(0)
    j = lax.rem(i, _NRT)

    @pl.when(i == 0)
    def _():
        cnt_run[...] = jnp.zeros_like(cnt_run)

    @pl.when(i < _NRT)
    def _():
        o = lax.dot_general(a_ref[...], wo_ref[...], (((1,), (1,)), ((), ())),
                            preferred_element_type=jnp.float32) + bo_ref[...]
        s = x_ref[...] + o
        m = jnp.mean(s, axis=-1, keepdims=True)
        c = s - m
        v = jnp.mean(c * c, axis=-1, keepdims=True)
        h = c * lax.rsqrt(v + 1e-5) * g_ref[...] + b_ref[...]
        h_ref[...] = h
        oh = oh_ref[...]
        ohs[j] = oh
        cntp[j] = cnt_run[...]
        cnt_run[...] = cnt_run[...] + jnp.sum(oh, axis=0, keepdims=True)

    @pl.when(i >= _NRT)
    def _():
        cnt = cnt_run[...]
        ntiles = jnp.floor((cnt + (TT - 1)) * (1.0 / TT))
        strict_lo = (lax.broadcasted_iota(jnp.int32, (E, E), 0)
                     < lax.broadcasted_iota(jnp.int32, (E, E), 1)) \
            .astype(jnp.float32)
        start = jnp.dot(ntiles, strict_lo,
                        preferred_element_type=jnp.float32)
        pad_off = start * float(TT)
        oh = ohs[j]
        tril = (lax.broadcasted_iota(jnp.int32, (RT, RT), 1)
                < lax.broadcasted_iota(jnp.int32, (RT, RT), 0)) \
            .astype(jnp.float32)
        excl = jnp.dot(tril, oh, preferred_element_type=jnp.float32)
        rank = jnp.sum(oh * (excl + cntp[j]), axis=1, keepdims=True)
        dest = rank + jnp.sum(oh * pad_off, axis=1, keepdims=True)
        dest_ref[...] = dest.astype(jnp.int32)
        total = jnp.sum(ntiles)
        t_iota = lax.broadcasted_iota(jnp.int32, (GT, 1), 0) \
            .astype(jnp.float32)
        t_eff = jnp.minimum(t_iota, total - 1.0)
        te = jnp.sum((t_eff >= start).astype(jnp.float32), axis=1,
                     keepdims=True) - 1.0
        te_ref[...] = te.astype(jnp.int32)
        vd_ref[...] = (t_iota < total).astype(jnp.int32)


def _route(x2d, a2d, wo, bo, g1, b1, oh):
    in_idx = lambda i: (jnp.where(i < _NRT, i, 0), 0)
    const_idx = lambda i: (0, 0)
    return pl.pallas_call(
        _route_body,
        grid=(2 * _NRT,),
        in_specs=[
            pl.BlockSpec((RT, D), in_idx),
            pl.BlockSpec((RT, D), in_idx),
            pl.BlockSpec((D, D), const_idx),
            pl.BlockSpec((1, D), const_idx),
            pl.BlockSpec((1, D), const_idx),
            pl.BlockSpec((1, D), const_idx),
            pl.BlockSpec((RT, E), in_idx),
        ],
        out_specs=[
            pl.BlockSpec((RT, D), lambda i: (jnp.where(i < _NRT, i, _NRT - 1),
                                             0)),
            pl.BlockSpec((RT, 1), lambda i: (jnp.where(i < _NRT, 0, i - _NRT),
                                             0)),
            pl.BlockSpec((GT, 1), const_idx),
            pl.BlockSpec((GT, 1), const_idx),
        ],
        out_shape=[
            jax.ShapeDtypeStruct((N, D), jnp.float32),
            jax.ShapeDtypeStruct((N, 1), jnp.int32),
            jax.ShapeDtypeStruct((GT, 1), jnp.int32),
            jax.ShapeDtypeStruct((GT, 1), jnp.int32),
        ],
        scratch_shapes=[
            pltpu.VMEM((_NRT, RT, E), jnp.float32),
            pltpu.VMEM((_NRT, 1, E), jnp.float32),
            pltpu.VMEM((1, E), jnp.float32),
        ],
    )(x2d, a2d, wo, bo, g1, b1, oh)


_NW = 32
_CH = 64


def _sc_mesh():
    return plsc.VectorSubcoreMesh(core_axis_name="c", subcore_axis_name="s")


def _sc_scatter(h2d, dest1, tokid):
    ntk = N // 16
    nsl = NP // _NW
    nz = NP // 16

    @functools.partial(
        pl.kernel, mesh=_sc_mesh(),
        out_type=jax.ShapeDtypeStruct((NP, D), jnp.float32),
        scratch_types=[
            pltpu.VMEM((nz,), jnp.int32),
            pltpu.VMEM((2, 128), jnp.int32),
            pltpu.VMEM((2, 128), jnp.int32),
            pltpu.VMEM((nsl // _CH, _CH), jnp.int32),
            pltpu.VMEM((_CH, D), jnp.float32),
            pltpu.VMEM_SHARED((NP,), jnp.int32),
            pltpu.SemaphoreType.DMA,
        ],
    )
    def body(h_hbm, dest_hbm, tok_hbm, xs_hbm, zbuf, idx_v, val_v, srcv,
             rows_v, src_sh, sem):
        sid = lax.axis_index("s")
        wid = sid * 2 + lax.axis_index("c")
        for k in range(nz // 16):
            zbuf[pl.ds(k * 16, 16)] = jnp.zeros((16,), jnp.int32)
        pltpu.sync_copy(zbuf, src_sh.at[pl.ds(sid * nz, nz)])
        plsc.subcore_barrier()
        t0 = sid * ntk
        for c in range(ntk // 128):
            pltpu.sync_copy(dest_hbm.at[pl.ds(t0 + 128 * c, 128)],
                            idx_v.at[c])
            pltpu.sync_copy(tok_hbm.at[pl.ds(t0 + 128 * c, 128)],
                            val_v.at[c])
            pltpu.sync_copy(val_v.at[c], src_sh.at[idx_v.at[c]])
        plsc.subcore_barrier()
        p0 = wid * nsl
        for c in range(nsl // _CH):
            pltpu.sync_copy(src_sh.at[pl.ds(p0 + _CH * c, _CH)], srcv.at[c])
            pltpu.async_copy(h_hbm.at[srcv.at[c]], rows_v, sem).wait()
            pltpu.sync_copy(rows_v, xs_hbm.at[pl.ds(p0 + _CH * c, _CH)])

    return body(h2d, dest1, tokid)


def _ffn_body(te_ref, vd_ref, x_ref, w1_ref, b1_ref, w2_ref, b2_ref, y_ref,
              acc):
    t = pl.program_id(0)
    f = pl.program_id(1)

    @pl.when(vd_ref[t] == 1)
    def _():
        h1 = jax.nn.relu(
            jnp.dot(x_ref[...], w1_ref[0], preferred_element_type=jnp.float32)
            + b1_ref[0, 0])
        part = jnp.dot(h1, w2_ref[0], preferred_element_type=jnp.float32)

        @pl.when(f == 0)
        def _():
            acc[...] = part

        @pl.when(f > 0)
        def _():
            acc[...] = acc[...] + part

        @pl.when(f == FF // D - 1)
        def _():
            y_ref[...] = acc[...] + b2_ref[0]


def _ffn(te, vd, xs, w1, b1, w2, b2):
    nf = FF // D
    grid_spec = pltpu.PrefetchScalarGridSpec(
        num_scalar_prefetch=2,
        grid=(GT, nf),
        in_specs=[
            pl.BlockSpec((TT, D), lambda t, f, te, vd: (t * vd[t], 0)),
            pl.BlockSpec((1, D, D), lambda t, f, te, vd: (te[t], 0, f * vd[t])),
            pl.BlockSpec((1, 1, 1, D),
                         lambda t, f, te, vd: (te[t], f * vd[t], 0, 0)),
            pl.BlockSpec((1, D, D), lambda t, f, te, vd: (te[t], f * vd[t], 0)),
            pl.BlockSpec((1, 1, D), lambda t, f, te, vd: (te[t], 0, 0)),
        ],
        out_specs=pl.BlockSpec((TT, D), lambda t, f, te, vd: (t, 0)),
        scratch_shapes=[pltpu.VMEM((TT, D), jnp.float32)],
    )
    return pl.pallas_call(
        _ffn_body,
        grid_spec=grid_spec,
        out_shape=jax.ShapeDtypeStruct((NP, D), jnp.float32),
    )(te, vd, xs, w1, b1, w2, b2)


def _sc_gather(ys, dest1):
    @functools.partial(
        pl.kernel, mesh=_sc_mesh(),
        out_type=jax.ShapeDtypeStruct((N, D), jnp.float32),
        scratch_types=[
            pltpu.VMEM((_CH,), jnp.int32),
            pltpu.VMEM((_CH, D), jnp.float32),
            pltpu.SemaphoreType.DMA,
        ],
    )
    def body(ys_hbm, dest_hbm, out_hbm, idx_v, rows_v, sem):
        wid = lax.axis_index("s") * 2 + lax.axis_index("c")
        base = wid * (N // _NW)
        for c in range(N // _NW // _CH):
            off = base + c * _CH
            pltpu.sync_copy(dest_hbm.at[pl.ds(off, _CH)], idx_v)
            pltpu.async_copy(ys_hbm.at[idx_v], rows_v, sem).wait()
            pltpu.sync_copy(rows_v, out_hbm.at[pl.ds(off, _CH)])

    return body(ys, dest1)


def _ln2_body(h_ref, y_ref, g_ref, b_ref, o_ref):
    s = h_ref[...] + y_ref[...]
    m = jnp.mean(s, axis=-1, keepdims=True)
    c = s - m
    v = jnp.mean(c * c, axis=-1, keepdims=True)
    o_ref[...] = c * lax.rsqrt(v + 1e-5) * g_ref[...] + b_ref[...]


def _ln2(h2d, ytok, g2, b2):
    return pl.pallas_call(
        _ln2_body,
        grid=(N // RT,),
        in_specs=[
            pl.BlockSpec((RT, D), lambda i: (i, 0)),
            pl.BlockSpec((RT, D), lambda i: (i, 0)),
            pl.BlockSpec((1, D), lambda i: (0, 0)),
            pl.BlockSpec((1, D), lambda i: (0, 0)),
        ],
        out_specs=pl.BlockSpec((RT, D), lambda i: (i, 0)),
        out_shape=jax.ShapeDtypeStruct((N, D), jnp.float32),
    )(h2d, ytok, g2, b2)


def _router_onehot(x, in_proj_w, in_proj_b, out_proj_w, out_proj_b,
                   ln1_g, ln1_b, gate_w, gate_b):
    s, b, d = x.shape
    qkv = x @ in_proj_w.T + in_proj_b
    q, k, v = jnp.split(qkv, 3, axis=-1)

    def hd(t):
        return t.reshape(s, b, H, HD).transpose(1, 2, 0, 3)

    q, k, v = hd(q), hd(k), hd(v)
    att = jax.nn.softmax(
        jnp.einsum('bhqd,bhkd->bhqk', q, k) / (HD ** 0.5), axis=-1)
    o = jnp.einsum('bhqk,bhkd->bhqd', att, v).transpose(2, 0, 1, 3) \
        .reshape(s, b, d)
    o = o @ out_proj_w.T + out_proj_b
    m = jnp.mean(x + o, axis=-1, keepdims=True)
    c = x + o - m
    vv = jnp.mean(c * c, axis=-1, keepdims=True)
    h = c / jnp.sqrt(vv + 1e-5) * ln1_g + ln1_b
    logits = h.reshape(-1, D) @ gate_w + gate_b
    assign = jnp.argmax(logits, axis=-1)
    return jax.nn.one_hot(assign, E, dtype=jnp.float32)


def kernel(x, in_proj_w, in_proj_b, out_proj_w, out_proj_b, ln1_g, ln1_b,
           ln2_g, ln2_b, gate_w, gate_b, w1, b1, w2, b2):
    x2d = x.reshape(N, D)
    oh = _router_onehot(x, in_proj_w, in_proj_b, out_proj_w, out_proj_b,
                        ln1_g, ln1_b, gate_w, gate_b)
    qkv = _qkv(x2d, in_proj_w, in_proj_b.reshape(3, 1, D))
    qkv_t = qkv.reshape(S, B, 3, H, HD).transpose(2, 1, 3, 0, 4) \
        .reshape(3, B * H, S, HD)
    o = _attn(qkv_t[0], qkv_t[1], qkv_t[2])
    a2d = o.reshape(B, H, S, HD).transpose(2, 0, 1, 3).reshape(N, D)
    h2d, dest, te, vd = _route(x2d, a2d, out_proj_w, out_proj_b.reshape(1, D),
                               ln1_g.reshape(1, D), ln1_b.reshape(1, D), oh)
    dest1 = dest.reshape(N)
    xs = _sc_scatter(h2d, dest1, jnp.arange(N, dtype=jnp.int32))
    ys = _ffn(te.reshape(GT), vd.reshape(GT), xs, w1,
              b1.reshape(E, FF // D, 1, D), w2, b2.reshape(E, 1, D))
    ytok = _sc_gather(ys, dest1)
    out = _ln2(h2d, ytok, ln2_g.reshape(1, D), ln2_b.reshape(1, D))
    return out.reshape(S, B, D)

# --- scband reference (transcript-rebuilt; emitter-appended) ---
"""Pipeline reference for scband-naive-switch-transformer-encoder-layer-80814104642412 (READ-ONLY COPY).

The authoritative reference and input builder live on the scoring server;
editing this copy changes nothing except your own understanding.
"""

import jax, jax.numpy as jnp
import numpy as np

S, B, D, H, HD = 2048, 2, 1024, 4, 256
E, FF = 32, 4096


def layer_norm(x, g, b, eps=1e-5):
    m = jnp.mean(x, axis=-1, keepdims=True)
    v = jnp.mean((x - m) ** 2, axis=-1, keepdims=True)
    return (x - m) / jnp.sqrt(v + eps) * g + b


def mha(x, wi, bi, wo, bo):
    s, b, d = x.shape
    qkv = x @ wi.T + bi
    q, k, v = jnp.split(qkv, 3, axis=-1)
    def hd(t):
        return t.reshape(s, b, H, HD).transpose(1, 2, 0, 3)
    q, k, v = hd(q), hd(k), hd(v)
    att = jax.nn.softmax(jnp.einsum('bhqd,bhkd->bhqk', q, k) / np.sqrt(HD), axis=-1)
    o = jnp.einsum('bhqk,bhkd->bhqd', att, v).transpose(2, 0, 1, 3).reshape(s, b, d)
    return o @ wo.T + bo


def setup_inputs(seed: int = 0):
    key = jax.random.key(seed)
    ks = jax.random.split(key, 8)
    sc = 0.02
    return {
        'x': jax.random.normal(ks[0], (S, B, D), jnp.float32),
        'in_proj_w': jax.random.normal(ks[1], (3 * D, D), jnp.float32) * sc,
        'in_proj_b': jnp.zeros((3 * D,), jnp.float32),
        'out_proj_w': jax.random.normal(ks[2], (D, D), jnp.float32) * sc,
        'out_proj_b': jnp.zeros((D,), jnp.float32),
        'ln1_g': jnp.ones((D,), jnp.float32),
        'ln1_b': jnp.zeros((D,), jnp.float32),
        'ln2_g': jnp.ones((D,), jnp.float32),
        'ln2_b': jnp.zeros((D,), jnp.float32),
        'gate_w': jax.random.normal(ks[3], (D, E), jnp.float32) * sc,
        'gate_b': jnp.zeros((E,), jnp.float32),
        'w1': jax.random.normal(ks[4], (E, D, FF), jnp.float32) * sc,
        'b1': jnp.zeros((E, FF), jnp.float32),
        'w2': jax.random.normal(ks[5], (E, FF, D), jnp.float32) * sc,
        'b2': jnp.zeros((E, D), jnp.float32),
    }


def reference(x, in_proj_w, in_proj_b, out_proj_w, out_proj_b, ln1_g, ln1_b, ln2_g, ln2_b, gate_w, gate_b, w1, b1, w2, b2):
    # _sa_block (dropout inactive in eval) + residual + norm1
    h = layer_norm(x + mha(x, in_proj_w, in_proj_b, out_proj_w, out_proj_b), ln1_g, ln1_b)
    # FMoE top-1 switch routing over E=32 experts
    tok = h.reshape(-1, D)
    logits = tok @ gate_w + gate_b
    assign = jnp.argmax(logits, axis=-1)
    top_val = jnp.take_along_axis(logits, assign[:, None], axis=1)
    score = jax.nn.softmax(top_val, axis=1)[:, 0]  # top_k=1 -> softmax over 1 element = 1.0
    y = jnp.zeros_like(tok)
    for e in range(E):
        mask = (assign == e)[:, None]
        ye = jax.nn.relu(tok @ w1[e] + b1[e]) @ w2[e] + b2[e]
        y = jnp.where(mask, ye * score[:, None], y)
    out = layer_norm(h + y.reshape(h.shape), ln2_g, ln2_b)
    return out

if __name__ == "__main__":
    import jax
    _d = setup_inputs()
    print(jax.jit(kernel)(*tuple(_d.values())))

</pallas_src>

<mosaic_0001>
#map = affine_map<(d0, d1) -> (0, 0)>
#map1 = affine_map<(d0, d1) -> (0)>
module attributes {stable_mosaic.version = 14 : i64} {
  func.func @body(%arg0: i32, %arg1: i32, %arg2: memref<4096x1024xf32, #tpu.memory_space<hbm>>, %arg3: memref<4096xi32, #tpu.memory_space<hbm>>, %arg4: memref<4096xi32, #tpu.memory_space<hbm>>, %arg5: memref<12288x1024xf32, #tpu.memory_space<hbm>>, %arg6: memref<768xi32, #tpu.memory_space<vmem>>, %arg7: memref<2x128xi32, #tpu.memory_space<vmem>>, %arg8: memref<2x128xi32, #tpu.memory_space<vmem>>, %arg9: memref<6x64xi32, #tpu.memory_space<vmem>>, %arg10: memref<64x1024xf32, #tpu.memory_space<vmem>>, %arg11: memref<12288xi32, #tpu.memory_space<vmem_shared>>, %arg12: memref<!tpu.dma_semaphore, #tpu.memory_space<semaphore_mem>>) attributes {dimension_semantics = [#tpu.dimension_semantics<core_parallel>, #tpu.dimension_semantics<subcore_parallel>], iteration_bounds = array<i64: 2, 16>, scalar_prefetch = 0 : i64, scratch_operands = 7 : i64, tpu.core_type = #tpu.core_type<sc_vector_subcore>, window_params = [{transform_indices = #map}, {transform_indices = #map1}, {transform_indices = #map1}, {transform_indices = #map}]} {
    %mul3A = arith.constant 2 : i32
    %mul3A_0 = arith.muli %arg1, %mul3A : i32
    %add3A = arith.addi %mul3A_0, %arg0 : i32
    %broadcast_in_dim3A = arith.constant 0 : i32
    %broadcast_in_dim3A_1 = vector.broadcast %broadcast_in_dim3A : i32 to vector<16xi32>
    %swap3A = arith.constant 0 : index
    %swap3A_2 = tpu.vector_load %arg6[%swap3A] {strides = array<i32>} : memref<768xi32, #tpu.memory_space<vmem>>, vector<16xi32>,
    %swap3A_3 = vector.shape_cast %swap3A_2 : vector<16xi32> to vector<16xi32>
    %swap3A_4 = vector.shape_cast %broadcast_in_dim3A_1 : vector<16xi32> to vector<16xi32>
    tpu.vector_store %arg6[%swap3A], %swap3A_4 {strides = array<i32>} : memref<768xi32, #tpu.memory_space<vmem>>, vector<16xi32>,
    %broadcast_in_dim3A_5 = arith.constant 0 : i32
    %broadcast_in_dim3A_6 = vector.broadcast %broadcast_in_dim3A_5 : i32 to vector<16xi32>
    %swap3A_7 = arith.constant 16 : index
    %swap3A_8 = tpu.vector_load %arg6[%swap3A_7] {strides = array<i32>} : memref<768xi32, #tpu.memory_space<vmem>>, vector<16xi32>,
    %swap3A_9 = vector.shape_cast %swap3A_8 : vector<16xi32> to vector<16xi32>
    %swap3A_10 = vector.shape_cast %broadcast_in_dim3A_6 : vector<16xi32> to vector<16xi32>
    tpu.vector_store %arg6[%swap3A_7], %swap3A_10 {strides = array<i32>} : memref<768xi32, #tpu.memory_space<vmem>>, vector<16xi32>,
    %broadcast_in_dim3A_11 = arith.constant 0 : i32
    %broadcast_in_dim3A_12 = vector.broadcast %broadcast_in_dim3A_11 : i32 to vector<16xi32>
    %swap3A_13 = arith.constant 32 : index
    %swap3A_14 = tpu.vector_load %arg6[%swap3A_13] {strides = array<i32>} : memref<768xi32, #tpu.memory_space<vmem>>, vector<16xi32>,
    %swap3A_15 = vector.shape_cast %swap3A_14 : vector<16xi32> to vector<16xi32>
    %swap3A_16 = vector.shape_cast %broadcast_in_dim3A_12 : vector<16xi32> to vector<16xi32>
    tpu.vector_store %arg6[%swap3A_13], %swap3A_16 {strides = array<i32>} : memref<768xi32, #tpu.memory_space<vmem>>, vector<16xi32>,
    %broadcast_in_dim3A_17 = arith.constant 0 : i32
    %broadcast_in_dim3A_18 = vector.broadcast %broadcast_in_dim3A_17 : i32 to vector<16xi32>
    %swap3A_19 = arith.constant 48 : index
    %swap3A_20 = tpu.vector_load %arg6[%swap3A_19] {strides = array<i32>} : memref<768xi32, #tpu.memory_space<vmem>>, vector<16xi32>,
    %swap3A_21 = vector.shape_cast %swap3A_20 : vector<16xi32> to vector<16xi32>
    %swap3A_22 = vector.shape_cast %broadcast_in_dim3A_18 : vector<16xi32> to vector<16xi32>
    tpu.vector_store %arg6[%swap3A_19], %swap3A_22 {strides = array<i32>} : memref<768xi32, #tpu.memory_space<vmem>>, vector<16xi32>,
    %broadcast_in_dim3A_23 = arith.constant 0 : i32
    %broadcast_in_dim3A_24 = vector.broadcast %broadcast_in_dim3A_23 : i32 to vector<16xi32>
    %swap3A_25 = arith.constant 64 : index
    %swap3A_26 = tpu.vector_load %arg6[%swap3A_25] {strides = array<i32>} : memref<768xi32, #tpu.memory_space<vmem>>, vector<16xi32>,
    %swap3A_27 = vector.shape_cast %swap3A_26 : vector<16xi32> to vector<16xi32>
    %swap3A_28 = vector.shape_cast %broadcast_in_dim3A_24 : vector<16xi32> to vector<16xi32>
    tpu.vector_store %arg6[%swap3A_25], %swap3A_28 {strides = array<i32>} : memref<768xi32, #tpu.memory_space<vmem>>, vector<16xi32>,
    %broadcast_in_dim3A_29 = arith.constant 0 : i32
    %broadcast_in_dim3A_30 = vector.broadcast %broadcast_in_dim3A_29 : i32 to vector<16xi32>
    %swap3A_31 = arith.constant 80 : index
    %swap3A_32 = tpu.vector_load %arg6[%swap3A_31] {strides = array<i32>} : memref<768xi32, #tpu.memory_space<vmem>>, vector<16xi32>,
    %swap3A_33 = vector.shape_cast %swap3A_32 : vector<16xi32> to vector<16xi32>
    %swap3A_34 = vector.shape_cast %broadcast_in_dim3A_30 : vector<16xi32> to vector<16xi32>
    tpu.vector_store %arg6[%swap3A_31], %swap3A_34 {strides = array<i32>} : memref<768xi32, #tpu.memory_space<vmem>>, vector<16xi32>,
    %broadcast_in_dim3A_35 = arith.constant 0 : i32
    %broadcast_in_dim3A_36 = vector.broadcast %broadcast_in_dim3A_35 : i32 to vector<16xi32>
    %swap3A_37 = arith.constant 96 : index
    %swap3A_38 = tpu.vector_load %arg6[%swap3A_37] {strides = array<i32>} : memref<768xi32, #tpu.memory_space<vmem>>, vector<16xi32>,
    %swap3A_39 = vector.shape_cast %swap3A_38 : vector<16xi32> to vector<16xi32>
    %swap3A_40 = vector.shape_cast %broadcast_in_dim3A_36 : vector<16xi32> to vector<16xi32>
    tpu.vector_store %arg6[%swap3A_37], %swap3A_40 {strides = array<i32>} : memref<768xi32, #tpu.memory_space<vmem>>, vector<16xi32>,
    %broadcast_in_dim3A_41 = arith.constant 0 : i32
    %broadcast_in_dim3A_42 = vector.broadcast %broadcast_in_dim3A_41 : i32 to vector<16xi32>
    %swap3A_43 = arith.constant 112 : index
    %swap3A_44 = tpu.vector_load %arg6[%swap3A_43] {strides = array<i32>} : memref<768xi32, #tpu.memory_space<vmem>>, vector<16xi32>,
    %swap3A_45 = vector.shape_cast %swap3A_44 : vector<16xi32> to vector<16xi32>
    %swap3A_46 = vector.shape_cast %broadcast_in_dim3A_42 : vector<16xi32> to vector<16xi32>
    tpu.vector_store %arg6[%swap3A_43], %swap3A_46 {strides = array<i32>} : memref<768xi32, #tpu.memory_space<vmem>>, vector<16xi32>,
    %broadcast_in_dim3A_47 = arith.constant 0 : i32
    %broadcast_in_dim3A_48 = vector.broadcast %broadcast_in_dim3A_47 : i32 to vector<16xi32>
    %swap3A_49 = arith.constant 128 : index
    %swap3A_50 = tpu.vector_load %arg6[%swap3A_49] {strides = array<i32>} : memref<768xi32, #tpu.memory_space<vmem>>, vector<16xi32>,
    %swap3A_51 = vector.shape_cast %swap3A_50 : vector<16xi32> to vector<16xi32>
    %swap3A_52 = vector.shape_cast %broadcast_in_dim3A_48 : vector<16xi32> to vector<16xi32>
    tpu.vector_store %arg6[%swap3A_49], %swap3A_52 {strides = array<i32>} : memref<768xi32, #tpu.memory_space<vmem>>, vector<16xi32>,
    %broadcast_in_dim3A_53 = arith.constant 0 : i32
    %broadcast_in_dim3A_54 = vector.broadcast %broadcast_in_dim3A_53 : i32 to vector<16xi32>
    %swap3A_55 = arith.constant 144 : index
    %swap3A_56 = tpu.vector_load %arg6[%swap3A_55] {strides = array<i32>} : memref<768xi32, #tpu.memory_space<vmem>>, vector<16xi32>,
    %swap3A_57 = vector.shape_cast %swap3A_56 : vector<16xi32> to vector<16xi32>
    %swap3A_58 = vector.shape_cast %broadcast_in_dim3A_54 : vector<16xi32> to vector<16xi32>
    tpu.vector_store %arg6[%swap3A_55], %swap3A_58 {strides = array<i32>} : memref<768xi32, #tpu.memory_space<vmem>>, vector<16xi32>,
    %broadcast_in_dim3A_59 = arith.constant 0 : i32
    %broadcast_in_dim3A_60 = vector.broadcast %broadcast_in_dim3A_59 : i32 to vector<16xi32>
    %swap3A_61 = arith.constant 160 : index
    %swap3A_62 = tpu.vector_load %arg6[%swap3A_61] {strides = array<i32>} : memref<768xi32, #tpu.memory_space<vmem>>, vector<16xi32>,
    %swap3A_63 = vector.shape_cast %swap3A_62 : vector<16xi32> to vector<16xi32>
    %swap3A_64 = vector.shape_cast %broadcast_in_dim3A_60 : vector<16xi32> to vector<16xi32>
    tpu.vector_store %arg6[%swap3A_61], %swap3A_64 {strides = array<i32>} : memref<768xi32, #tpu.memory_space<vmem>>, vector<16xi32>,
    %broadcast_in_dim3A_65 = arith.constant 0 : i32
    %broadcast_in_dim3A_66 = vector.broadcast %broadcast_in_dim3A_65 : i32 to vector<16xi32>
    %swap3A_67 = arith.constant 176 : index
    %swap3A_68 = tpu.vector_load %arg6[%swap3A_67] {strides = array<i32>} : memref<768xi32, #tpu.memory_space<vmem>>, vector<16xi32>,
    %swap3A_69 = vector.shape_cast %swap3A_68 : vector<16xi32> to vector<16xi32>
    %swap3A_70 = vector.shape_cast %broadcast_in_dim3A_66 : vector<16xi32> to vector<16xi32>
    tpu.vector_store %arg6[%swap3A_67], %swap3A_70 {strides = array<i32>} : memref<768xi32, #tpu.memory_space<vmem>>, vector<16xi32>,
    %broadcast_in_dim3A_71 = arith.constant 0 : i32
    %broadcast_in_dim3A_72 = vector.broadcast %broadcast_in_dim3A_71 : i32 to vector<16xi32>
    %swap3A_73 = arith.constant 192 : index
    %swap3A_74 = tpu.vector_load %arg6[%swap3A_73] {strides = array<i32>} : memref<768xi32, #tpu.memory_space<vmem>>, vector<16xi32>,
    %swap3A_75 = vector.shape_cast %swap3A_74 : vector<16xi32> to vector<16xi32>
    %swap3A_76 = vector.shape_cast %broadcast_in_dim3A_72 : vector<16xi32> to vector<16xi32>
    tpu.vector_store %arg6[%swap3A_73], %swap3A_76 {strides = array<i32>} : memref<768xi32, #tpu.memory_space<vmem>>, vector<16xi32>,
    %broadcast_in_dim3A_77 = arith.constant 0 : i32
    %broadcast_in_dim3A_78 = vector.broadcast %broadcast_in_dim3A_77 : i32 to vector<16xi32>
    %swap3A_79 = arith.constant 208 : index
    %swap3A_80 = tpu.vector_load %arg6[%swap3A_79] {strides = array<i32>} : memref<768xi32, #tpu.memory_space<vmem>>, vector<16xi32>,
    %swap3A_81 = vector.shape_cast %swap3A_80 : vector<16xi32> to vector<16xi32>
    %swap3A_82 = vector.shape_cast %broadcast_in_dim3A_78 : vector<16xi32> to vector<16xi32>
    tpu.vector_store %arg6[%swap3A_79], %swap3A_82 {strides = array<i32>} : memref<768xi32, #tpu.memory_space<vmem>>, vector<16xi32>,
    %broadcast_in_dim3A_83 = arith.constant 0 : i32
    %broadcast_in_dim3A_84 = vector.broadcast %broadcast_in_dim3A_83 : i32 to vector<16xi32>
    %swap3A_85 = arith.constant 224 : index
    %swap3A_86 = tpu.vector_load %arg6[%swap3A_85] {strides = array<i32>} : memref<768xi32, #tpu.memory_space<vmem>>, vector<16xi32>,
    %swap3A_87 = vector.shape_cast %swap3A_86 : vector<16xi32> to vector<16xi32>
    %swap3A_88 = vector.shape_cast %broadcast_in_dim3A_84 : vector<16xi32> to vector<16xi32>
    tpu.vector_store %arg6[%swap3A_85], %swap3A_88 {strides = array<i32>} : memref<768xi32, #tpu.memory_space<vmem>>, vector<16xi32>,
    %broadcast_in_dim3A_89 = arith.constant 0 : i32
    %broadcast_in_dim3A_90 = vector.broadcast %broadcast_in_dim3A_89 : i32 to vector<16xi32>
    %swap3A_91 = arith.constant 240 : index
    %swap3A_92 = tpu.vector_load %arg6[%swap3A_91] {strides = array<i32>} : memref<768xi32, #tpu.memory_space<vmem>>, vector<16xi32>,
    %swap3A_93 = vector.shape_cast %swap3A_92 : vector<16xi32> to vector<16xi32>
    %swap3A_94 = vector.shape_cast %broadcast_in_dim3A_90 : vector<16xi32> to vector<16xi32>
    tpu.vector_store %arg6[%swap3A_91], %swap3A_94 {strides = array<i32>} : memref<768xi32, #tpu.memory_space<vmem>>, vector<16xi32>,
    %broadcast_in_dim3A_95 = arith.constant 0 : i32
    %broadcast_in_dim3A_96 = vector.broadcast %broadcast_in_dim3A_95 : i32 to vector<16xi32>
    %swap3A_97 = arith.constant 256 : index
    %swap3A_98 = tpu.vector_load %arg6[%swap3A_97] {strides = array<i32>} : memref<768xi32, #tpu.memory_space<vmem>>, vector<16xi32>,
    %swap3A_99 = vector.shape_cast %swap3A_98 : vector<16xi32> to vector<16xi32>
    %swap3A_100 = vector.shape_cast %broadcast_in_dim3A_96 : vector<16xi32> to vector<16xi32>
    tpu.vector_store %arg6[%swap3A_97], %swap3A_100 {strides = array<i32>} : memref<768xi32, #tpu.memory_space<vmem>>, vector<16xi32>,
    %broadcast_in_dim3A_101 = arith.constant 0 : i32
    %broadcast_in_dim3A_102 = vector.broadcast %broadcast_in_dim3A_101 : i32 to vector<16xi32>
    %swap3A_103 = arith.constant 272 : index
    %swap3A_104 = tpu.vector_load %arg6[%swap3A_103] {strides = array<i32>} : memref<768xi32, #tpu.memory_space<vmem>>, vector<16xi32>,
    %swap3A_105 = vector.shape_cast %swap3A_104 : vector<16xi32> to vector<16xi32>
    %swap3A_106 = vector.shape_cast %broadcast_in_dim3A_102 : vector<16xi32> to vector<16xi32>
    tpu.vector_store %arg6[%swap3A_103], %swap3A_106 {strides = array<i32>} : memref<768xi32, #tpu.memory_space<vmem>>, vector<16xi32>,
    %broadcast_in_dim3A_107 = arith.constant 0 : i32
    %broadcast_in_dim3A_108 = vector.broadcast %broadcast_in_dim3A_107 : i32 to vector<16xi32>
    %swap3A_109 = arith.constant 288 : index
    %swap3A_110 = tpu.vector_load %arg6[%swap3A_109] {strides = array<i32>} : memref<768xi32, #tpu.memory_space<vmem>>, vector<16xi32>,
    %swap3A_111 = vector.shape_cast %swap3A_110 : vector<16xi32> to vector<16xi32>
    %swap3A_112 = vector.shape_cast %broadcast_in_dim3A_108 : vector<16xi32> to vector<16xi32>
    tpu.vector_store %arg6[%swap3A_109], %swap3A_112 {strides = array<i32>} : memref<768xi32, #tpu.memory_space<vmem>>, vector<16xi32>,
    %broadcast_in_dim3A_113 = arith.constant 0 : i32
    %broadcast_in_dim3A_114 = vector.broadcast %broadcast_in_dim3A_113 : i32 to vector<16xi32>
    %swap3A_115 = arith.constant 304 : index
    %swap3A_116 = tpu.vector_load %arg6[%swap3A_115] {strides = array<i32>} : memref<768xi32, #tpu.memory_space<vmem>>, vector<16xi32>,
    %swap3A_117 = vector.shape_cast %swap3A_116 : vector<16xi32> to vector<16xi32>
    %swap3A_118 = vector.shape_cast %broadcast_in_dim3A_114 : vector<16xi32> to vector<16xi32>
    tpu.vector_store %arg6[%swap3A_115], %swap3A_118 {strides = array<i32>} : memref<768xi32, #tpu.memory_space<vmem>>, vector<16xi32>,
    %broadcast_in_dim3A_119 = arith.constant 0 : i32
    %broadcast_in_dim3A_120 = vector.broadcast %broadcast_in_dim3A_119 : i32 to vector<16xi32>
    %swap3A_121 = arith.constant 320 : index
    %swap3A_122 = tpu.vector_load %arg6[%swap3A_121] {strides = array<i32>} : memref<768xi32, #tpu.memory_space<vmem>>, vector<16xi32>,
    %swap3A_123 = vector.shape_cast %swap3A_122 : vector<16xi32> to vector<16xi32>
    %swap3A_124 = vector.shape_cast %broadcast_in_dim3A_120 : vector<16xi32> to vector<16xi32>
    tpu.vector_store %arg6[%swap3A_121], %swap3A_124 {strides = array<i32>} : memref<768xi32, #tpu.memory_space<vmem>>, vector<16xi32>,
    %broadcast_in_dim3A_125 = arith.constant 0 : i32
    %broadcast_in_dim3A_126 = vector.broadcast %broadcast_in_dim3A_125 : i32 to vector<16xi32>
    %swap3A_127 = arith.constant 336 : index
    %swap3A_128 = tpu.vector_load %arg6[%swap3A_127] {strides = array<i32>} : memref<768xi32, #tpu.memory_space<vmem>>, vector<16xi32>,
    %swap3A_129 = vector.shape_cast %swap3A_128 : vector<16xi32> to vector<16xi32>
    %swap3A_130 = vector.shape_cast %broadcast_in_dim3A_126 : vector<16xi32> to vector<16xi32>
    tpu.vector_store %arg6[%swap3A_127], %swap3A_130 {strides = array<i32>} : memref<768xi32, #tpu.memory_space<vmem>>, vector<16xi32>,
    %broadcast_in_dim3A_131 = arith.constant 0 : i32
    %broadcast_in_dim3A_132 = vector.broadcast %broadcast_in_dim3A_131 : i32 to vector<16xi32>
    %swap3A_133 = arith.constant 352 : index
    %swap3A_134 = tpu.vector_load %arg6[%swap3A_133] {strides = array<i32>} : memref<768xi32, #tpu.memory_space<vmem>>, vector<16xi32>,
    %swap3A_135 = vector.shape_cast %swap3A_134 : vector<16xi32> to vector<16xi32>
    %swap3A_136 = vector.shape_cast %broadcast_in_dim3A_132 : vector<16xi32> to vector<16xi32>
    tpu.vector_store %arg6[%swap3A_133], %swap3A_136 {strides = array<i32>} : memref<768xi32, #tpu.memory_space<vmem>>, vector<16xi32>,
    %broadcast_in_dim3A_137 = arith.constant 0 : i32
    %broadcast_in_dim3A_138 = vector.broadcast %broadcast_in_dim3A_137 : i32 to vector<16xi32>
    %swap3A_139 = arith.constant 368 : index
    %swap3A_140 = tpu.vector_load %arg6[%swap3A_139] {strides = array<i32>} : memref<768xi32, #tpu.memory_space<vmem>>, vector<16xi32>,
    %swap3A_141 = vector.shape_cast %swap3A_140 : vector<16xi32> to vector<16xi32>
    %swap3A_142 = vector.shape_cast %broadcast_in_dim3A_138 : vector<16xi32> to vector<16xi32>
    tpu.vector_store %arg6[%swap3A_139], %swap3A_142 {strides = array<i32>} : memref<768xi32, #tpu.memory_space<vmem>>, vector<16xi32>,
    %broadcast_in_dim3A_143 = arith.constant 0 : i32
    %broadcast_in_dim3A_144 = vector.broadcast %broadcast_in_dim3A_143 : i32 to vector<16xi32>
    %swap3A_145 = arith.constant 384 : index
    %swap3A_146 = tpu.vector_load %arg6[%swap3A_145] {strides = array<i32>} : memref<768xi32, #tpu.memory_space<vmem>>, vector<16xi32>,
    %swap3A_147 = vector.shape_cast %swap3A_146 : vector<16xi32> to vector<16xi32>
    %swap3A_148 = vector.shape_cast %broadcast_in_dim3A_144 : vector<16xi32> to vector<16xi32>
    tpu.vector_store %arg6[%swap3A_145], %swap3A_148 {strides = array<i32>} : memref<768xi32, #tpu.memory_space<vmem>>, vector<16xi32>,
    %broadcast_in_dim3A_149 = arith.constant 0 : i32
    %broadcast_in_dim3A_150 = vector.broadcast %broadcast_in_dim3A_149 : i32 to vector<16xi32>
    %swap3A_151 = arith.constant 400 : index
    %swap3A_152 = tpu.vector_load %arg6[%swap3A_151] {strides = array<i32>} : memref<768xi32, #tpu.memory_space<vmem>>, vector<16xi32>,
    %swap3A_153 = vector.shape_cast %swap3A_152 : vector<16xi32> to vector<16xi32>
    %swap3A_154 = vector.shape_cast %broadcast_in_dim3A_150 : vector<16xi32> to vector<16xi32>
    tpu.vector_store %arg6[%swap3A_151], %swap3A_154 {strides = array<i32>} : memref<768xi32, #tpu.memory_space<vmem>>, vector<16xi32>,
    %broadcast_in_dim3A_155 = arith.constant 0 : i32
    %broadcast_in_dim3A_156 = vector.broadcast %broadcast_in_dim3A_155 : i32 to vector<16xi32>
    %swap3A_157 = arith.constant 416 : index
    %swap3A_158 = tpu.vector_load %arg6[%swap3A_157] {strides = array<i32>} : memref<768xi32, #tpu.memory_space<vmem>>, vector<16xi32>,
    %swap3A_159 = vector.shape_cast %swap3A_158 : vector<16xi32> to vector<16xi32>
    %swap3A_160 = vector.shape_cast %broadcast_in_dim3A_156 : vector<16xi32> to vector<16xi32>
    tpu.vector_store %arg6[%swap3A_157], %swap3A_160 {strides = array<i32>} : memref<768xi32, #tpu.memory_space<vmem>>, vector<16xi32>,
    %broadcast_in_dim3A_161 = arith.constant 0 : i32
    %broadcast_in_dim3A_162 = vector.broadcast %broadcast_in_dim3A_161 : i32 to vector<16xi32>
    %swap3A_163 = arith.constant 432 : index
    %swap3A_164 = tpu.vector_load %arg6[%swap3A_163] {strides = array<i32>} : memref<768xi32, #tpu.memory_space<vmem>>, vector<16xi32>,
    %swap3A_165 = vector.shape_cast %swap3A_164 : vector<16xi32> to vector<16xi32>
    %swap3A_166 = vector.shape_cast %broadcast_in_dim3A_162 : vector<16xi32> to vector<16xi32>
    tpu.vector_store %arg6[%swap3A_163], %swap3A_166 {strides = array<i32>} : memref<768xi32, #tpu.memory_space<vmem>>, vector<16xi32>,
    %broadcast_in_dim3A_167 = arith.constant 0 : i32
    %broadcast_in_dim3A_168 = vector.broadcast %broadcast_in_dim3A_167 : i32 to vector<16xi32>
    %swap3A_169 = arith.constant 448 : index
    %swap3A_170 = tpu.vector_load %arg6[%swap3A_169] {strides = array<i32>} : memref<768xi32, #tpu.memory_space<vmem>>, vector<16xi32>,
    %swap3A_171 = vector.shape_cast %swap3A_170 : vector<16xi32> to vector<16xi32>
    %swap3A_172 = vector.shape_cast %broadcast_in_dim3A_168 : vector<16xi32> to vector<16xi32>
    tpu.vector_store %arg6[%swap3A_169], %swap3A_172 {strides = array<i32>} : memref<768xi32, #tpu.memory_space<vmem>>, vector<16xi32>,
    %broadcast_in_dim3A_173 = arith.constant 0 : i32
    %broadcast_in_dim3A_174 = vector.broadcast %broadcast_in_dim3A_173 : i32 to vector<16xi32>
    %swap3A_175 = arith.constant 464 : index
    %swap3A_176 = tpu.vector_load %arg6[%swap3A_175] {strides = array<i32>} : memref<768xi32, #tpu.memory_space<vmem>>, vector<16xi32>,
    %swap3A_177 = vector.shape_cast %swap3A_176 : vector<16xi32> to vector<16xi32>
    %swap3A_178 = vector.shape_cast %broadcast_in_dim3A_174 : vector<16xi32> to vector<16xi32>
    tpu.vector_store %arg6[%swap3A_175], %swap3A_178 {strides = array<i32>} : memref<768xi32, #tpu.memory_space<vmem>>, vector<16xi32>,
    %broadcast_in_dim3A_179 = arith.constant 0 : i32
    %broadcast_in_dim3A_180 = vector.broadcast %broadcast_in_dim3A_179 : i32 to vector<16xi32>
    %swap3A_181 = arith.constant 480 : index
    %swap3A_182 = tpu.vector_load %arg6[%swap3A_181] {strides = array<i32>} : memref<768xi32, #tpu.memory_space<vmem>>, vector<16xi32>,
    %swap3A_183 = vector.shape_cast %swap3A_182 : vector<16xi32> to vector<16xi32>
    %swap3A_184 = vector.shape_cast %broadcast_in_dim3A_180 : vector<16xi32> to vector<16xi32>
    tpu.vector_store %arg6[%swap3A_181], %swap3A_184 {strides = array<i32>} : memref<768xi32, #tpu.memory_space<vmem>>, vector<16xi32>,
    %broadcast_in_dim3A_185 = arith.constant 0 : i32
    %broadcast_in_dim3A_186 = vector.broadcast %broadcast_in_dim3A_185 : i32 to vector<16xi32>
    %swap3A_187 = arith.constant 496 : index
    %swap3A_188 = tpu.vector_load %arg6[%swap3A_187] {strides = array<i32>} : memref<768xi32, #tpu.memory_space<vmem>>, vector<16xi32>,
    %swap3A_189 = vector.shape_cast %swap3A_188 : vector<16xi32> to vector<16xi32>
    %swap3A_190 = vector.shape_cast %broadcast_in_dim3A_186 : vector<16xi32> to vector<16xi32>
    tpu.vector_store %arg6[%swap3A_187], %swap3A_190 {strides = array<i32>} : memref<768xi32, #tpu.memory_space<vmem>>, vector<16xi32>,
    %broadcast_in_dim3A_191 = arith.constant 0 : i32
    %broadcast_in_dim3A_192 = vector.broadcast %broadcast_in_dim3A_191 : i32 to vector<16xi32>
    %swap3A_193 = arith.constant 512 : index
    %swap3A_194 = tpu.vector_load %arg6[%swap3A_193] {strides = array<i32>} : memref<768xi32, #tpu.memory_space<vmem>>, vector<16xi32>,
    %swap3A_195 = vector.shape_cast %swap3A_194 : vector<16xi32> to vector<16xi32>
    %swap3A_196 = vector.shape_cast %broadcast_in_dim3A_192 : vector<16xi32> to vector<16xi32>
    tpu.vector_store %arg6[%swap3A_193], %swap3A_196 {strides = array<i32>} : memref<768xi32, #tpu.memory_space<vmem>>, vector<16xi32>,
    %broadcast_in_dim3A_197 = arith.constant 0 : i32
    %broadcast_in_dim3A_198 = vector.broadcast %broadcast_in_dim3A_197 : i32 to vector<16xi32>
    %swap3A_199 = arith.constant 528 : index
    %swap3A_200 = tpu.vector_load %arg6[%swap3A_199] {strides = array<i32>} : memref<768xi32, #tpu.memory_space<vmem>>, vector<16xi32>,
    %swap3A_201 = vector.shape_cast %swap3A_200 : vector<16xi32> to vector<16xi32>
    %swap3A_202 = vector.shape_cast %broadcast_in_dim3A_198 : vector<16xi32> to vector<16xi32>
    tpu.vector_store %arg6[%swap3A_199], %swap3A_202 {strides = array<i32>} : memref<768xi32, #tpu.memory_space<vmem>>, vector<16xi32>,
    %broadcast_in_dim3A_203 = arith.constant 0 : i32
    %broadcast_in_dim3A_204 = vector.broadcast %broadcast_in_dim3A_203 : i32 to vector<16xi32>
    %swap3A_205 = arith.constant 544 : index
    %swap3A_206 = tpu.vector_load %arg6[%swap3A_205] {strides = array<i32>} : memref<768xi32, #tpu.memory_space<vmem>>, vector<16xi32>,
    %swap3A_207 = vector.shape_cast %swap3A_206 : vector<16xi32> to vector<16xi32>
    %swap3A_208 = vector.shape_cast %broadcast_in_dim3A_204 : vector<16xi32> to vector<16xi32>
    tpu.vector_store %arg6[%swap3A_205], %swap3A_208 {strides = array<i32>} : memref<768xi32, #tpu.memory_space<vmem>>, vector<16xi32>,
    %broadcast_in_dim3A_209 = arith.constant 0 : i32
    %broadcast_in_dim3A_210 = vector.broadcast %broadcast_in_dim3A_209 : i32 to vector<16xi32>
    %swap3A_211 = arith.constant 560 : index
    %swap3A_212 = tpu.vector_load %arg6[%swap3A_211] {strides = array<i32>} : memref<768xi32, #tpu.memory_space<vmem>>, vector<16xi32>,
    %swap3A_213 = vector.shape_cast %swap3A_212 : vector<16xi32> to vector<16xi32>
    %swap3A_214 = vector.shape_cast %broadcast_in_dim3A_210 : vector<16xi32> to vector<16xi32>
    tpu.vector_store %arg6[%swap3A_211], %swap3A_214 {strides = array<i32>} : memref<768xi32, #tpu.memory_space<vmem>>, vector<16xi32>,
    %broadcast_in_dim3A_215 = arith.constant 0 : i32
    %broadcast_in_dim3A_216 = vector.broadcast %broadcast_in_dim3A_215 : i32 to vector<16xi32>
    %swap3A_217 = arith.constant 576 : index
    %swap3A_218 = tpu.vector_load %arg6[%swap3A_217] {strides = array<i32>} : memref<768xi32, #tpu.memory_space<vmem>>, vector<16xi32>,
    %swap3A_219 = vector.shape_cast %swap3A_218 : vector<16xi32> to vector<16xi32>
    %swap3A_220 = vector.shape_cast %broadcast_in_dim3A_216 : vector<16xi32> to vector<16xi32>
    tpu.vector_store %arg6[%swap3A_217], %swap3A_220 {strides = array<i32>} : memref<768xi32, #tpu.memory_space<vmem>>, vector<16xi32>,
    %broadcast_in_dim3A_221 = arith.constant 0 : i32
    %broadcast_in_dim3A_222 = vector.broadcast %broadcast_in_dim3A_221 : i32 to vector<16xi32>
    %swap3A_223 = arith.constant 592 : index
    %swap3A_224 = tpu.vector_load %arg6[%swap3A_223] {strides = array<i32>} : memref<768xi32, #tpu.memory_space<vmem>>, vector<16xi32>,
    %swap3A_225 = vector.shape_cast %swap3A_224 : vector<16xi32> to vector<16xi32>
    %swap3A_226 = vector.shape_cast %broadcast_in_dim3A_222 : vector<16xi32> to vector<16xi32>
    tpu.vector_store %arg6[%swap3A_223], %swap3A_226 {strides = array<i32>} : memref<768xi32, #tpu.memory_space<vmem>>, vector<16xi32>,
    %broadcast_in_dim3A_227 = arith.constant 0 : i32
    %broadcast_in_dim3A_228 = vector.broadcast %broadcast_in_dim3A_227 : i32 to vector<16xi32>
    %swap3A_229 = arith.constant 608 : index
    %swap3A_230 = tpu.vector_load %arg6[%swap3A_229] {strides = array<i32>} : memref<768xi32, #tpu.memory_space<vmem>>, vector<16xi32>,
    %swap3A_231 = vector.shape_cast %swap3A_230 : vector<16xi32> to vector<16xi32>
    %swap3A_232 = vector.shape_cast %broadcast_in_dim3A_228 : vector<16xi32> to vector<16xi32>
    tpu.vector_store %arg6[%swap3A_229], %swap3A_232 {strides = array<i32>} : memref<768xi32, #tpu.memory_space<vmem>>, vector<16xi32>,
    %broadcast_in_dim3A_233 = arith.constant 0 : i32
    %broadcast_in_dim3A_234 = vector.broadcast %broadcast_in_dim3A_233 : i32 to vector<16xi32>
    %swap3A_235 = arith.constant 624 : index
    %swap3A_236 = tpu.vector_load %arg6[%swap3A_235] {strides = array<i32>} : memref<768xi32, #tpu.memory_space<vmem>>, vector<16xi32>,
    %swap3A_237 = vector.shape_cast %swap3A_236 : vector<16xi32> to vector<16xi32>
    %swap3A_238 = vector.shape_cast %broadcast_in_dim3A_234 : vector<16xi32> to vector<16xi32>
    tpu.vector_store %arg6[%swap3A_235], %swap3A_238 {strides = array<i32>} : memref<768xi32, #tpu.memory_space<vmem>>, vector<16xi32>,
    %broadcast_in_dim3A_239 = arith.constant 0 : i32
    %broadcast_in_dim3A_240 = vector.broadcast %broadcast_in_dim3A_239 : i32 to vector<16xi32>
    %swap3A_241 = arith.constant 640 : index
    %swap3A_242 = tpu.vector_load %arg6[%swap3A_241] {strides = array<i32>} : memref<768xi32, #tpu.memory_space<vmem>>, vector<16xi32>,
    %swap3A_243 = vector.shape_cast %swap3A_242 : vector<16xi32> to vector<16xi32>
    %swap3A_244 = vector.shape_cast %broadcast_in_dim3A_240 : vector<16xi32> to vector<16xi32>
    tpu.vector_store %arg6[%swap3A_241], %swap3A_244 {strides = array<i32>} : memref<768xi32, #tpu.memory_space<vmem>>, vector<16xi32>,
    %broadcast_in_dim3A_245 = arith.constant 0 : i32
    %broadcast_in_dim3A_246 = vector.broadcast %broadcast_in_dim3A_245 : i32 to vector<16xi32>
    %swap3A_247 = arith.constant 656 : index
    %swap3A_248 = tpu.vector_load %arg6[%swap3A_247] {strides = array<i32>} : memref<768xi32, #tpu.memory_space<vmem>>, vector<16xi32>,
    %swap3A_249 = vector.shape_cast %swap3A_248 : vector<16xi32> to vector<16xi32>
    %swap3A_250 = vector.shape_cast %broadcast_in_dim3A_246 : vector<16xi32> to vector<16xi32>
    tpu.vector_store %arg6[%swap3A_247], %swap3A_250 {strides = array<i32>} : memref<768xi32, #tpu.memory_space<vmem>>, vector<16xi32>,
    %broadcast_in_dim3A_251 = arith.constant 0 : i32
    %broadcast_in_dim3A_252 = vector.broadcast %broadcast_in_dim3A_251 : i32 to vector<16xi32>
    %swap3A_253 = arith.constant 672 : index
    %swap3A_254 = tpu.vector_load %arg6[%swap3A_253] {strides = array<i32>} : memref<768xi32, #tpu.memory_space<vmem>>, vector<16xi32>,
    %swap3A_255 = vector.shape_cast %swap3A_254 : vector<16xi32> to vector<16xi32>
    %swap3A_256 = vector.shape_cast %broadcast_in_dim3A_252 : vector<16xi32> to vector<16xi32>
    tpu.vector_store %arg6[%swap3A_253], %swap3A_256 {strides = array<i32>} : memref<768xi32, #tpu.memory_space<vmem>>, vector<16xi32>,
    %broadcast_in_dim3A_257 = arith.constant 0 : i32
    %broadcast_in_dim3A_258 = vector.broadcast %broadcast_in_dim3A_257 : i32 to vector<16xi32>
    %swap3A_259 = arith.constant 688 : index
    %swap3A_260 = tpu.vector_load %arg6[%swap3A_259] {strides = array<i32>} : memref<768xi32, #tpu.memory_space<vmem>>, vector<16xi32>,
    %swap3A_261 = vector.shape_cast %swap3A_260 : vector<16xi32> to vector<16xi32>
    %swap3A_262 = vector.shape_cast %broadcast_in_dim3A_258 : vector<16xi32> to vector<16xi32>
    tpu.vector_store %arg6[%swap3A_259], %swap3A_262 {strides = array<i32>} : memref<768xi32, #tpu.memory_space<vmem>>, vector<16xi32>,
    %broadcast_in_dim3A_263 = arith.constant 0 : i32
    %broadcast_in_dim3A_264 = vector.broadcast %broadcast_in_dim3A_263 : i32 to vector<16xi32>
    %swap3A_265 = arith.constant 704 : index
    %swap3A_266 = tpu.vector_load %arg6[%swap3A_265] {strides = array<i32>} : memref<768xi32, #tpu.memory_space<vmem>>, vector<16xi32>,
    %swap3A_267 = vector.shape_cast %swap3A_266 : vector<16xi32> to vector<16xi32>
    %swap3A_268 = vector.shape_cast %broadcast_in_dim3A_264 : vector<16xi32> to vector<16xi32>
    tpu.vector_store %arg6[%swap3A_265], %swap3A_268 {strides = array<i32>} : memref<768xi32, #tpu.memory_space<vmem>>, vector<16xi32>,
    %broadcast_in_dim3A_269 = arith.constant 0 : i32
    %broadcast_in_dim3A_270 = vector.broadcast %broadcast_in_dim3A_269 : i32 to vector<16xi32>
    %swap3A_271 = arith.constant 720 : index
    %swap3A_272 = tpu.vector_load %arg6[%swap3A_271] {strides = array<i32>} : memref<768xi32, #tpu.memory_space<vmem>>, vector<16xi32>,
    %swap3A_273 = vector.shape_cast %swap3A_272 : vector<16xi32> to vector<16xi32>
    %swap3A_274 = vector.shape_cast %broadcast_in_dim3A_270 : vector<16xi32> to vector<16xi32>
    tpu.vector_store %arg6[%swap3A_271], %swap3A_274 {strides = array<i32>} : memref<768xi32, #tpu.memory_space<vmem>>, vector<16xi32>,
    %broadcast_in_dim3A_275 = arith.constant 0 : i32
    %broadcast_in_dim3A_276 = vector.broadcast %broadcast_in_dim3A_275 : i32 to vector<16xi32>
    %swap3A_277 = arith.constant 736 : index
    %swap3A_278 = tpu.vector_load %arg6[%swap3A_277] {strides = array<i32>} : memref<768xi32, #tpu.memory_space<vmem>>, vector<16xi32>,
    %swap3A_279 = vector.shape_cast %swap3A_278 : vector<16xi32> to vector<16xi32>
    %swap3A_280 = vector.shape_cast %broadcast_in_dim3A_276 : vector<16xi32> to vector<16xi32>
    tpu.vector_store %arg6[%swap3A_277], %swap3A_280 {strides = array<i32>} : memref<768xi32, #tpu.memory_space<vmem>>, vector<16xi32>,
    %broadcast_in_dim3A_281 = arith.constant 0 : i32
    %broadcast_in_dim3A_282 = vector.broadcast %broadcast_in_dim3A_281 : i32 to vector<16xi32>
    %swap3A_283 = arith.constant 752 : index
    %swap3A_284 = tpu.vector_load %arg6[%swap3A_283] {strides = array<i32>} : memref<768xi32, #tpu.memory_space<vmem>>, vector<16xi32>,
    %swap3A_285 = vector.shape_cast %swap3A_284 : vector<16xi32> to vector<16xi32>
    %swap3A_286 = vector.shape_cast %broadcast_in_dim3A_282 : vector<16xi32> to vector<16xi32>
    tpu.vector_store %arg6[%swap3A_283], %swap3A_286 {strides = array<i32>} : memref<768xi32, #tpu.memory_space<vmem>>, vector<16xi32>,
    %mul3A_287 = arith.constant 768 : i32
    %mul3A_288 = arith.muli %arg1, %mul3A_287 : i32
    "tpu.region"() ({
      %run_scoped3A_421 = tpu.sem_alloc : memref<!tpu.dma_semaphore, #tpu.memory_space<semaphore_mem>>
      %dma_start3A_422 = tpu.memref_slice %arg11[%mul3A_288] : memref<12288xi32, #tpu.memory_space<vmem_shared>> -> memref<768xi32, #tpu.memory_space<vmem_shared>>
      %dma_start3A_423 = tpu.memref_slice %arg11[%mul3A_288] : memref<12288xi32, #tpu.memory_space<vmem_shared>> -> memref<768xi32, #tpu.memory_space<vmem_shared>>
      tpu.enqueue_dma source(%arg6 : memref<768xi32, #tpu.memory_space<vmem>>) target(%dma_start3A_423 : memref<768xi32, #tpu.memory_space<vmem_shared>>) target_semaphore(%run_scoped3A_421 : memref<!tpu.dma_semaphore, #tpu.memory_space<semaphore_mem>>)
      %dma_wait3A_424 = tpu.memref_slice %arg11[%mul3A_288] : memref<12288xi32, #tpu.memory_space<vmem_shared>> -> memref<768xi32, #tpu.memory_space<vmem_shared>>
      %dma_wait3A_425 = tpu.memref_slice %arg11[%mul3A_288] : memref<12288xi32, #tpu.memory_space<vmem_shared>> -> memref<768xi32, #tpu.memory_space<vmem_shared>>
      tpu.wait_dma2 semaphore(%run_scoped3A_421 : memref<!tpu.dma_semaphore, #tpu.memory_space<semaphore_mem>>) src(%arg6 : memref<768xi32, #tpu.memory_space<vmem>>) dst(%dma_wait3A_425 : memref<768xi32, #tpu.memory_space<vmem_shared>>)
      tpu.yield
    }) : () -> ()
    %barrier3A = arith.constant 0 : index
    tpu.barrier barrier_id(%barrier3A)
    %mul3A_289 = arith.constant 256 : i32
    %mul3A_290 = arith.muli %arg1, %mul3A_289 : i32
    %add3A_291 = arith.constant 0 : i32
    %add3A_292 = arith.addi %mul3A_290, %add3A_291 : i32
    %run_scoped3A = arith.constant 0 : i32
    "tpu.region"() ({
      %run_scoped3A_421 = tpu.sem_alloc : memref<!tpu.dma_semaphore, #tpu.memory_space<semaphore_mem>>
      %dma_start3A_422 = arith.constant 0 : i32
      %dma_start3A_423 = tpu.memref_slice %arg7[%run_scoped3A, %dma_start3A_422] : memref<2x128xi32, #tpu.memory_space<vmem>> -> memref<1x128xi32, #tpu.memory_space<vmem>>
      %dma_start3A_424 = tpu.memref_squeeze %dma_start3A_423 : memref<1x128xi32, #tpu.memory_space<vmem>> -> memref<128xi32, #tpu.memory_space<vmem>>
      %dma_start3A_425 = tpu.memref_slice %arg3[%add3A_292] : memref<4096xi32, #tpu.memory_space<hbm>> -> memref<128xi32, #tpu.memory_space<hbm>>
      %dma_start3A_426 = arith.constant 0 : i32
      %dma_start3A_427 = tpu.memref_slice %arg7[%run_scoped3A, %dma_start3A_426] : memref<2x128xi32, #tpu.memory_space<vmem>> -> memref<1x128xi32, #tpu.memory_space<vmem>>
      %dma_start3A_428 = tpu.memref_squeeze %dma_start3A_427 : memref<1x128xi32, #tpu.memory_space<vmem>> -> memref<128xi32, #tpu.memory_space<vmem>>
      %dma_start3A_429 = tpu.memref_slice %arg3[%add3A_292] : memref<4096xi32, #tpu.memory_space<hbm>> -> memref<128xi32, #tpu.memory_space<hbm>>
      tpu.enqueue_dma source(%dma_start3A_429 : memref<128xi32, #tpu.memory_space<hbm>>) target(%dma_start3A_428 : memref<128xi32, #tpu.memory_space<vmem>>) target_semaphore(%run_scoped3A_421 : memref<!tpu.dma_semaphore, #tpu.memory_space<semaphore_mem>>)
      %dma_wait3A_430 = arith.constant 0 : i32
      %dma_wait3A_431 = tpu.memref_slice %arg7[%run_scoped3A, %dma_wait3A_430] : memref<2x128xi32, #tpu.memory_space<vmem>> -> memref<1x128xi32, #tpu.memory_space<vmem>>
      %dma_wait3A_432 = tpu.memref_squeeze %dma_wait3A_431 : memref<1x128xi32, #tpu.memory_space<vmem>> -> memref<128xi32, #tpu.memory_space<vmem>>
      %dma_wait3A_433 = tpu.memref_slice %arg3[%add3A_292] : memref<4096xi32, #tpu.memory_space<hbm>> -> memref<128xi32, #tpu.memory_space<hbm>>
      %dma_wait3A_434 = arith.constant 0 : i32
      %dma_wait3A_435 = tpu.memref_slice %arg7[%run_scoped3A, %dma_wait3A_434] : memref<2x128xi32, #tpu.memory_space<vmem>> -> memref<1x128xi32, #tpu.memory_space<vmem>>
      %dma_wait3A_436 = tpu.memref_squeeze %dma_wait3A_435 : memref<1x128xi32, #tpu.memory_space<vmem>> -> memref<128xi32, #tpu.memory_space<vmem>>
      %dma_wait3A_437 = tpu.memref_slice %arg3[%add3A_292] : memref<4096xi32, #tpu.memory_space<hbm>> -> memref<128xi32, #tpu.memory_space<hbm>>
      tpu.wait_dma2 semaphore(%run_scoped3A_421 : memref<!tpu.dma_semaphore, #tpu.memory_space<semaphore_mem>>) src(%dma_wait3A_437 : memref<128xi32, #tpu.memory_space<hbm>>) dst(%dma_wait3A_436 : memref<128xi32, #tpu.memory_space<vmem>>)
      tpu.yield
    }) : () -> ()
    %add3A_293 = arith.constant 0 : i32
    %add3A_294 = arith.addi %mul3A_290, %add3A_293 : i32
    %run_scoped3A_295 = arith.constant 0 : i32
    "tpu.region"() ({
      %run_scoped3A_421 = tpu.sem_alloc : memref<!tpu.dma_semaphore, #tpu.memory_space<semaphore_mem>>
      %dma_start3A_422 = arith.constant 0 : i32
      %dma_start3A_423 = tpu.memref_slice %arg8[%run_scoped3A_295, %dma_start3A_422] : memref<2x128xi32, #tpu.memory_space<vmem>> -> memref<1x128xi32, #tpu.memory_space<vmem>>
      %dma_start3A_424 = tpu.memref_squeeze %dma_start3A_423 : memref<1x128xi32, #tpu.memory_space<vmem>> -> memref<128xi32, #tpu.memory_space<vmem>>
      %dma_start3A_425 = tpu.memref_slice %arg4[%add3A_294] : memref<4096xi32, #tpu.memory_space<hbm>> -> memref<128xi32, #tpu.memory_space<hbm>>
      %dma_start3A_426 = arith.constant 0 : i32
      %dma_start3A_427 = tpu.memref_slice %arg8[%run_scoped3A_295, %dma_start3A_426] : memref<2x128xi32, #tpu.memory_space<vmem>> -> memref<1x128xi32, #tpu.memory_space<vmem>>
      %dma_start3A_428 = tpu.memref_squeeze %dma_start3A_427 : memref<1x128xi32, #tpu.memory_space<vmem>> -> memref<128xi32, #tpu.memory_space<vmem>>
      %dma_start3A_429 = tpu.memref_slice %arg4[%add3A_294] : memref<4096xi32, #tpu.memory_space<hbm>> -> memref<128xi32, #tpu.memory_space<hbm>>
      tpu.enqueue_dma source(%dma_start3A_429 : memref<128xi32, #tpu.memory_space<hbm>>) target(%dma_start3A_428 : memref<128xi32, #tpu.memory_space<vmem>>) target_semaphore(%run_scoped3A_421 : memref<!tpu.dma_semaphore, #tpu.memory_space<semaphore_mem>>)
      %dma_wait3A_430 = arith.constant 0 : i32
      %dma_wait3A_431 = tpu.memref_slice %arg8[%run_scoped3A_295, %dma_wait3A_430] : memref<2x128xi32, #tpu.memory_space<vmem>> -> memref<1x128xi32, #tpu.memory_space<vmem>>
      %dma_wait3A_432 = tpu.memref_squeeze %dma_wait3A_431 : memref<1x128xi32, #tpu.memory_space<vmem>> -> memref<128xi32, #tpu.memory_space<vmem>>
      %dma_wait3A_433 = tpu.memref_slice %arg4[%add3A_294] : memref<4096xi32, #tpu.memory_space<hbm>> -> memref<128xi32, #tpu.memory_space<hbm>>
      %dma_wait3A_434 = arith.constant 0 : i32
      %dma_wait3A_435 = tpu.memref_slice %arg8[%run_scoped3A_295, %dma_wait3A_434] : memref<2x128xi32, #tpu.memory_space<vmem>> -> memref<1x128xi32, #tpu.memory_space<vmem>>
      %dma_wait3A_436 = tpu.memref_squeeze %dma_wait3A_435 : memref<1x128xi32, #tpu.memory_space<vmem>> -> memref<128xi32, #tpu.memory_space<vmem>>
      %dma_wait3A_437 = tpu.memref_slice %arg4[%add3A_294] : memref<4096xi32, #tpu.memory_space<hbm>> -> memref<128xi32, #tpu.memory_space<hbm>>
      tpu.wait_dma2 semaphore(%run_scoped3A_421 : memref<!tpu.dma_semaphore, #tpu.memory_space<semaphore_mem>>) src(%dma_wait3A_437 : memref<128xi32, #tpu.memory_space<hbm>>) dst(%dma_wait3A_436 : memref<128xi32, #tpu.memory_space<vmem>>)
      tpu.yield
    }) : () -> ()
    %run_scoped3A_296 = arith.constant 0 : i32
    %run_scoped3A_297 = arith.constant 0 : i32
    "tpu.region"() ({
      %run_scoped3A_421 = tpu.sem_alloc : memref<!tpu.dma_semaphore, #tpu.memory_space<semaphore_mem>>
      %dma_start3A_422 = arith.constant 0 : i32
      %dma_start3A_423 = tpu.memref_slice %arg8[%run_scoped3A_296, %dma_start3A_422] : memref<2x128xi32, #tpu.memory_space<vmem>> -> memref<1x128xi32, #tpu.memory_space<vmem>>
      %dma_start3A_424 = tpu.memref_squeeze %dma_start3A_423 : memref<1x128xi32, #tpu.memory_space<vmem>> -> memref<128xi32, #tpu.memory_space<vmem>>
      %dma_start3A_425 = arith.constant 0 : i32
      %dma_start3A_426 = tpu.memref_slice %arg7[%run_scoped3A_297, %dma_start3A_425] : memref<2x128xi32, #tpu.memory_space<vmem>> -> memref<1x128xi32, #tpu.memory_space<vmem>>
      %dma_start3A_427 = tpu.memref_squeeze %dma_start3A_426 : memref<1x128xi32, #tpu.memory_space<vmem>> -> memref<128xi32, #tpu.memory_space<vmem>>
      %dma_start3A_428 = arith.constant 0 : i32
      %dma_start3A_429 = tpu.memref_slice %arg11[%dma_start3A_428] : memref<12288xi32, #tpu.memory_space<vmem_shared>> -> memref<12288xi32, #tpu.memory_space<vmem_shared>>
      tpu.enqueue_indirect_dma source(%dma_start3A_424 : memref<128xi32, #tpu.memory_space<vmem>>) target(%dma_start3A_429 : memref<12288xi32, #tpu.memory_space<vmem_shared>>) offsets(%dma_start3A_427 : memref<128xi32, #tpu.memory_space<vmem>>) semaphore(%run_scoped3A_421 : memref<!tpu.dma_semaphore, #tpu.memory_space<semaphore_mem>>)
      %dma_wait3A_430 = arith.constant 0 : i32
      %dma_wait3A_431 = tpu.memref_slice %arg8[%run_scoped3A_296, %dma_wait3A_430] : memref<2x128xi32, #tpu.memory_space<vmem>> -> memref<1x128xi32, #tpu.memory_space<vmem>>
      %dma_wait3A_432 = tpu.memref_squeeze %dma_wait3A_431 : memref<1x128xi32, #tpu.memory_space<vmem>> -> memref<128xi32, #tpu.memory_space<vmem>>
      %dma_wait3A_433 = arith.constant 0 : i32
      %dma_wait3A_434 = tpu.memref_slice %arg7[%run_scoped3A_297, %dma_wait3A_433] : memref<2x128xi32, #tpu.memory_space<vmem>> -> memref<1x128xi32, #tpu.memory_space<vmem>>
      %dma_wait3A_435 = tpu.memref_squeeze %dma_wait3A_434 : memref<1x128xi32, #tpu.memory_space<vmem>> -> memref<128xi32, #tpu.memory_space<vmem>>
      %dma_wait3A_436 = arith.constant 0 : i32
      %dma_wait3A_437 = tpu.memref_slice %arg11[%dma_wait3A_436] : memref<12288xi32, #tpu.memory_space<vmem_shared>> -> memref<12288xi32, #tpu.memory_space<vmem_shared>>
      tpu.wait_indirect_dma semaphore(%run_scoped3A_421 : memref<!tpu.dma_semaphore, #tpu.memory_space<semaphore_mem>>) src(%dma_wait3A_432 : memref<128xi32, #tpu.memory_space<vmem>>) dst(%dma_wait3A_437 : memref<12288xi32, #tpu.memory_space<vmem_shared>>)
      tpu.yield
    }) : () -> ()
    %add3A_298 = arith.constant 128 : i32
    %add3A_299 = arith.addi %mul3A_290, %add3A_298 : i32
    %run_scoped3A_300 = arith.constant 1 : i32
    "tpu.region"() ({
      %run_scoped3A_421 = tpu.sem_alloc : memref<!tpu.dma_semaphore, #tpu.memory_space<semaphore_mem>>
      %dma_start3A_422 = arith.constant 0 : i32
      %dma_start3A_423 = tpu.memref_slice %arg7[%run_scoped3A_300, %dma_start3A_422] : memref<2x128xi32, #tpu.memory_space<vmem>> -> memref<1x128xi32, #tpu.memory_space<vmem>>
      %dma_start3A_424 = tpu.memref_squeeze %dma_start3A_423 : memref<1x128xi32, #tpu.memory_space<vmem>> -> memref<128xi32, #tpu.memory_space<vmem>>
      %dma_start3A_425 = tpu.memref_slice %arg3[%add3A_299] : memref<4096xi32, #tpu.memory_space<hbm>> -> memref<128xi32, #tpu.memory_space<hbm>>
      %dma_start3A_426 = arith.constant 0 : i32
      %dma_start3A_427 = tpu.memref_slice %arg7[%run_scoped3A_300, %dma_start3A_426] : memref<2x128xi32, #tpu.memory_space<vmem>> -> memref<1x128xi32, #tpu.memory_space<vmem>>
      %dma_start3A_428 = tpu.memref_squeeze %dma_start3A_427 : memref<1x128xi32, #tpu.memory_space<vmem>> -> memref<128xi32, #tpu.memory_space<vmem>>
      %dma_start3A_429 = tpu.memref_slice %arg3[%add3A_299] : memref<4096xi32, #tpu.memory_space<hbm>> -> memref<128xi32, #tpu.memory_space<hbm>>
      tpu.enqueue_dma source(%dma_start3A_429 : memref<128xi32, #tpu.memory_space<hbm>>) target(%dma_start3A_428 : memref<128xi32, #tpu.memory_space<vmem>>) target_semaphore(%run_scoped3A_421 : memref<!tpu.dma_semaphore, #tpu.memory_space<semaphore_mem>>)
      %dma_wait3A_430 = arith.constant 0 : i32
      %dma_wait3A_431 = tpu.memref_slice %arg7[%run_scoped3A_300, %dma_wait3A_430] : memref<2x128xi32, #tpu.memory_space<vmem>> -> memref<1x128xi32, #tpu.memory_space<vmem>>
      %dma_wait3A_432 = tpu.memref_squeeze %dma_wait3A_431 : memref<1x128xi32, #tpu.memory_space<vmem>> -> memref<128xi32, #tpu.memory_space<vmem>>
      %dma_wait3A_433 = tpu.memref_slice %arg3[%add3A_299] : memref<4096xi32, #tpu.memory_space<hbm>> -> memref<128xi32, #tpu.memory_space<hbm>>
      %dma_wait3A_434 = arith.constant 0 : i32
      %dma_wait3A_435 = tpu.memref_slice %arg7[%run_scoped3A_300, %dma_wait3A_434] : memref<2x128xi32, #tpu.memory_space<vmem>> -> memref<1x128xi32, #tpu.memory_space<vmem>>
      %dma_wait3A_436 = tpu.memref_squeeze %dma_wait3A_435 : memref<1x128xi32, #tpu.memory_space<vmem>> -> memref<128xi32, #tpu.memory_space<vmem>>
      %dma_wait3A_437 = tpu.memref_slice %arg3[%add3A_299] : memref<4096xi32, #tpu.memory_space<hbm>> -> memref<128xi32, #tpu.memory_space<hbm>>
      tpu.wait_dma2 semaphore(%run_scoped3A_421 : memref<!tpu.dma_semaphore, #tpu.memory_space<semaphore_mem>>) src(%dma_wait3A_437 : memref<128xi32, #tpu.memory_space<hbm>>) dst(%dma_wait3A_436 : memref<128xi32, #tpu.memory_space<vmem>>)
      tpu.yield
    }) : () -> ()
    %add3A_301 = arith.constant 128 : i32
    %add3A_302 = arith.addi %mul3A_290, %add3A_301 : i32
    %run_scoped3A_303 = arith.constant 1 : i32
    "tpu.region"() ({
      %run_scoped3A_421 = tpu.sem_alloc : memref<!tpu.dma_semaphore, #tpu.memory_space<semaphore_mem>>
      %dma_start3A_422 = arith.constant 0 : i32
      %dma_start3A_423 = tpu.memref_slice %arg8[%run_scoped3A_303, %dma_start3A_422] : memref<2x128xi32, #tpu.memory_space<vmem>> -> memref<1x128xi32, #tpu.memory_space<vmem>>
      %dma_start3A_424 = tpu.memref_squeeze %dma_start3A_423 : memref<1x128xi32, #tpu.memory_space<vmem>> -> memref<128xi32, #tpu.memory_space<vmem>>
      %dma_start3A_425 = tpu.memref_slice %arg4[%add3A_302] : memref<4096xi32, #tpu.memory_space<hbm>> -> memref<128xi32, #tpu.memory_space<hbm>>
      %dma_start3A_426 = arith.constant 0 : i32
      %dma_start3A_427 = tpu.memref_slice %arg8[%run_scoped3A_303, %dma_start3A_426] : memref<2x128xi32, #tpu.memory_space<vmem>> -> memref<1x128xi32, #tpu.memory_space<vmem>>
      %dma_start3A_428 = tpu.memref_squeeze %dma_start3A_427 : memref<1x128xi32, #tpu.memory_space<vmem>> -> memref<128xi32, #tpu.memory_space<vmem>>
      %dma_start3A_429 = tpu.memref_slice %arg4[%add3A_302] : memref<4096xi32, #tpu.memory_space<hbm>> -> memref<128xi32, #tpu.memory_space<hbm>>
      tpu.enqueue_dma source(%dma_start3A_429 : memref<128xi32, #tpu.memory_space<hbm>>) target(%dma_start3A_428 : memref<128xi32, #tpu.memory_space<vmem>>) target_semaphore(%run_scoped3A_421 : memref<!tpu.dma_semaphore, #tpu.memory_space<semaphore_mem>>)
      %dma_wait3A_430 = arith.constant 0 : i32
      %dma_wait3A_431 = tpu.memref_slice %arg8[%run_scoped3A_303, %dma_wait3A_430] : memref<2x128xi32, #tpu.memory_space<vmem>> -> memref<1x128xi32, #tpu.memory_space<vmem>>
      %dma_wait3A_432 = tpu.memref_squeeze %dma_wait3A_431 : memref<1x128xi32, #tpu.memory_space<vmem>> -> memref<128xi32, #tpu.memory_space<vmem>>
      %dma_wait3A_433 = tpu.memref_slice %arg4[%add3A_302] : memref<4096xi32, #tpu.memory_space<hbm>> -> memref<128xi32, #tpu.memory_space<hbm>>
      %dma_wait3A_434 = arith.constant 0 : i32
      %dma_wait3A_435 = tpu.memref_slice %arg8[%run_scoped3A_303, %dma_wait3A_434] : memref<2x128xi32, #tpu.memory_space<vmem>> -> memref<1x128xi32, #tpu.memory_space<vmem>>
      %dma_wait3A_436 = tpu.memref_squeeze %dma_wait3A_435 : memref<1x128xi32, #tpu.memory_space<vmem>> -> memref<128xi32, #tpu.memory_space<vmem>>
      %dma_wait3A_437 = tpu.memref_slice %arg4[%add3A_302] : memref<4096xi32, #tpu.memory_space<hbm>> -> memref<128xi32, #tpu.memory_space<hbm>>
      tpu.wait_dma2 semaphore(%run_scoped3A_421 : memref<!tpu.dma_semaphore, #tpu.memory_space<semaphore_mem>>) src(%dma_wait3A_437 : memref<128xi32, #tpu.memory_space<hbm>>) dst(%dma_wait3A_436 : memref<128xi32, #tpu.memory_space<vmem>>)
      tpu.yield
    }) : () -> ()
    %run_scoped3A_304 = arith.constant 1 : i32
    %run_scoped3A_305 = arith.constant 1 : i32
    "tpu.region"() ({
      %run_scoped3A_421 = tpu.sem_alloc : memref<!tpu.dma_semaphore, #tpu.memory_space<semaphore_mem>>
      %dma_start3A_422 = arith.constant 0 : i32
      %dma_start3A_423 = tpu.memref_slice %arg8[%run_scoped3A_304, %dma_start3A_422] : memref<2x128xi32, #tpu.memory_space<vmem>> -> memref<1x128xi32, #tpu.memory_space<vmem>>
      %dma_start3A_424 = tpu.memref_squeeze %dma_start3A_423 : memref<1x128xi32, #tpu.memory_space<vmem>> -> memref<128xi32, #tpu.memory_space<vmem>>
      %dma_start3A_425 = arith.constant 0 : i32
      %dma_start3A_426 = tpu.memref_slice %arg7[%run_scoped3A_305, %dma_start3A_425] : memref<2x128xi32, #tpu.memory_space<vmem>> -> memref<1x128xi32, #tpu.memory_space<vmem>>
      %dma_start3A_427 = tpu.memref_squeeze %dma_start3A_426 : memref<1x128xi32, #tpu.memory_space<vmem>> -> memref<128xi32, #tpu.memory_space<vmem>>
      %dma_start3A_428 = arith.constant 0 : i32
      %dma_start3A_429 = tpu.memref_slice %arg11[%dma_start3A_428] : memref<12288xi32, #tpu.memory_space<vmem_shared>> -> memref<12288xi32, #tpu.memory_space<vmem_shared>>
      tpu.enqueue_indirect_dma source(%dma_start3A_424 : memref<128xi32, #tpu.memory_space<vmem>>) target(%dma_start3A_429 : memref<12288xi32, #tpu.memory_space<vmem_shared>>) offsets(%dma_start3A_427 : memref<128xi32, #tpu.memory_space<vmem>>) semaphore(%run_scoped3A_421 : memref<!tpu.dma_semaphore, #tpu.memory_space<semaphore_mem>>)
      %dma_wait3A_430 = arith.constant 0 : i32
      %dma_wait3A_431 = tpu.memref_slice %arg8[%run_scoped3A_304, %dma_wait3A_430] : memref<2x128xi32, #tpu.memory_space<vmem>> -> memref<1x128xi32, #tpu.memory_space<vmem>>
      %dma_wait3A_432 = tpu.memref_squeeze %dma_wait3A_431 : memref<1x128xi32, #tpu.memory_space<vmem>> -> memref<128xi32, #tpu.memory_space<vmem>>
      %dma_wait3A_433 = arith.constant 0 : i32
      %dma_wait3A_434 = tpu.memref_slice %arg7[%run_scoped3A_305, %dma_wait3A_433] : memref<2x128xi32, #tpu.memory_space<vmem>> -> memref<1x128xi32, #tpu.memory_space<vmem>>
      %dma_wait3A_435 = tpu.memref_squeeze %dma_wait3A_434 : memref<1x128xi32, #tpu.memory_space<vmem>> -> memref<128xi32, #tpu.memory_space<vmem>>
      %dma_wait3A_436 = arith.constant 0 : i32
      %dma_wait3A_437 = tpu.memref_slice %arg11[%dma_wait3A_436] : memref<12288xi32, #tpu.memory_space<vmem_shared>> -> memref<12288xi32, #tpu.memory_space<vmem_shared>>
      tpu.wait_indirect_dma semaphore(%run_scoped3A_421 : memref<!tpu.dma_semaphore, #tpu.memory_space<semaphore_mem>>) src(%dma_wait3A_432 : memref<128xi32, #tpu.memory_space<vmem>>) dst(%dma_wait3A_437 : memref<12288xi32, #tpu.memory_space<vmem_shared>>)
      tpu.yield
    }) : () -> ()
    %barrier3A_306 = arith.constant 0 : index
    tpu.barrier barrier_id(%barrier3A_306)
    %mul3A_307 = arith.constant 384 : i32
    %mul3A_308 = arith.muli %add3A, %mul3A_307 : i32
    %add3A_309 = arith.constant 0 : i32
    %add3A_310 = arith.addi %mul3A_308, %add3A_309 : i32
    %run_scoped3A_311 = arith.constant 0 : i32
    "tpu.region"() ({
      %run_scoped3A_421 = tpu.sem_alloc : memref<!tpu.dma_semaphore, #tpu.memory_space<semaphore_mem>>
      %dma_start3A_422 = arith.constant 0 : i32
      %dma_start3A_423 = tpu.memref_slice %arg9[%run_scoped3A_311, %dma_start3A_422] : memref<6x64xi32, #tpu.memory_space<vmem>> -> memref<1x64xi32, #tpu.memory_space<vmem>>
      %dma_start3A_424 = tpu.memref_squeeze %dma_start3A_423 : memref<1x64xi32, #tpu.memory_space<vmem>> -> memref<64xi32, #tpu.memory_space<vmem>>
      %dma_start3A_425 = tpu.memref_slice %arg11[%add3A_310] : memref<12288xi32, #tpu.memory_space<vmem_shared>> -> memref<64xi32, #tpu.memory_space<vmem_shared>>
      %dma_start3A_426 = arith.constant 0 : i32
      %dma_start3A_427 = tpu.memref_slice %arg9[%run_scoped3A_311, %dma_start3A_426] : memref<6x64xi32, #tpu.memory_space<vmem>> -> memref<1x64xi32, #tpu.memory_space<vmem>>
      %dma_start3A_428 = tpu.memref_squeeze %dma_start3A_427 : memref<1x64xi32, #tpu.memory_space<vmem>> -> memref<64xi32, #tpu.memory_space<vmem>>
      %dma_start3A_429 = tpu.memref_slice %arg11[%add3A_310] : memref<12288xi32, #tpu.memory_space<vmem_shared>> -> memref<64xi32, #tpu.memory_space<vmem_shared>>
      tpu.enqueue_dma source(%dma_start3A_429 : memref<64xi32, #tpu.memory_space<vmem_shared>>) target(%dma_start3A_428 : memref<64xi32, #tpu.memory_space<vmem>>) target_semaphore(%run_scoped3A_421 : memref<!tpu.dma_semaphore, #tpu.memory_space<semaphore_mem>>)
      %dma_wait3A_430 = arith.constant 0 : i32
      %dma_wait3A_431 = tpu.memref_slice %arg9[%run_scoped3A_311, %dma_wait3A_430] : memref<6x64xi32, #tpu.memory_space<vmem>> -> memref<1x64xi32, #tpu.memory_space<vmem>>
      %dma_wait3A_432 = tpu.memref_squeeze %dma_wait3A_431 : memref<1x64xi32, #tpu.memory_space<vmem>> -> memref<64xi32, #tpu.memory_space<vmem>>
      %dma_wait3A_433 = tpu.memref_slice %arg11[%add3A_310] : memref<12288xi32, #tpu.memory_space<vmem_shared>> -> memref<64xi32, #tpu.memory_space<vmem_shared>>
      %dma_wait3A_434 = arith.constant 0 : i32
      %dma_wait3A_435 = tpu.memref_slice %arg9[%run_scoped3A_311, %dma_wait3A_434] : memref<6x64xi32, #tpu.memory_space<vmem>> -> memref<1x64xi32, #tpu.memory_space<vmem>>
      %dma_wait3A_436 = tpu.memref_squeeze %dma_wait3A_435 : memref<1x64xi32, #tpu.memory_space<vmem>> -> memref<64xi32, #tpu.memory_space<vmem>>
      %dma_wait3A_437 = tpu.memref_slice %arg11[%add3A_310] : memref<12288xi32, #tpu.memory_space<vmem_shared>> -> memref<64xi32, #tpu.memory_space<vmem_shared>>
      tpu.wait_dma2 semaphore(%run_scoped3A_421 : memref<!tpu.dma_semaphore, #tpu.memory_space<semaphore_mem>>) src(%dma_wait3A_437 : memref<64xi32, #tpu.memory_space<vmem_shared>>) dst(%dma_wait3A_436 : memref<64xi32, #tpu.memory_space<vmem>>)
      tpu.yield
    }) : () -> ()
    %dma_start3A = arith.constant 0 : i32
    %dma_start3A_312 = arith.constant 0 : i32
    %dma_start3A_313 = tpu.memref_slice %arg9[%dma_start3A, %dma_start3A_312] : memref<6x64xi32, #tpu.memory_space<vmem>> -> memref<1x64xi32, #tpu.memory_space<vmem>>
    %dma_start3A_314 = tpu.memref_squeeze %dma_start3A_313 : memref<1x64xi32, #tpu.memory_space<vmem>> -> memref<64xi32, #tpu.memory_space<vmem>>
    %dma_start3A_315 = arith.constant 0 : i32
    %dma_start3A_316 = arith.constant 0 : i32
    %dma_start3A_317 = tpu.memref_slice %arg2[%dma_start3A_315, %dma_start3A_316] : memref<4096x1024xf32, #tpu.memory_space<hbm>> -> memref<4096x1024xf32, #tpu.memory_space<hbm>>
    tpu.enqueue_indirect_dma source(%dma_start3A_317 : memref<4096x1024xf32, #tpu.memory_space<hbm>>) target(%arg10 : memref<64x1024xf32, #tpu.memory_space<vmem>>) offsets(%dma_start3A_314 : memref<64xi32, #tpu.memory_space<vmem>>) semaphore(%arg12 : memref<!tpu.dma_semaphore, #tpu.memory_space<semaphore_mem>>)
    %dma_wait3A = arith.constant 0 : i32
    %dma_wait3A_318 = arith.constant 0 : i32
    %dma_wait3A_319 = tpu.memref_slice %arg9[%dma_wait3A, %dma_wait3A_318] : memref<6x64xi32, #tpu.memory_space<vmem>> -> memref<1x64xi32, #tpu.memory_space<vmem>>
    %dma_wait3A_320 = tpu.memref_squeeze %dma_wait3A_319 : memref<1x64xi32, #tpu.memory_space<vmem>> -> memref<64xi32, #tpu.memory_space<vmem>>
    %dma_wait3A_321 = arith.constant 0 : i32
    %dma_wait3A_322 = arith.constant 0 : i32
    %dma_wait3A_323 = tpu.memref_slice %arg2[%dma_wait3A_321, %dma_wait3A_322] : memref<4096x1024xf32, #tpu.memory_space<hbm>> -> memref<4096x1024xf32, #tpu.memory_space<hbm>>
    tpu.wait_indirect_dma semaphore(%arg12 : memref<!tpu.dma_semaphore, #tpu.memory_space<semaphore_mem>>) src(%dma_wait3A_323 : memref<4096x1024xf32, #tpu.memory_space<hbm>>) dst(%arg10 : memref<64x1024xf32, #tpu.memory_space<vmem>>)
    %add3A_324 = arith.constant 0 : i32
    %add3A_325 = arith.addi %mul3A_308, %add3A_324 : i32
    "tpu.region"() ({
      %run_scoped3A_421 = tpu.sem_alloc : memref<!tpu.dma_semaphore, #tpu.memory_space<semaphore_mem>>
      %dma_start3A_422 = arith.constant 0 : i32
      %dma_start3A_423 = tpu.memref_slice %arg5[%add3A_325, %dma_start3A_422] : memref<12288x1024xf32, #tpu.memory_space<hbm>> -> memref<64x1024xf32, #tpu.memory_space<hbm>>
      %dma_start3A_424 = arith.constant 0 : i32
      %dma_start3A_425 = tpu.memref_slice %arg5[%add3A_325, %dma_start3A_424] : memref<12288x1024xf32, #tpu.memory_space<hbm>> -> memref<64x1024xf32, #tpu.memory_space<hbm>>
      tpu.enqueue_dma source(%arg10 : memref<64x1024xf32, #tpu.memory_space<vmem>>) target(%dma_start3A_425 : memref<64x1024xf32, #tpu.memory_space<hbm>>) target_semaphore(%run_scoped3A_421 : memref<!tpu.dma_semaphore, #tpu.memory_space<semaphore_mem>>)
      %dma_wait3A_426 = arith.constant 0 : i32
      %dma_wait3A_427 = tpu.memref_slice %arg5[%add3A_325, %dma_wait3A_426] : memref<12288x1024xf32, #tpu.memory_space<hbm>> -> memref<64x1024xf32, #tpu.memory_space<hbm>>
      %dma_wait3A_428 = arith.constant 0 : i32
      %dma_wait3A_429 = tpu.memref_slice %arg5[%add3A_325, %dma_wait3A_428] : memref<12288x1024xf32, #tpu.memory_space<hbm>> -> memref<64x1024xf32, #tpu.memory_space<hbm>>
      tpu.wait_dma2 semaphore(%run_scoped3A_421 : memref<!tpu.dma_semaphore, #tpu.memory_space<semaphore_mem>>) src(%arg10 : memref<64x1024xf32, #tpu.memory_space<vmem>>) dst(%dma_wait3A_429 : memref<64x1024xf32, #tpu.memory_space<hbm>>)
      tpu.yield
    }) : () -> ()
    %add3A_326 = arith.constant 64 : i32
    %add3A_327 = arith.addi %mul3A_308, %add3A_326 : i32
    %run_scoped3A_328 = arith.constant 1 : i32
    "tpu.region"() ({
      %run_scoped3A_421 = tpu.sem_alloc : memref<!tpu.dma_semaphore, #tpu.memory_space<semaphore_mem>>
      %dma_start3A_422 = arith.constant 0 : i32
      %dma_start3A_423 = tpu.memref_slice %arg9[%run_scoped3A_328, %dma_start3A_422] : memref<6x64xi32, #tpu.memory_space<vmem>> -> memref<1x64xi32, #tpu.memory_space<vmem>>
      %dma_start3A_424 = tpu.memref_squeeze %dma_start3A_423 : memref<1x64xi32, #tpu.memory_space<vmem>> -> memref<64xi32, #tpu.memory_space<vmem>>
      %dma_start3A_425 = tpu.memref_slice %arg11[%add3A_327] : memref<12288xi32, #tpu.memory_space<vmem_shared>> -> memref<64xi32, #tpu.memory_space<vmem_shared>>
      %dma_start3A_426 = arith.constant 0 : i32
      %dma_start3A_427 = tpu.memref_slice %arg9[%run_scoped3A_328, %dma_start3A_426] : memref<6x64xi32, #tpu.memory_space<vmem>> -> memref<1x64xi32, #tpu.memory_space<vmem>>
      %dma_start3A_428 = tpu.memref_squeeze %dma_start3A_427 : memref<1x64xi32, #tpu.memory_space<vmem>> -> memref<64xi32, #tpu.memory_space<vmem>>
      %dma_start3A_429 = tpu.memref_slice %arg11[%add3A_327] : memref<12288xi32, #tpu.memory_space<vmem_shared>> -> memref<64xi32, #tpu.memory_space<vmem_shared>>
      tpu.enqueue_dma source(%dma_start3A_429 : memref<64xi32, #tpu.memory_space<vmem_shared>>) target(%dma_start3A_428 : memref<64xi32, #tpu.memory_space<vmem>>) target_semaphore(%run_scoped3A_421 : memref<!tpu.dma_semaphore, #tpu.memory_space<semaphore_mem>>)
      %dma_wait3A_430 = arith.constant 0 : i32
      %dma_wait3A_431 = tpu.memref_slice %arg9[%run_scoped3A_328, %dma_wait3A_430] : memref<6x64xi32, #tpu.memory_space<vmem>> -> memref<1x64xi32, #tpu.memory_space<vmem>>
      %dma_wait3A_432 = tpu.memref_squeeze %dma_wait3A_431 : memref<1x64xi32, #tpu.memory_space<vmem>> -> memref<64xi32, #tpu.memory_space<vmem>>
      %dma_wait3A_433 = tpu.memref_slice %arg11[%add3A_327] : memref<12288xi32, #tpu.memory_space<vmem_shared>> -> memref<64xi32, #tpu.memory_space<vmem_shared>>
      %dma_wait3A_434 = arith.constant 0 : i32
      %dma_wait3A_435 = tpu.memref_slice %arg9[%run_scoped3A_328, %dma_wait3A_434] : memref<6x64xi32, #tpu.memory_space<vmem>> -> memref<1x64xi32, #tpu.memory_space<vmem>>
      %dma_wait3A_436 = tpu.memref_squeeze %dma_wait3A_435 : memref<1x64xi32, #tpu.memory_space<vmem>> -> memref<64xi32, #tpu.memory_space<vmem>>
      %dma_wait3A_437 = tpu.memref_slice %arg11[%add3A_327] : memref<12288xi32, #tpu.memory_space<vmem_shared>> -> memref<64xi32, #tpu.memory_space<vmem_shared>>
      tpu.wait_dma2 semaphore(%run_scoped3A_421 : memref<!tpu.dma_semaphore, #tpu.memory_space<semaphore_mem>>) src(%dma_wait3A_437 : memref<64xi32, #tpu.memory_space<vmem_shared>>) dst(%dma_wait3A_436 : memref<64xi32, #tpu.memory_space<vmem>>)
      tpu.yield
    }) : () -> ()
    %dma_start3A_329 = arith.constant 1 : i32
    %dma_start3A_330 = arith.constant 0 : i32
    %dma_start3A_331 = tpu.memref_slice %arg9[%dma_start3A_329, %dma_start3A_330] : memref<6x64xi32, #tpu.memory_space<vmem>> -> memref<1x64xi32, #tpu.memory_space<vmem>>
    %dma_start3A_332 = tpu.memref_squeeze %dma_start3A_331 : memref<1x64xi32, #tpu.memory_space<vmem>> -> memref<64xi32, #tpu.memory_space<vmem>>
    %dma_start3A_333 = arith.constant 0 : i32
    %dma_start3A_334 = arith.constant 0 : i32
    %dma_start3A_335 = tpu.memref_slice %arg2[%dma_start3A_333, %dma_start3A_334] : memref<4096x1024xf32, #tpu.memory_space<hbm>> -> memref<4096x1024xf32, #tpu.memory_space<hbm>>
    tpu.enqueue_indirect_dma source(%dma_start3A_335 : memref<4096x1024xf32, #tpu.memory_space<hbm>>) target(%arg10 : memref<64x1024xf32, #tpu.memory_space<vmem>>) offsets(%dma_start3A_332 : memref<64xi32, #tpu.memory_space<vmem>>) semaphore(%arg12 : memref<!tpu.dma_semaphore, #tpu.memory_space<semaphore_mem>>)
    %dma_wait3A_336 = arith.constant 1 : i32
    %dma_wait3A_337 = arith.constant 0 : i32
    %dma_wait3A_338 = tpu.memref_slice %arg9[%dma_wait3A_336, %dma_wait3A_337] : memref<6x64xi32, #tpu.memory_space<vmem>> -> memref<1x64xi32, #tpu.memory_space<vmem>>
    %dma_wait3A_339 = tpu.memref_squeeze %dma_wait3A_338 : memref<1x64xi32, #tpu.memory_space<vmem>> -> memref<64xi32, #tpu.memory_space<vmem>>
    %dma_wait3A_340 = arith.constant 0 : i32
    %dma_wait3A_341 = arith.constant 0 : i32
    %dma_wait3A_342 = tpu.memref_slice %arg2[%dma_wait3A_340, %dma_wait3A_341] : memref<4096x1024xf32, #tpu.memory_space<hbm>> -> memref<4096x1024xf32, #tpu.memory_space<hbm>>
    tpu.wait_indirect_dma semaphore(%arg12 : memref<!tpu.dma_semaphore, #tpu.memory_space<semaphore_mem>>) src(%dma_wait3A_342 : memref<4096x1024xf32, #tpu.memory_space<hbm>>) dst(%arg10 : memref<64x1024xf32, #tpu.memory_space<vmem>>)
    %add3A_343 = arith.constant 64 : i32
    %add3A_344 = arith.addi %mul3A_308, %add3A_343 : i32
    "tpu.region"() ({
      %run_scoped3A_421 = tpu.sem_alloc : memref<!tpu.dma_semaphore, #tpu.memory_space<semaphore_mem>>
      %dma_start3A_422 = arith.constant 0 : i32
      %dma_start3A_423 = tpu.memref_slice %arg5[%add3A_344, %dma_start3A_422] : memref<12288x1024xf32, #tpu.memory_space<hbm>> -> memref<64x1024xf32, #tpu.memory_space<hbm>>
      %dma_start3A_424 = arith.constant 0 : i32
      %dma_start3A_425 = tpu.memref_slice %arg5[%add3A_344, %dma_start3A_424] : memref<12288x1024xf32, #tpu.memory_space<hbm>> -> memref<64x1024xf32, #tpu.memory_space<hbm>>
      tpu.enqueue_dma source(%arg10 : memref<64x1024xf32, #tpu.memory_space<vmem>>) target(%dma_start3A_425 : memref<64x1024xf32, #tpu.memory_space<hbm>>) target_semaphore(%run_scoped3A_421 : memref<!tpu.dma_semaphore, #tpu.memory_space<semaphore_mem>>)
      %dma_wait3A_426 = arith.constant 0 : i32
      %dma_wait3A_427 = tpu.memref_slice %arg5[%add3A_344, %dma_wait3A_426] : memref<12288x1024xf32, #tpu.memory_space<hbm>> -> memref<64x1024xf32, #tpu.memory_space<hbm>>
      %dma_wait3A_428 = arith.constant 0 : i32
      %dma_wait3A_429 = tpu.memref_slice %arg5[%add3A_344, %dma_wait3A_428] : memref<12288x1024xf32, #tpu.memory_space<hbm>> -> memref<64x1024xf32, #tpu.memory_space<hbm>>
      tpu.wait_dma2 semaphore(%run_scoped3A_421 : memref<!tpu.dma_semaphore, #tpu.memory_space<semaphore_mem>>) src(%arg10 : memref<64x1024xf32, #tpu.memory_space<vmem>>) dst(%dma_wait3A_429 : memref<64x1024xf32, #tpu.memory_space<hbm>>)
      tpu.yield
    }) : () -> ()
    %add3A_345 = arith.constant 128 : i32
    %add3A_346 = arith.addi %mul3A_308, %add3A_345 : i32
    %run_scoped3A_347 = arith.constant 2 : i32
    "tpu.region"() ({
      %run_scoped3A_421 = tpu.sem_alloc : memref<!tpu.dma_semaphore, #tpu.memory_space<semaphore_mem>>
      %dma_start3A_422 = arith.constant 0 : i32
      %dma_start3A_423 = tpu.memref_slice %arg9[%run_scoped3A_347, %dma_start3A_422] : memref<6x64xi32, #tpu.memory_space<vmem>> -> memref<1x64xi32, #tpu.memory_space<vmem>>
      %dma_start3A_424 = tpu.memref_squeeze %dma_start3A_423 : memref<1x64xi32, #tpu.memory_space<vmem>> -> memref<64xi32, #tpu.memory_space<vmem>>
      %dma_start3A_425 = tpu.memref_slice %arg11[%add3A_346] : memref<12288xi32, #tpu.memory_space<vmem_shared>> -> memref<64xi32, #tpu.memory_space<vmem_shared>>
      %dma_start3A_426 = arith.constant 0 : i32
      %dma_start3A_427 = tpu.memref_slice %arg9[%run_scoped3A_347, %dma_start3A_426] : memref<6x64xi32, #tpu.memory_space<vmem>> -> memref<1x64xi32, #tpu.memory_space<vmem>>
      %dma_start3A_428 = tpu.memref_squeeze %dma_start3A_427 : memref<1x64xi32, #tpu.memory_space<vmem>> -> memref<64xi32, #tpu.memory_space<vmem>>
      %dma_start3A_429 = tpu.memref_slice %arg11[%add3A_346] : memref<12288xi32, #tpu.memory_space<vmem_shared>> -> memref<64xi32, #tpu.memory_space<vmem_shared>>
      tpu.enqueue_dma source(%dma_start3A_429 : memref<64xi32, #tpu.memory_space<vmem_shared>>) target(%dma_start3A_428 : memref<64xi32, #tpu.memory_space<vmem>>) target_semaphore(%run_scoped3A_421 : memref<!tpu.dma_semaphore, #tpu.memory_space<semaphore_mem>>)
      %dma_wait3A_430 = arith.constant 0 : i32
      %dma_wait3A_431 = tpu.memref_slice %arg9[%run_scoped3A_347, %dma_wait3A_430] : memref<6x64xi32, #tpu.memory_space<vmem>> -> memref<1x64xi32, #tpu.memory_space<vmem>>
      %dma_wait3A_432 = tpu.memref_squeeze %dma_wait3A_431 : memref<1x64xi32, #tpu.memory_space<vmem>> -> memref<64xi32, #tpu.memory_space<vmem>>
      %dma_wait3A_433 = tpu.memref_slice %arg11[%add3A_346] : memref<12288xi32, #tpu.memory_space<vmem_shared>> -> memref<64xi32, #tpu.memory_space<vmem_shared>>
      %dma_wait3A_434 = arith.constant 0 : i32
      %dma_wait3A_435 = tpu.memref_slice %arg9[%run_scoped3A_347, %dma_wait3A_434] : memref<6x64xi32, #tpu.memory_space<vmem>> -> memref<1x64xi32, #tpu.memory_space<vmem>>
      %dma_wait3A_436 = tpu.memref_squeeze %dma_wait3A_435 : memref<1x64xi32, #tpu.memory_space<vmem>> -> memref<64xi32, #tpu.memory_space<vmem>>
      %dma_wait3A_437 = tpu.memref_slice %arg11[%add3A_346] : memref<12288xi32, #tpu.memory_space<vmem_shared>> -> memref<64xi32, #tpu.memory_space<vmem_shared>>
      tpu.wait_dma2 semaphore(%run_scoped3A_421 : memref<!tpu.dma_semaphore, #tpu.memory_space<semaphore_mem>>) src(%dma_wait3A_437 : memref<64xi32, #tpu.memory_space<vmem_shared>>) dst(%dma_wait3A_436 : memref<64xi32, #tpu.memory_space<vmem>>)
      tpu.yield
    }) : () -> ()
    %dma_start3A_348 = arith.constant 2 : i32
    %dma_start3A_349 = arith.constant 0 : i32
    %dma_start3A_350 = tpu.memref_slice %arg9[%dma_start3A_348, %dma_start3A_349] : memref<6x64xi32, #tpu.memory_space<vmem>> -> memref<1x64xi32, #tpu.memory_space<vmem>>
    %dma_start3A_351 = tpu.memref_squeeze %dma_start3A_350 : memref<1x64xi32, #tpu.memory_space<vmem>> -> memref<64xi32, #tpu.memory_space<vmem>>
    %dma_start3A_352 = arith.constant 0 : i32
    %dma_start3A_353 = arith.constant 0 : i32
    %dma_start3A_354 = tpu.memref_slice %arg2[%dma_start3A_352, %dma_start3A_353] : memref<4096x1024xf32, #tpu.memory_space<hbm>> -> memref<4096x1024xf32, #tpu.memory_space<hbm>>
    tpu.enqueue_indirect_dma source(%dma_start3A_354 : memref<4096x1024xf32, #tpu.memory_space<hbm>>) target(%arg10 : memref<64x1024xf32, #tpu.memory_space<vmem>>) offsets(%dma_start3A_351 : memref<64xi32, #tpu.memory_space<vmem>>) semaphore(%arg12 : memref<!tpu.dma_semaphore, #tpu.memory_space<semaphore_mem>>)
    %dma_wait3A_355 = arith.constant 2 : i32
    %dma_wait3A_356 = arith.constant 0 : i32
    %dma_wait3A_357 = tpu.memref_slice %arg9[%dma_wait3A_355, %dma_wait3A_356] : memref<6x64xi32, #tpu.memory_space<vmem>> -> memref<1x64xi32, #tpu.memory_space<vmem>>
    %dma_wait3A_358 = tpu.memref_squeeze %dma_wait3A_357 : memref<1x64xi32, #tpu.memory_space<vmem>> -> memref<64xi32, #tpu.memory_space<vmem>>
    %dma_wait3A_359 = arith.constant 0 : i32
    %dma_wait3A_360 = arith.constant 0 : i32
    %dma_wait3A_361 = tpu.memref_slice %arg2[%dma_wait3A_359, %dma_wait3A_360] : memref<4096x1024xf32, #tpu.memory_space<hbm>> -> memref<4096x1024xf32, #tpu.memory_space<hbm>>
    tpu.wait_indirect_dma semaphore(%arg12 : memref<!tpu.dma_semaphore, #tpu.memory_space<semaphore_mem>>) src(%dma_wait3A_361 : memref<4096x1024xf32, #tpu.memory_space<hbm>>) dst(%arg10 : memref<64x1024xf32, #tpu.memory_space<vmem>>)
    %add3A_362 = arith.constant 128 : i32
    %add3A_363 = arith.addi %mul3A_308, %add3A_362 : i32
    "tpu.region"() ({
      %run_scoped3A_421 = tpu.sem_alloc : memref<!tpu.dma_semaphore, #tpu.memory_space<semaphore_mem>>
      %dma_start3A_422 = arith.constant 0 : i32
      %dma_start3A_423 = tpu.memref_slice %arg5[%add3A_363, %dma_start3A_422] : memref<12288x1024xf32, #tpu.memory_space<hbm>> -> memref<64x1024xf32, #tpu.memory_space<hbm>>
      %dma_start3A_424 = arith.constant 0 : i32
      %dma_start3A_425 = tpu.memref_slice %arg5[%add3A_363, %dma_start3A_424] : memref<12288x1024xf32, #tpu.memory_space<hbm>> -> memref<64x1024xf32, #tpu.memory_space<hbm>>
      tpu.enqueue_dma source(%arg10 : memref<64x1024xf32, #tpu.memory_space<vmem>>) target(%dma_start3A_425 : memref<64x1024xf32, #tpu.memory_space<hbm>>) target_semaphore(%run_scoped3A_421 : memref<!tpu.dma_semaphore, #tpu.memory_space<semaphore_mem>>)
      %dma_wait3A_426 = arith.constant 0 : i32
      %dma_wait3A_427 = tpu.memref_slice %arg5[%add3A_363, %dma_wait3A_426] : memref<12288x1024xf32, #tpu.memory_space<hbm>> -> memref<64x1024xf32, #tpu.memory_space<hbm>>
      %dma_wait3A_428 = arith.constant 0 : i32
      %dma_wait3A_429 = tpu.memref_slice %arg5[%add3A_363, %dma_wait3A_428] : memref<12288x1024xf32, #tpu.memory_space<hbm>> -> memref<64x1024xf32, #tpu.memory_space<hbm>>
      tpu.wait_dma2 semaphore(%run_scoped3A_421 : memref<!tpu.dma_semaphore, #tpu.memory_space<semaphore_mem>>) src(%arg10 : memref<64x1024xf32, #tpu.memory_space<vmem>>) dst(%dma_wait3A_429 : memref<64x1024xf32, #tpu.memory_space<hbm>>)
      tpu.yield
    }) : () -> ()
    %add3A_364 = arith.constant 192 : i32
    %add3A_365 = arith.addi %mul3A_308, %add3A_364 : i32
    %run_scoped3A_366 = arith.constant 3 : i32
    "tpu.region"() ({
      %run_scoped3A_421 = tpu.sem_alloc : memref<!tpu.dma_semaphore, #tpu.memory_space<semaphore_mem>>
      %dma_start3A_422 = arith.constant 0 : i32
      %dma_start3A_423 = tpu.memref_slice %arg9[%run_scoped3A_366, %dma_start3A_422] : memref<6x64xi32, #tpu.memory_space<vmem>> -> memref<1x64xi32, #tpu.memory_space<vmem>>
      %dma_start3A_424 = tpu.memref_squeeze %dma_start3A_423 : memref<1x64xi32, #tpu.memory_space<vmem>> -> memref<64xi32, #tpu.memory_space<vmem>>
      %dma_start3A_425 = tpu.memref_slice %arg11[%add3A_365] : memref<12288xi32, #tpu.memory_space<vmem_shared>> -> memref<64xi32, #tpu.memory_space<vmem_shared>>
      %dma_start3A_426 = arith.constant 0 : i32
      %dma_start3A_427 = tpu.memref_slice %arg9[%run_scoped3A_366, %dma_start3A_426] : memref<6x64xi32, #tpu.memory_space<vmem>> -> memref<1x64xi32, #tpu.memory_space<vmem>>
      %dma_start3A_428 = tpu.memref_squeeze %dma_start3A_427 : memref<1x64xi32, #tpu.memory_space<vmem>> -> memref<64xi32, #tpu.memory_space<vmem>>
      %dma_start3A_429 = tpu.memref_slice %arg11[%add3A_365] : memref<12288xi32, #tpu.memory_space<vmem_shared>> -> memref<64xi32, #tpu.memory_space<vmem_shared>>
      tpu.enqueue_dma source(%dma_start3A_429 : memref<64xi32, #tpu.memory_space<vmem_shared>>) target(%dma_start3A_428 : memref<64xi32, #tpu.memory_space<vmem>>) target_semaphore(%run_scoped3A_421 : memref<!tpu.dma_semaphore, #tpu.memory_space<semaphore_mem>>)
      %dma_wait3A_430 = arith.constant 0 : i32
      %dma_wait3A_431 = tpu.memref_slice %arg9[%run_scoped3A_366, %dma_wait3A_430] : memref<6x64xi32, #tpu.memory_space<vmem>> -> memref<1x64xi32, #tpu.memory_space<vmem>>
      %dma_wait3A_432 = tpu.memref_squeeze %dma_wait3A_431 : memref<1x64xi32, #tpu.memory_space<vmem>> -> memref<64xi32, #tpu.memory_space<vmem>>
      %dma_wait3A_433 = tpu.memref_slice %arg11[%add3A_365] : memref<12288xi32, #tpu.memory_space<vmem_shared>> -> memref<64xi32, #tpu.memory_space<vmem_shared>>
      %dma_wait3A_434 = arith.constant 0 : i32
      %dma_wait3A_435 = tpu.memref_slice %arg9[%run_scoped3A_366, %dma_wait3A_434] : memref<6x64xi32, #tpu.memory_space<vmem>> -> memref<1x64xi32, #tpu.memory_space<vmem>>
      %dma_wait3A_436 = tpu.memref_squeeze %dma_wait3A_435 : memref<1x64xi32, #tpu.memory_space<vmem>> -> memref<64xi32, #tpu.memory_space<vmem>>
      %dma_wait3A_437 = tpu.memref_slice %arg11[%add3A_365] : memref<12288xi32, #tpu.memory_space<vmem_shared>> -> memref<64xi32, #tpu.memory_space<vmem_shared>>
      tpu.wait_dma2 semaphore(%run_scoped3A_421 : memref<!tpu.dma_semaphore, #tpu.memory_space<semaphore_mem>>) src(%dma_wait3A_437 : memref<64xi32, #tpu.memory_space<vmem_shared>>) dst(%dma_wait3A_436 : memref<64xi32, #tpu.memory_space<vmem>>)
      tpu.yield
    }) : () -> ()
    %dma_start3A_367 = arith.constant 3 : i32
    %dma_start3A_368 = arith.constant 0 : i32
    %dma_start3A_369 = tpu.memref_slice %arg9[%dma_start3A_367, %dma_start3A_368] : memref<6x64xi32, #tpu.memory_space<vmem>> -> memref<1x64xi32, #tpu.memory_space<vmem>>
    %dma_start3A_370 = tpu.memref_squeeze %dma_start3A_369 : memref<1x64xi32, #tpu.memory_space<vmem>> -> memref<64xi32, #tpu.memory_space<vmem>>
    %dma_start3A_371 = arith.constant 0 : i32
    %dma_start3A_372 = arith.constant 0 : i32
    %dma_start3A_373 = tpu.memref_slice %arg2[%dma_start3A_371, %dma_start3A_372] : memref<4096x1024xf32, #tpu.memory_space<hbm>> -> memref<4096x1024xf32, #tpu.memory_space<hbm>>
    tpu.enqueue_indirect_dma source(%dma_start3A_373 : memref<4096x1024xf32, #tpu.memory_space<hbm>>) target(%arg10 : memref<64x1024xf32, #tpu.memory_space<vmem>>) offsets(%dma_start3A_370 : memref<64xi32, #tpu.memory_space<vmem>>) semaphore(%arg12 : memref<!tpu.dma_semaphore, #tpu.memory_space<semaphore_mem>>)
    %dma_wait3A_374 = arith.constant 3 : i32
    %dma_wait3A_375 = arith.constant 0 : i32
    %dma_wait3A_376 = tpu.memref_slice %arg9[%dma_wait3A_374, %dma_wait3A_375] : memref<6x64xi32, #tpu.memory_space<vmem>> -> memref<1x64xi32, #tpu.memory_space<vmem>>
    %dma_wait3A_377 = tpu.memref_squeeze %dma_wait3A_376 : memref<1x64xi32, #tpu.memory_space<vmem>> -> memref<64xi32, #tpu.memory_space<vmem>>
    %dma_wait3A_378 = arith.constant 0 : i32
    %dma_wait3A_379 = arith.constant 0 : i32
    %dma_wait3A_380 = tpu.memref_slice %arg2[%dma_wait3A_378, %dma_wait3A_379] : memref<4096x1024xf32, #tpu.memory_space<hbm>> -> memref<4096x1024xf32, #tpu.memory_space<hbm>>
    tpu.wait_indirect_dma semaphore(%arg12 : memref<!tpu.dma_semaphore, #tpu.memory_space<semaphore_mem>>) src(%dma_wait3A_380 : memref<4096x1024xf32, #tpu.memory_space<hbm>>) dst(%arg10 : memref<64x1024xf32, #tpu.memory_space<vmem>>)
    %add3A_381 = arith.constant 192 : i32
    %add3A_382 = arith.addi %mul3A_308, %add3A_381 : i32
    "tpu.region"() ({
      %run_scoped3A_421 = tpu.sem_alloc : memref<!tpu.dma_semaphore, #tpu.memory_space<semaphore_mem>>
      %dma_start3A_422 = arith.constant 0 : i32
      %dma_start3A_423 = tpu.memref_slice %arg5[%add3A_382, %dma_start3A_422] : memref<12288x1024xf32, #tpu.memory_space<hbm>> -> memref<64x1024xf32, #tpu.memory_space<hbm>>
      %dma_start3A_424 = arith.constant 0 : i32
      %dma_start3A_425 = tpu.memref_slice %arg5[%add3A_382, %dma_start3A_424] : memref<12288x1024xf32, #tpu.memory_space<hbm>> -> memref<64x1024xf32, #tpu.memory_space<hbm>>
      tpu.enqueue_dma source(%arg10 : memref<64x1024xf32, #tpu.memory_space<vmem>>) target(%dma_start3A_425 : memref<64x1024xf32, #tpu.memory_space<hbm>>) target_semaphore(%run_scoped3A_421 : memref<!tpu.dma_semaphore, #tpu.memory_space<semaphore_mem>>)
      %dma_wait3A_426 = arith.constant 0 : i32
      %dma_wait3A_427 = tpu.memref_slice %arg5[%add3A_382, %dma_wait3A_426] : memref<12288x1024xf32, #tpu.memory_space<hbm>> -> memref<64x1024xf32, #tpu.memory_space<hbm>>
      %dma_wait3A_428 = arith.constant 0 : i32
      %dma_wait3A_429 = tpu.memref_slice %arg5[%add3A_382, %dma_wait3A_428] : memref<12288x1024xf32, #tpu.memory_space<hbm>> -> memref<64x1024xf32, #tpu.memory_space<hbm>>
      tpu.wait_dma2 semaphore(%run_scoped3A_421 : memref<!tpu.dma_semaphore, #tpu.memory_space<semaphore_mem>>) src(%arg10 : memref<64x1024xf32, #tpu.memory_space<vmem>>) dst(%dma_wait3A_429 : memref<64x1024xf32, #tpu.memory_space<hbm>>)
      tpu.yield
    }) : () -> ()
    %add3A_383 = arith.constant 256 : i32
    %add3A_384 = arith.addi %mul3A_308, %add3A_383 : i32
    %run_scoped3A_385 = arith.constant 4 : i32
    "tpu.region"() ({
      %run_scoped3A_421 = tpu.sem_alloc : memref<!tpu.dma_semaphore, #tpu.memory_space<semaphore_mem>>
      %dma_start3A_422 = arith.constant 0 : i32
      %dma_start3A_423 = tpu.memref_slice %arg9[%run_scoped3A_385, %dma_start3A_422] : memref<6x64xi32, #tpu.memory_space<vmem>> -> memref<1x64xi32, #tpu.memory_space<vmem>>
      %dma_start3A_424 = tpu.memref_squeeze %dma_start3A_423 : memref<1x64xi32, #tpu.memory_space<vmem>> -> memref<64xi32, #tpu.memory_space<vmem>>
      %dma_start3A_425 = tpu.memref_slice %arg11[%add3A_384] : memref<12288xi32, #tpu.memory_space<vmem_shared>> -> memref<64xi32, #tpu.memory_space<vmem_shared>>
      %dma_start3A_426 = arith.constant 0 : i32
      %dma_start3A_427 = tpu.memref_slice %arg9[%run_scoped3A_385, %dma_start3A_426] : memref<6x64xi32, #tpu.memory_space<vmem>> -> memref<1x64xi32, #tpu.memory_space<vmem>>
      %dma_start3A_428 = tpu.memref_squeeze %dma_start3A_427 : memref<1x64xi32, #tpu.memory_space<vmem>> -> memref<64xi32, #tpu.memory_space<vmem>>
      %dma_start3A_429 = tpu.memref_slice %arg11[%add3A_384] : memref<12288xi32, #tpu.memory_space<vmem_shared>> -> memref<64xi32, #tpu.memory_space<vmem_shared>>
      tpu.enqueue_dma source(%dma_start3A_429 : memref<64xi32, #tpu.memory_space<vmem_shared>>) target(%dma_start3A_428 : memref<64xi32, #tpu.memory_space<vmem>>) target_semaphore(%run_scoped3A_421 : memref<!tpu.dma_semaphore, #tpu.memory_space<semaphore_mem>>)
      %dma_wait3A_430 = arith.constant 0 : i32
      %dma_wait3A_431 = tpu.memref_slice %arg9[%run_scoped3A_385, %dma_wait3A_430] : memref<6x64xi32, #tpu.memory_space<vmem>> -> memref<1x64xi32, #tpu.memory_space<vmem>>
      %dma_wait3A_432 = tpu.memref_squeeze %dma_wait3A_431 : memref<1x64xi32, #tpu.memory_space<vmem>> -> memref<64xi32, #tpu.memory_space<vmem>>
      %dma_wait3A_433 = tpu.memref_slice %arg11[%add3A_384] : memref<12288xi32, #tpu.memory_space<vmem_shared>> -> memref<64xi32, #tpu.memory_space<vmem_shared>>
      %dma_wait3A_434 = arith.constant 0 : i32
      %dma_wait3A_435 = tpu.memref_slice %arg9[%run_scoped3A_385, %dma_wait3A_434] : memref<6x64xi32, #tpu.memory_space<vmem>> -> memref<1x64xi32, #tpu.memory_space<vmem>>
      %dma_wait3A_436 = tpu.memref_squeeze %dma_wait3A_435 : memref<1x64xi32, #tpu.memory_space<vmem>> -> memref<64xi32, #tpu.memory_space<vmem>>
      %dma_wait3A_437 = tpu.memref_slice %arg11[%add3A_384] : memref<12288xi32, #tpu.memory_space<vmem_shared>> -> memref<64xi32, #tpu.memory_space<vmem_shared>>
      tpu.wait_dma2 semaphore(%run_scoped3A_421 : memref<!tpu.dma_semaphore, #tpu.memory_space<semaphore_mem>>) src(%dma_wait3A_437 : memref<64xi32, #tpu.memory_space<vmem_shared>>) dst(%dma_wait3A_436 : memref<64xi32, #tpu.memory_space<vmem>>)
      tpu.yield
    }) : () -> ()
    %dma_start3A_386 = arith.constant 4 : i32
    %dma_start3A_387 = arith.constant 0 : i32
    %dma_start3A_388 = tpu.memref_slice %arg9[%dma_start3A_386, %dma_start3A_387] : memref<6x64xi32, #tpu.memory_space<vmem>> -> memref<1x64xi32, #tpu.memory_space<vmem>>
    %dma_start3A_389 = tpu.memref_squeeze %dma_start3A_388 : memref<1x64xi32, #tpu.memory_space<vmem>> -> memref<64xi32, #tpu.memory_space<vmem>>
    %dma_start3A_390 = arith.constant 0 : i32
    %dma_start3A_391 = arith.constant 0 : i32
    %dma_start3A_392 = tpu.memref_slice %arg2[%dma_start3A_390, %dma_start3A_391] : memref<4096x1024xf32, #tpu.memory_space<hbm>> -> memref<4096x1024xf32, #tpu.memory_space<hbm>>
    tpu.enqueue_indirect_dma source(%dma_start3A_392 : memref<4096x1024xf32, #tpu.memory_space<hbm>>) target(%arg10 : memref<64x1024xf32, #tpu.memory_space<vmem>>) offsets(%dma_start3A_389 : memref<64xi32, #tpu.memory_space<vmem>>) semaphore(%arg12 : memref<!tpu.dma_semaphore, #tpu.memory_space<semaphore_mem>>)
    %dma_wait3A_393 = arith.constant 4 : i32
    %dma_wait3A_394 = arith.constant 0 : i32
    %dma_wait3A_395 = tpu.memref_slice %arg9[%dma_wait3A_393, %dma_wait3A_394] : memref<6x64xi32, #tpu.memory_space<vmem>> -> memref<1x64xi32, #tpu.memory_space<vmem>>
    %dma_wait3A_396 = tpu.memref_squeeze %dma_wait3A_395 : memref<1x64xi32, #tpu.memory_space<vmem>> -> memref<64xi32, #tpu.memory_space<vmem>>
    %dma_wait3A_397 = arith.constant 0 : i32
    %dma_wait3A_398 = arith.constant 0 : i32
    %dma_wait3A_399 = tpu.memref_slice %arg2[%dma_wait3A_397, %dma_wait3A_398] : memref<4096x1024xf32, #tpu.memory_space<hbm>> -> memref<4096x1024xf32, #tpu.memory_space<hbm>>
    tpu.wait_indirect_dma semaphore(%arg12 : memref<!tpu.dma_semaphore, #tpu.memory_space<semaphore_mem>>) src(%dma_wait3A_399 : memref<4096x1024xf32, #tpu.memory_space<hbm>>) dst(%arg10 : memref<64x1024xf32, #tpu.memory_space<vmem>>)
    %add3A_400 = arith.constant 256 : i32
    %add3A_401 = arith.addi %mul3A_308, %add3A_400 : i32
    "tpu.region"() ({
      %run_scoped3A_421 = tpu.sem_alloc : memref<!tpu.dma_semaphore, #tpu.memory_space<semaphore_mem>>
      %dma_start3A_422 = arith.constant 0 : i32
      %dma_start3A_423 = tpu.memref_slice %arg5[%add3A_401, %dma_start3A_422] : memref<12288x1024xf32, #tpu.memory_space<hbm>> -> memref<64x1024xf32, #tpu.memory_space<hbm>>
      %dma_start3A_424 = arith.constant 0 : i32
      %dma_start3A_425 = tpu.memref_slice %arg5[%add3A_401, %dma_start3A_424] : memref<12288x1024xf32, #tpu.memory_space<hbm>> -> memref<64x1024xf32, #tpu.memory_space<hbm>>
      tpu.enqueue_dma source(%arg10 : memref<64x1024xf32, #tpu.memory_space<vmem>>) target(%dma_start3A_425 : memref<64x1024xf32, #tpu.memory_space<hbm>>) target_semaphore(%run_scoped3A_421 : memref<!tpu.dma_semaphore, #tpu.memory_space<semaphore_mem>>)
      %dma_wait3A_426 = arith.constant 0 : i32
      %dma_wait3A_427 = tpu.memref_slice %arg5[%add3A_401, %dma_wait3A_426] : memref<12288x1024xf32, #tpu.memory_space<hbm>> -> memref<64x1024xf32, #tpu.memory_space<hbm>>
      %dma_wait3A_428 = arith.constant 0 : i32
      %dma_wait3A_429 = tpu.memref_slice %arg5[%add3A_401, %dma_wait3A_428] : memref<12288x1024xf32, #tpu.memory_space<hbm>> -> memref<64x1024xf32, #tpu.memory_space<hbm>>
      tpu.wait_dma2 semaphore(%run_scoped3A_421 : memref<!tpu.dma_semaphore, #tpu.memory_space<semaphore_mem>>) src(%arg10 : memref<64x1024xf32, #tpu.memory_space<vmem>>) dst(%dma_wait3A_429 : memref<64x1024xf32, #tpu.memory_space<hbm>>)
      tpu.yield
    }) : () -> ()
    %add3A_402 = arith.constant 320 : i32
    %add3A_403 = arith.addi %mul3A_308, %add3A_402 : i32
    %run_scoped3A_404 = arith.constant 5 : i32
    "tpu.region"() ({
      %run_scoped3A_421 = tpu.sem_alloc : memref<!tpu.dma_semaphore, #tpu.memory_space<semaphore_mem>>
      %dma_start3A_422 = arith.constant 0 : i32
      %dma_start3A_423 = tpu.memref_slice %arg9[%run_scoped3A_404, %dma_start3A_422] : memref<6x64xi32, #tpu.memory_space<vmem>> -> memref<1x64xi32, #tpu.memory_space<vmem>>
      %dma_start3A_424 = tpu.memref_squeeze %dma_start3A_423 : memref<1x64xi32, #tpu.memory_space<vmem>> -> memref<64xi32, #tpu.memory_space<vmem>>
      %dma_start3A_425 = tpu.memref_slice %arg11[%add3A_403] : memref<12288xi32, #tpu.memory_space<vmem_shared>> -> memref<64xi32, #tpu.memory_space<vmem_shared>>
      %dma_start3A_426 = arith.constant 0 : i32
      %dma_start3A_427 = tpu.memref_slice %arg9[%run_scoped3A_404, %dma_start3A_426] : memref<6x64xi32, #tpu.memory_space<vmem>> -> memref<1x64xi32, #tpu.memory_space<vmem>>
      %dma_start3A_428 = tpu.memref_squeeze %dma_start3A_427 : memref<1x64xi32, #tpu.memory_space<vmem>> -> memref<64xi32, #tpu.memory_space<vmem>>
      %dma_start3A_429 = tpu.memref_slice %arg11[%add3A_403] : memref<12288xi32, #tpu.memory_space<vmem_shared>> -> memref<64xi32, #tpu.memory_space<vmem_shared>>
      tpu.enqueue_dma source(%dma_start3A_429 : memref<64xi32, #tpu.memory_space<vmem_shared>>) target(%dma_start3A_428 : memref<64xi32, #tpu.memory_space<vmem>>) target_semaphore(%run_scoped3A_421 : memref<!tpu.dma_semaphore, #tpu.memory_space<semaphore_mem>>)
      %dma_wait3A_430 = arith.constant 0 : i32
      %dma_wait3A_431 = tpu.memref_slice %arg9[%run_scoped3A_404, %dma_wait3A_430] : memref<6x64xi32, #tpu.memory_space<vmem>> -> memref<1x64xi32, #tpu.memory_space<vmem>>
      %dma_wait3A_432 = tpu.memref_squeeze %dma_wait3A_431 : memref<1x64xi32, #tpu.memory_space<vmem>> -> memref<64xi32, #tpu.memory_space<vmem>>
      %dma_wait3A_433 = tpu.memref_slice %arg11[%add3A_403] : memref<12288xi32, #tpu.memory_space<vmem_shared>> -> memref<64xi32, #tpu.memory_space<vmem_shared>>
      %dma_wait3A_434 = arith.constant 0 : i32
      %dma_wait3A_435 = tpu.memref_slice %arg9[%run_scoped3A_404, %dma_wait3A_434] : memref<6x64xi32, #tpu.memory_space<vmem>> -> memref<1x64xi32, #tpu.memory_space<vmem>>
      %dma_wait3A_436 = tpu.memref_squeeze %dma_wait3A_435 : memref<1x64xi32, #tpu.memory_space<vmem>> -> memref<64xi32, #tpu.memory_space<vmem>>
      %dma_wait3A_437 = tpu.memref_slice %arg11[%add3A_403] : memref<12288xi32, #tpu.memory_space<vmem_shared>> -> memref<64xi32, #tpu.memory_space<vmem_shared>>
      tpu.wait_dma2 semaphore(%run_scoped3A_421 : memref<!tpu.dma_semaphore, #tpu.memory_space<semaphore_mem>>) src(%dma_wait3A_437 : memref<64xi32, #tpu.memory_space<vmem_shared>>) dst(%dma_wait3A_436 : memref<64xi32, #tpu.memory_space<vmem>>)
      tpu.yield
    }) : () -> ()
    %dma_start3A_405 = arith.constant 5 : i32
    %dma_start3A_406 = arith.constant 0 : i32
    %dma_start3A_407 = tpu.memref_slice %arg9[%dma_start3A_405, %dma_start3A_406] : memref<6x64xi32, #tpu.memory_space<vmem>> -> memref<1x64xi32, #tpu.memory_space<vmem>>
    %dma_start3A_408 = tpu.memref_squeeze %dma_start3A_407 : memref<1x64xi32, #tpu.memory_space<vmem>> -> memref<64xi32, #tpu.memory_space<vmem>>
    %dma_start3A_409 = arith.constant 0 : i32
    %dma_start3A_410 = arith.constant 0 : i32
    %dma_start3A_411 = tpu.memref_slice %arg2[%dma_start3A_409, %dma_start3A_410] : memref<4096x1024xf32, #tpu.memory_space<hbm>> -> memref<4096x1024xf32, #tpu.memory_space<hbm>>
    tpu.enqueue_indirect_dma source(%dma_start3A_411 : memref<4096x1024xf32, #tpu.memory_space<hbm>>) target(%arg10 : memref<64x1024xf32, #tpu.memory_space<vmem>>) offsets(%dma_start3A_408 : memref<64xi32, #tpu.memory_space<vmem>>) semaphore(%arg12 : memref<!tpu.dma_semaphore, #tpu.memory_space<semaphore_mem>>)
    %dma_wait3A_412 = arith.constant 5 : i32
    %dma_wait3A_413 = arith.constant 0 : i32
    %dma_wait3A_414 = tpu.memref_slice %arg9[%dma_wait3A_412, %dma_wait3A_413] : memref<6x64xi32, #tpu.memory_space<vmem>> -> memref<1x64xi32, #tpu.memory_space<vmem>>
    %dma_wait3A_415 = tpu.memref_squeeze %dma_wait3A_414 : memref<1x64xi32, #tpu.memory_space<vmem>> -> memref<64xi32, #tpu.memory_space<vmem>>
    %dma_wait3A_416 = arith.constant 0 : i32
    %dma_wait3A_417 = arith.constant 0 : i32
    %dma_wait3A_418 = tpu.memref_slice %arg2[%dma_wait3A_416, %dma_wait3A_417] : memref<4096x1024xf32, #tpu.memory_space<hbm>> -> memref<4096x1024xf32, #tpu.memory_space<hbm>>
    tpu.wait_indirect_dma semaphore(%arg12 : memref<!tpu.dma_semaphore, #tpu.memory_space<semaphore_mem>>) src(%dma_wait3A_418 : memref<4096x1024xf32, #tpu.memory_space<hbm>>) dst(%arg10 : memref<64x1024xf32, #tpu.memory_space<vmem>>)
    %add3A_419 = arith.constant 320 : i32
    %add3A_420 = arith.addi %mul3A_308, %add3A_419 : i32
    "tpu.region"() ({
      %run_scoped3A_421 = tpu.sem_alloc : memref<!tpu.dma_semaphore, #tpu.memory_space<semaphore_mem>>
      %dma_start3A_422 = arith.constant 0 : i32
      %dma_start3A_423 = tpu.memref_slice %arg5[%add3A_420, %dma_start3A_422] : memref<12288x1024xf32, #tpu.memory_space<hbm>> -> memref<64x1024xf32, #tpu.memory_space<hbm>>
      %dma_start3A_424 = arith.constant 0 : i32
      %dma_start3A_425 = tpu.memref_slice %arg5[%add3A_420, %dma_start3A_424] : memref<12288x1024xf32, #tpu.memory_space<hbm>> -> memref<64x1024xf32, #tpu.memory_space<hbm>>
      tpu.enqueue_dma source(%arg10 : memref<64x1024xf32, #tpu.memory_space<vmem>>) target(%dma_start3A_425 : memref<64x1024xf32, #tpu.memory_space<hbm>>) target_semaphore(%run_scoped3A_421 : memref<!tpu.dma_semaphore, #tpu.memory_space<semaphore_mem>>)
      %dma_wait3A_426 = arith.constant 0 : i32
      %dma_wait3A_427 = tpu.memref_slice %arg5[%add3A_420, %dma_wait3A_426] : memref<12288x1024xf32, #tpu.memory_space<hbm>> -> memref<64x1024xf32, #tpu.memory_space<hbm>>
      %dma_wait3A_428 = arith.constant 0 : i32
      %dma_wait3A_429 = tpu.memref_slice %arg5[%add3A_420, %dma_wait3A_428] : memref<12288x1024xf32, #tpu.memory_space<hbm>> -> memref<64x1024xf32, #tpu.memory_space<hbm>>
      tpu.wait_dma2 semaphore(%run_scoped3A_421 : memref<!tpu.dma_semaphore, #tpu.memory_space<semaphore_mem>>) src(%arg10 : memref<64x1024xf32, #tpu.memory_space<vmem>>) dst(%dma_wait3A_429 : memref<64x1024xf32, #tpu.memory_space<hbm>>)
      tpu.yield
    }) : () -> ()
    return
  }
}

#map = affine_map<(d0, d1) -> (0, 0)>
#map1 = affine_map<(d0, d1) -> (0)>
module attributes {stable_mosaic.version = 14 : i64} {
  func.func @body(%arg0: i32, %arg1: i32, %arg2: memref<12288x1024xf32, #tpu.memory_space<hbm>>, %arg3: memref<4096xi32, #tpu.memory_space<hbm>>, %arg4: memref<4096x1024xf32, #tpu.memory_space<hbm>>, %arg5: memref<64xi32, #tpu.memory_space<vmem>>, %arg6: memref<64x1024xf32, #tpu.memory_space<vmem>>, %arg7: memref<!tpu.dma_semaphore, #tpu.memory_space<semaphore_mem>>) attributes {dimension_semantics = [#tpu.dimension_semantics<core_parallel>, #tpu.dimension_semantics<subcore_parallel>], iteration_bounds = array<i64: 2, 16>, scalar_prefetch = 0 : i64, scratch_operands = 3 : i64, tpu.core_type = #tpu.core_type<sc_vector_subcore>, window_params = [{transform_indices = #map}, {transform_indices = #map1}, {transform_indices = #map}]} {
    %mul3A = arith.constant 2 : i32
    %mul3A_0 = arith.muli %arg1, %mul3A : i32
    %add3A = arith.addi %mul3A_0, %arg0 : i32
    %mul3A_1 = arith.constant 128 : i32
    %mul3A_2 = arith.muli %add3A, %mul3A_1 : i32
    %add3A_3 = arith.constant 0 : i32
    %add3A_4 = arith.addi %mul3A_2, %add3A_3 : i32
    "tpu.region"() ({
      %run_scoped3A = tpu.sem_alloc : memref<!tpu.dma_semaphore, #tpu.memory_space<semaphore_mem>>
      %dma_start3A_17 = tpu.memref_slice %arg3[%add3A_4] : memref<4096xi32, #tpu.memory_space<hbm>> -> memref<64xi32, #tpu.memory_space<hbm>>
      %dma_start3A_18 = tpu.memref_slice %arg3[%add3A_4] : memref<4096xi32, #tpu.memory_space<hbm>> -> memref<64xi32, #tpu.memory_space<hbm>>
      tpu.enqueue_dma source(%dma_start3A_18 : memref<64xi32, #tpu.memory_space<hbm>>) target(%arg5 : memref<64xi32, #tpu.memory_space<vmem>>) target_semaphore(%run_scoped3A : memref<!tpu.dma_semaphore, #tpu.memory_space<semaphore_mem>>)
      %dma_wait3A_19 = tpu.memref_slice %arg3[%add3A_4] : memref<4096xi32, #tpu.memory_space<hbm>> -> memref<64xi32, #tpu.memory_space<hbm>>
      %dma_wait3A_20 = tpu.memref_slice %arg3[%add3A_4] : memref<4096xi32, #tpu.memory_space<hbm>> -> memref<64xi32, #tpu.memory_space<hbm>>
      tpu.wait_dma2 semaphore(%run_scoped3A : memref<!tpu.dma_semaphore, #tpu.memory_space<semaphore_mem>>) src(%dma_wait3A_20 : memref<64xi32, #tpu.memory_space<hbm>>) dst(%arg5 : memref<64xi32, #tpu.memory_space<vmem>>)
      tpu.yield
    }) : () -> ()
    %dma_start3A = arith.constant 0 : i32
    %dma_start3A_5 = arith.constant 0 : i32
    %dma_start3A_6 = tpu.memref_slice %arg2[%dma_start3A, %dma_start3A_5] : memref<12288x1024xf32, #tpu.memory_space<hbm>> -> memref<12288x1024xf32, #tpu.memory_space<hbm>>
    tpu.enqueue_indirect_dma source(%dma_start3A_6 : memref<12288x1024xf32, #tpu.memory_space<hbm>>) target(%arg6 : memref<64x1024xf32, #tpu.memory_space<vmem>>) offsets(%arg5 : memref<64xi32, #tpu.memory_space<vmem>>) semaphore(%arg7 : memref<!tpu.dma_semaphore, #tpu.memory_space<semaphore_mem>>)
    %dma_wait3A = arith.constant 0 : i32
    %dma_wait3A_7 = arith.constant 0 : i32
    %dma_wait3A_8 = tpu.memref_slice %arg2[%dma_wait3A, %dma_wait3A_7] : memref<12288x1024xf32, #tpu.memory_space<hbm>> -> memref<12288x1024xf32, #tpu.memory_space<hbm>>
    tpu.wait_indirect_dma semaphore(%arg7 : memref<!tpu.dma_semaphore, #tpu.memory_space<semaphore_mem>>) src(%dma_wait3A_8 : memref<12288x1024xf32, #tpu.memory_space<hbm>>) dst(%arg6 : memref<64x1024xf32, #tpu.memory_space<vmem>>)
    "tpu.region"() ({
      %run_scoped3A = tpu.sem_alloc : memref<!tpu.dma_semaphore, #tpu.memory_space<semaphore_mem>>
      %dma_start3A_17 = arith.constant 0 : i32
      %dma_start3A_18 = tpu.memref_slice %arg4[%add3A_4, %dma_start3A_17] : memref<4096x1024xf32, #tpu.memory_space<hbm>> -> memref<64x1024xf32, #tpu.memory_space<hbm>>
      %dma_start3A_19 = arith.constant 0 : i32
      %dma_start3A_20 = tpu.memref_slice %arg4[%add3A_4, %dma_start3A_19] : memref<4096x1024xf32, #tpu.memory_space<hbm>> -> memref<64x1024xf32, #tpu.memory_space<hbm>>
      tpu.enqueue_dma source(%arg6 : memref<64x1024xf32, #tpu.memory_space<vmem>>) target(%dma_start3A_20 : memref<64x1024xf32, #tpu.memory_space<hbm>>) target_semaphore(%run_scoped3A : memref<!tpu.dma_semaphore, #tpu.memory_space<semaphore_mem>>)
      %dma_wait3A_21 = arith.constant 0 : i32
      %dma_wait3A_22 = tpu.memref_slice %arg4[%add3A_4, %dma_wait3A_21] : memref<4096x1024xf32, #tpu.memory_space<hbm>> -> memref<64x1024xf32, #tpu.memory_space<hbm>>
      %dma_wait3A_23 = arith.constant 0 : i32
      %dma_wait3A_24 = tpu.memref_slice %arg4[%add3A_4, %dma_wait3A_23] : memref<4096x1024xf32, #tpu.memory_space<hbm>> -> memref<64x1024xf32, #tpu.memory_space<hbm>>
      tpu.wait_dma2 semaphore(%run_scoped3A : memref<!tpu.dma_semaphore, #tpu.memory_space<semaphore_mem>>) src(%arg6 : memref<64x1024xf32, #tpu.memory_space<vmem>>) dst(%dma_wait3A_24 : memref<64x1024xf32, #tpu.memory_space<hbm>>)
      tpu.yield
    }) : () -> ()
    %add3A_9 = arith.constant 64 : i32
    %add3A_10 = arith.addi %mul3A_2, %add3A_9 : i32
    "tpu.region"() ({
      %run_scoped3A = tpu.sem_alloc : memref<!tpu.dma_semaphore, #tpu.memory_space<semaphore_mem>>
      %dma_start3A_17 = tpu.memref_slice %arg3[%add3A_10] : memref<4096xi32, #tpu.memory_space<hbm>> -> memref<64xi32, #tpu.memory_space<hbm>>
      %dma_start3A_18 = tpu.memref_slice %arg3[%add3A_10] : memref<4096xi32, #tpu.memory_space<hbm>> -> memref<64xi32, #tpu.memory_space<hbm>>
      tpu.enqueue_dma source(%dma_start3A_18 : memref<64xi32, #tpu.memory_space<hbm>>) target(%arg5 : memref<64xi32, #tpu.memory_space<vmem>>) target_semaphore(%run_scoped3A : memref<!tpu.dma_semaphore, #tpu.memory_space<semaphore_mem>>)
      %dma_wait3A_19 = tpu.memref_slice %arg3[%add3A_10] : memref<4096xi32, #tpu.memory_space<hbm>> -> memref<64xi32, #tpu.memory_space<hbm>>
      %dma_wait3A_20 = tpu.memref_slice %arg3[%add3A_10] : memref<4096xi32, #tpu.memory_space<hbm>> -> memref<64xi32, #tpu.memory_space<hbm>>
      tpu.wait_dma2 semaphore(%run_scoped3A : memref<!tpu.dma_semaphore, #tpu.memory_space<semaphore_mem>>) src(%dma_wait3A_20 : memref<64xi32, #tpu.memory_space<hbm>>) dst(%arg5 : memref<64xi32, #tpu.memory_space<vmem>>)
      tpu.yield
    }) : () -> ()
    %dma_start3A_11 = arith.constant 0 : i32
    %dma_start3A_12 = arith.constant 0 : i32
    %dma_start3A_13 = tpu.memref_slice %arg2[%dma_start3A_11, %dma_start3A_12] : memref<12288x1024xf32, #tpu.memory_space<hbm>> -> memref<12288x1024xf32, #tpu.memory_space<hbm>>
    tpu.enqueue_indirect_dma source(%dma_start3A_13 : memref<12288x1024xf32, #tpu.memory_space<hbm>>) target(%arg6 : memref<64x1024xf32, #tpu.memory_space<vmem>>) offsets(%arg5 : memref<64xi32, #tpu.memory_space<vmem>>) semaphore(%arg7 : memref<!tpu.dma_semaphore, #tpu.memory_space<semaphore_mem>>)
    %dma_wait3A_14 = arith.constant 0 : i32
    %dma_wait3A_15 = arith.constant 0 : i32
    %dma_wait3A_16 = tpu.memref_slice %arg2[%dma_wait3A_14, %dma_wait3A_15] : memref<12288x1024xf32, #tpu.memory_space<hbm>> -> memref<12288x1024xf32, #tpu.memory_space<hbm>>
    tpu.wait_indirect_dma semaphore(%arg7 : memref<!tpu.dma_semaphore, #tpu.memory_space<semaphore_mem>>) src(%dma_wait3A_16 : memref<12288x1024xf32, #tpu.memory_space<hbm>>) dst(%arg6 : memref<64x1024xf32, #tpu.memory_space<vmem>>)
    "tpu.region"() ({
      %run_scoped3A = tpu.sem_alloc : memref<!tpu.dma_semaphore, #tpu.memory_space<semaphore_mem>>
      %dma_start3A_17 = arith.constant 0 : i32
      %dma_start3A_18 = tpu.memref_slice %arg4[%add3A_10, %dma_start3A_17] : memref<4096x1024xf32, #tpu.memory_space<hbm>> -> memref<64x1024xf32, #tpu.memory_space<hbm>>
      %dma_start3A_19 = arith.constant 0 : i32
      %dma_start3A_20 = tpu.memref_slice %arg4[%add3A_10, %dma_start3A_19] : memref<4096x1024xf32, #tpu.memory_space<hbm>> -> memref<64x1024xf32, #tpu.memory_space<hbm>>
      tpu.enqueue_dma source(%arg6 : memref<64x1024xf32, #tpu.memory_space<vmem>>) target(%dma_start3A_20 : memref<64x1024xf32, #tpu.memory_space<hbm>>) target_semaphore(%run_scoped3A : memref<!tpu.dma_semaphore, #tpu.memory_space<semaphore_mem>>)
      %dma_wait3A_21 = arith.constant 0 : i32
      %dma_wait3A_22 = tpu.memref_slice %arg4[%add3A_10, %dma_wait3A_21] : memref<4096x1024xf32, #tpu.memory_space<hbm>> -> memref<64x1024xf32, #tpu.memory_space<hbm>>
      %dma_wait3A_23 = arith.constant 0 : i32
      %dma_wait3A_24 = tpu.memref_slice %arg4[%add3A_10, %dma_wait3A_23] : memref<4096x1024xf32, #tpu.memory_space<hbm>> -> memref<64x1024xf32, #tpu.memory_space<hbm>>
      tpu.wait_dma2 semaphore(%run_scoped3A : memref<!tpu.dma_semaphore, #tpu.memory_space<semaphore_mem>>) src(%arg6 : memref<64x1024xf32, #tpu.memory_space<vmem>>) dst(%dma_wait3A_24 : memref<64x1024xf32, #tpu.memory_space<hbm>>)
      tpu.yield
    }) : () -> ()
    return
  }
}

module attributes {stable_mosaic.version = 14 : i64} {
  func.func @_qkv_body(%arg0: i32, %arg1: i32, %arg2: memref<512x1024xf32, #tpu.memory_space<vmem>>, %arg3: memref<1024x1024xf32, #tpu.memory_space<vmem>>, %arg4: memref<1x1x1024xf32, #tpu.memory_space<vmem>>, %arg5: memref<512x1024xf32, #tpu.memory_space<vmem>>) attributes {dimension_semantics = [#tpu.dimension_semantics<arbitrary>, #tpu.dimension_semantics<arbitrary>], iteration_bounds = array<i64: 8, 3>, scalar_prefetch = 0 : i64, scratch_operands = 0 : i64, tpu.core_type = #tpu.core_type<tc>, window_params = [{transform_indices = @transform_0, window_bounds = array<i64: 512, 1024>}, {transform_indices = @transform_1, window_bounds = array<i64: 1024, 1024>}, {transform_indices = @transform_2, window_bounds = array<i64: 1, 1, 1024>}, {transform_indices = @transform_3, window_bounds = array<i64: 512, 1024>}]} {
    %get3A = arith.constant 0 : index
    %get3A_0 = arith.constant 0 : index
    %get3A_1 = vector.load %arg2[%get3A, %get3A_0] : memref<512x1024xf32, #tpu.memory_space<vmem>>, vector<512x1024xf32>
    %get3A_2 = arith.constant 0 : index
    %get3A_3 = arith.constant 0 : index
    %get3A_4 = vector.load %arg3[%get3A_2, %get3A_3] : memref<1024x1024xf32, #tpu.memory_space<vmem>>, vector<1024x1024xf32>
    %dot_general3A = arith.constant dense<0.000000e+00> : vector<512x1024xf32>
    %dot_general3A_5 = tpu.matmul %get3A_1, %get3A_4, %dot_general3A {dimension_numbers = #tpu.dot_dimension_numbers<[1], [1], [0], [0], [0, 0, 1, 0], [], []>, transpose_lhs_hint = false} : vector<512x1024xf32>, vector<1024x1024xf32>, vector<512x1024xf32> -> vector<512x1024xf32>
    %get3A_6 = arith.constant 0 : index
    %get3A_7 = arith.constant 0 : index
    %get3A_8 = arith.constant 0 : index
    %get3A_9 = vector.load %arg4[%get3A_6, %get3A_7, %get3A_8] : memref<1x1x1024xf32, #tpu.memory_space<vmem>>, vector<1x1x1024xf32>
    %get3A_10 = vector.shape_cast %get3A_9 : vector<1x1x1024xf32> to vector<1x1024xf32>
    %add3A = vector.broadcast %get3A_10 : vector<1x1024xf32> to vector<512x1024xf32>
    %add3A_11 = arith.addf %dot_general3A_5, %add3A : vector<512x1024xf32>
    %swap3A = arith.constant 0 : index
    %swap3A_12 = arith.constant 0 : index
    %swap3A_13 = vector.load %arg5[%swap3A, %swap3A_12] : memref<512x1024xf32, #tpu.memory_space<vmem>>, vector<512x1024xf32>
    tpu.vector_store %arg5[%swap3A, %swap3A_12], %add3A_11 {strides = array<i32>} : memref<512x1024xf32, #tpu.memory_space<vmem>>, vector<512x1024xf32>,
    return
  }
  func.func @transform_0(%arg0: i32, %arg1: i32) -> (i32, i32) {
    %c0_i32 = arith.constant 0 : i32
    %c0_i32_0 = arith.constant 0 : i32
    return %arg0, %c0_i32 : i32, i32
  }
  func.func @transform_1(%arg0: i32, %arg1: i32) -> (i32, i32) {
    %c0_i32 = arith.constant 0 : i32
    %c0_i32_0 = arith.constant 0 : i32
    return %arg1, %c0_i32 : i32, i32
  }
  func.func @transform_2(%arg0: i32, %arg1: i32) -> (i32, i32, i32) {
    %c0_i32 = arith.constant 0 : i32
    %c0_i32_0 = arith.constant 0 : i32
    %c0_i32_1 = arith.constant 0 : i32
    return %arg1, %c0_i32, %c0_i32_0 : i32, i32, i32
  }
  func.func @transform_3(%arg0: i32, %arg1: i32) -> (i32, i32) {
    %c0_i32 = arith.constant 0 : i32
    return %arg0, %arg1 : i32, i32
  }
}

module {
  func.func @main(%arg0: i32, %arg1: i32, %arg2: i32, %arg3: i32, %arg4: memref<1x1x1024x1024xf32, #tpu.memory_space<vmem>>, %arg5: memref<1x1x1024x256xf32, #tpu.memory_space<vmem>>, %arg6: memref<1x1x1024x256xf32, #tpu.memory_space<vmem>>, %arg7: memref<1x1x1024x1xf32, #tpu.memory_space<vmem>>, %arg8: memref<1x1x1024x1xf32, #tpu.memory_space<vmem>>) attributes {dimension_semantics = [#tpu.dimension_semantics<parallel>, #tpu.dimension_semantics<parallel>, #tpu.dimension_semantics<parallel>, #tpu.dimension_semantics<arbitrary>], iteration_bounds = array<i64: 2, 4, 2, 2>, scratch_operands = 2 : i64, window_params = [{transform_indices = @qk_fn, window_bounds = array<i64: 1, 1, 1024, 1024>}, {transform_indices = @v_fn, window_bounds = array<i64: 1, 1, 1024, 256>}, {transform_indices = @oi_fn, window_bounds = array<i64: 1, 1, 1024, 256>}]} {
    %c0 = arith.constant 0 : index
    %c0_i32 = arith.constant 0 : i32
    %0 = arith.cmpi eq, %c0_i32, %arg3 : i32
    scf.if %0 {
      %cst_3 = arith.constant dense<0.000000e+00> : vector<1x1x1024x256xf32>
      vector.store %cst_3, %arg6[%c0, %c0, %c0, %c0] : memref<1x1x1024x256xf32, #tpu.memory_space<vmem>>, vector<1x1x1024x256xf32>
      %cst_4 = arith.constant dense<0xFF800000> : vector<1x1x1024x1xf32>
      vector.store %cst_4, %arg7[%c0, %c0, %c0, %c0] : memref<1x1x1024x1xf32, #tpu.memory_space<vmem>>, vector<1x1x1024x1xf32>
      %cst_5 = arith.constant dense<0.000000e+00> : vector<1x1x1024x1xf32>
      vector.store %cst_5, %arg8[%c0, %c0, %c0, %c0] : memref<1x1x1024x1xf32, #tpu.memory_space<vmem>>, vector<1x1x1024x1xf32>
    }
    %1 = vector.load %arg4[%c0, %c0, %c0, %c0] : memref<1x1x1024x1024xf32, #tpu.memory_space<vmem>>, vector<1x1x1024x1024xf32>
    %cst = arith.constant dense<0xFF800000> : vector<1x1x1024xf32>
    %2 = vector.multi_reduction <maximumf>, %1, %cst [3] : vector<1x1x1024x1024xf32> to vector<1x1x1024xf32>
    %3 = vector.shape_cast %2 : vector<1x1x1024xf32> to vector<1x1x1024x1xf32>
    %4 = vector.load %arg7[%c0, %c0, %c0, %c0] : memref<1x1x1024x1xf32, #tpu.memory_space<vmem>>, vector<1x1x1024x1xf32>
    %5 = arith.maximumf %4, %3 : vector<1x1x1024x1xf32>
    %cst_0 = arith.constant dense<0.000000e+00> : vector<1x1x1024x1xf32>
    %6 = arith.cmpf oeq, %4, %5 : vector<1x1x1024x1xf32>
    %7 = arith.subf %4, %5 : vector<1x1x1024x1xf32>
    %8 = arith.select %6, %cst_0, %7 : vector<1x1x1024x1xi1>, vector<1x1x1024x1xf32>
    %9 = vector.broadcast %5 : vector<1x1x1024x1xf32> to vector<1x1x1024x1024xf32>
    %10 = arith.subf %1, %9 : vector<1x1x1024x1024xf32>
    %11 = math.exp %10 : vector<1x1x1024x1024xf32>
    %cst_1 = arith.constant dense<0.000000e+00> : vector<1x1x1024xf32>
    %12 = vector.multi_reduction <add>, %11, %cst_1 [3] : vector<1x1x1024x1024xf32> to vector<1x1x1024xf32>
    %13 = vector.shape_cast %12 : vector<1x1x1024xf32> to vector<1x1x1024x1xf32>
    %14 = vector.load %arg8[%c0, %c0, %c0, %c0] : memref<1x1x1024x1xf32, #tpu.memory_space<vmem>>, vector<1x1x1024x1xf32>
    %15 = math.exp %8 : vector<1x1x1024x1xf32>
    %16 = arith.mulf %15, %14 : vector<1x1x1024x1xf32>
    %17 = arith.addf %16, %13 : vector<1x1x1024x1xf32>
    %18 = vector.load %arg6[%c0, %c0, %c0, %c0] : memref<1x1x1024x256xf32, #tpu.memory_space<vmem>>, vector<1x1x1024x256xf32>
    %19 = math.exp %8 : vector<1x1x1024x1xf32>
    %20 = arith.mulf %19, %14 : vector<1x1x1024x1xf32>
    %21 = vector.broadcast %20 : vector<1x1x1024x1xf32> to vector<1x1x1024x256xf32>
    %22 = arith.mulf %21, %18 : vector<1x1x1024x256xf32>
    %23 = vector.load %arg5[%c0, %c0, %c0, %c0] : memref<1x1x1024x256xf32, #tpu.memory_space<vmem>>, vector<1x1x1024x256xf32>
    %24 = vector.shape_cast %23 : vector<1x1x1024x256xf32> to vector<1024x256xf32>
    %25 = vector.shape_cast %11 : vector<1x1x1024x1024xf32> to vector<1024x1024xf32>
    %26 = vector.shape_cast %22 : vector<1x1x1024x256xf32> to vector<1024x256xf32>
    %27 = tpu.matmul %25, %24, %26 {dimension_numbers = #tpu.dot_dimension_numbers<[1], [0], [0], [1], [0, 0, 1, 1], [], []>, precision = #tpu.contract_precision<bf16>, transpose_lhs_hint = false} : vector<1024x1024xf32>, vector<1024x256xf32>, vector<1024x256xf32> -> vector<1024x256xf32>
    %28 = vector.shape_cast %27 : vector<1024x256xf32> to vector<1x1x1024x256xf32>
    %cst_2 = arith.constant dense<1.000000e+00> : vector<1x1x1024x1xf32>
    %29 = arith.divf %cst_2, %17 : vector<1x1x1024x1xf32>
    %30 = vector.broadcast %29 : vector<1x1x1024x1xf32> to vector<1x1x1024x256xf32>
    %31 = arith.mulf %28, %30 : vector<1x1x1024x256xf32>
    %32 = vector.shape_cast %31 : vector<1x1x1024x256xf32> to vector<1x1x1024x256xf32>
    vector.store %32, %arg6[%c0, %c0, %c0, %c0] : memref<1x1x1024x256xf32, #tpu.memory_space<vmem>>, vector<1x1x1024x256xf32>
    vector.store %5, %arg7[%c0, %c0, %c0, %c0] : memref<1x1x1024x1xf32, #tpu.memory_space<vmem>>, vector<1x1x1024x1xf32>
    vector.store %17, %arg8[%c0, %c0, %c0, %c0] : memref<1x1x1024x1xf32, #tpu.memory_space<vmem>>, vector<1x1x1024x1xf32>
    return
  }
  func.func @qk_fn(%arg0: i32, %arg1: i32, %arg2: i32, %arg3: i32) -> (i32, i32, i32, i32) {
    return %arg0, %arg1, %arg2, %arg3 : i32, i32, i32, i32
  }
  func.func @v_fn(%arg0: i32, %arg1: i32, %arg2: i32, %arg3: i32) -> (i32, i32, i32, i32) {
    %c0_i32 = arith.constant 0 : i32
    return %arg0, %arg1, %arg3, %c0_i32 : i32, i32, i32, i32
  }
  func.func @oi_fn(%arg0: i32, %arg1: i32, %arg2: i32, %arg3: i32) -> (i32, i32, i32, i32) {
    %c0_i32 = arith.constant 0 : i32
    return %arg0, %arg1, %arg2, %c0_i32 : i32, i32, i32, i32
  }
}

module attributes {stable_mosaic.version = 14 : i64} {
  func.func @_attn_body(%arg0: i32, %arg1: i32, %arg2: memref<1x512x256xf32, #tpu.memory_space<vmem>>, %arg3: memref<1x2048x256xf32, #tpu.memory_space<vmem>>, %arg4: memref<1x2048x256xf32, #tpu.memory_space<vmem>>, %arg5: memref<1x512x256xf32, #tpu.memory_space<vmem>>) attributes {dimension_semantics = [#tpu.dimension_semantics<arbitrary>, #tpu.dimension_semantics<arbitrary>], iteration_bounds = array<i64: 8, 4>, scalar_prefetch = 0 : i64, scratch_operands = 0 : i64, tpu.core_type = #tpu.core_type<tc>, window_params = [{transform_indices = @transform_0, window_bounds = array<i64: 1, 512, 256>}, {transform_indices = @transform_1, window_bounds = array<i64: 1, 2048, 256>}, {transform_indices = @transform_2, window_bounds = array<i64: 1, 2048, 256>}, {transform_indices = @transform_3, window_bounds = array<i64: 1, 512, 256>}]} {
    %get3A = arith.constant 0 : index
    %get3A_0 = arith.constant 0 : index
    %get3A_1 = arith.constant 0 : index
    %get3A_2 = vector.load %arg2[%get3A, %get3A_0, %get3A_1] : memref<1x512x256xf32, #tpu.memory_space<vmem>>, vector<1x512x256xf32>
    %get3A_3 = vector.shape_cast %get3A_2 : vector<1x512x256xf32> to vector<512x256xf32>
    %get3A_4 = arith.constant 0 : index
    %get3A_5 = arith.constant 0 : index
    %get3A_6 = arith.constant 0 : index
    %get3A_7 = vector.load %arg3[%get3A_4, %get3A_5, %get3A_6] : memref<1x2048x256xf32, #tpu.memory_space<vmem>>, vector<1x2048x256xf32>
    %get3A_8 = vector.shape_cast %get3A_7 : vector<1x2048x256xf32> to vector<2048x256xf32>
    %get3A_9 = arith.constant 0 : index
    %get3A_10 = arith.constant 0 : index
    %get3A_11 = arith.constant 0 : index
    %get3A_12 = vector.load %arg4[%get3A_9, %get3A_10, %get3A_11] : memref<1x2048x256xf32, #tpu.memory_space<vmem>>, vector<1x2048x256xf32>
    %get3A_13 = vector.shape_cast %get3A_12 : vector<1x2048x256xf32> to vector<2048x256xf32>
    %dot_general3A = arith.constant dense<0.000000e+00> : vector<512x2048xf32>
    %dot_general3A_14 = tpu.matmul %get3A_3, %get3A_8, %dot_general3A {dimension_numbers = #tpu.dot_dimension_numbers<[1], [1], [0], [0], [0, 0, 1, 0], [], []>, transpose_lhs_hint = false} : vector<512x256xf32>, vector<2048x256xf32>, vector<512x2048xf32> -> vector<512x2048xf32>
    %mul3A = arith.constant 6.250000e-02 : f32
    %mul3A_15 = vector.broadcast %mul3A : f32 to vector<512x2048xf32>
    %mul3A_16 = arith.mulf %dot_general3A_14, %mul3A_15 : vector<512x2048xf32>
    %reduce_max3A = arith.constant dense<0xFF800000> : vector<512xf32>
    %reduce_max3A_17 = vector.multi_reduction <maximumf>, %mul3A_16, %reduce_max3A [1] : vector<512x2048xf32> to vector<512xf32>
    %broadcast_in_dim3A = vector.shape_cast %reduce_max3A_17 : vector<512xf32> to vector<512x1xf32>
    %sub3A = vector.broadcast %broadcast_in_dim3A : vector<512x1xf32> to vector<512x2048xf32>
    %sub3A_18 = arith.subf %mul3A_16, %sub3A : vector<512x2048xf32>
    %exp3A = math.exp %sub3A_18 : vector<512x2048xf32>
    %dot_general3A_19 = arith.constant dense<0.000000e+00> : vector<512x256xf32>
    %dot_general3A_20 = tpu.matmul %exp3A, %get3A_13, %dot_general3A_19 {dimension_numbers = #tpu.dot_dimension_numbers<[1], [0], [0], [1], [0, 0, 1, 1], [], []>, transpose_lhs_hint = false} : vector<512x2048xf32>, vector<2048x256xf32>, vector<512x256xf32> -> vector<512x256xf32>
    %reduce_sum3A = arith.constant dense<0.000000e+00> : vector<512xf32>
    %reduce_sum3A_21 = vector.multi_reduction <add>, %exp3A, %reduce_sum3A [1] : vector<512x2048xf32> to vector<512xf32>
    %broadcast_in_dim3A_22 = vector.shape_cast %reduce_sum3A_21 : vector<512xf32> to vector<512x1xf32>
    %div3A = vector.broadcast %broadcast_in_dim3A_22 : vector<512x1xf32> to vector<512x256xf32>
    %div3A_23 = arith.divf %dot_general3A_20, %div3A : vector<512x256xf32>
    %swap3A = arith.constant 0 : index
    %swap3A_24 = arith.constant 0 : index
    %swap3A_25 = arith.constant 0 : index
    %swap3A_26 = vector.load %arg5[%swap3A, %swap3A_24, %swap3A_25] : memref<1x512x256xf32, #tpu.memory_space<vmem>>, vector<1x512x256xf32>
    %swap3A_27 = vector.shape_cast %swap3A_26 : vector<1x512x256xf32> to vector<512x256xf32>
    %swap3A_28 = vector.shape_cast %div3A_23 : vector<512x256xf32> to vector<1x512x256xf32>
    tpu.vector_store %arg5[%swap3A, %swap3A_24, %swap3A_25], %swap3A_28 {strides = array<i32>} : memref<1x512x256xf32, #tpu.memory_space<vmem>>, vector<1x512x256xf32>,
    return
  }
  func.func @transform_0(%arg0: i32, %arg1: i32) -> (i32, i32, i32) {
    %c0_i32 = arith.constant 0 : i32
    %c0_i32_0 = arith.constant 0 : i32
    return %arg0, %arg1, %c0_i32 : i32, i32, i32
  }
  func.func @transform_1(%arg0: i32, %arg1: i32) -> (i32, i32, i32) {
    %c0_i32 = arith.constant 0 : i32
    %c0_i32_0 = arith.constant 0 : i32
    %c0_i32_1 = arith.constant 0 : i32
    return %arg0, %c0_i32, %c0_i32_0 : i32, i32, i32
  }
  func.func @transform_2(%arg0: i32, %arg1: i32) -> (i32, i32, i32) {
    %c0_i32 = arith.constant 0 : i32
    %c0_i32_0 = arith.constant 0 : i32
    %c0_i32_1 = arith.constant 0 : i32
    return %arg0, %c0_i32, %c0_i32_0 : i32, i32, i32
  }
  func.func @transform_3(%arg0: i32, %arg1: i32) -> (i32, i32, i32) {
    %c0_i32 = arith.constant 0 : i32
    %c0_i32_0 = arith.constant 0 : i32
    return %arg0, %arg1, %c0_i32 : i32, i32, i32
  }
}

module attributes {stable_mosaic.version = 14 : i64} {
  func.func @_route_body(%arg0: i32, %arg1: memref<512x1024xf32, #tpu.memory_space<vmem>>, %arg2: memref<512x1024xf32, #tpu.memory_space<vmem>>, %arg3: memref<1024x1024xf32, #tpu.memory_space<vmem>>, %arg4: memref<1x1024xf32, #tpu.memory_space<vmem>>, %arg5: memref<1x1024xf32, #tpu.memory_space<vmem>>, %arg6: memref<1x1024xf32, #tpu.memory_space<vmem>>, %arg7: memref<512x32xf32, #tpu.memory_space<vmem>>, %arg8: memref<512x1024xf32, #tpu.memory_space<vmem>>, %arg9: memref<512x1xi32, #tpu.memory_space<vmem>>, %arg10: memref<48x1xi32, #tpu.memory_space<vmem>>, %arg11: memref<48x1xi32, #tpu.memory_space<vmem>>, %arg12: memref<8x512x32xf32, #tpu.memory_space<vmem>>, %arg13: memref<8x1x32xf32, #tpu.memory_space<vmem>>, %arg14: memref<1x32xf32, #tpu.memory_space<vmem>>) attributes {dimension_semantics = [#tpu.dimension_semantics<arbitrary>], iteration_bounds = array<i64: 16>, scalar_prefetch = 0 : i64, scratch_operands = 3 : i64, tpu.core_type = #tpu.core_type<tc>, window_params = [{transform_indices = @transform_0, window_bounds = array<i64: 512, 1024>}, {transform_indices = @transform_1, window_bounds = array<i64: 512, 1024>}, {pipeline_mode = #tpu.pipeline_mode<synchronous>, transform_indices = @transform_2, window_bounds = array<i64: 1024, 1024>}, {pipeline_mode = #tpu.pipeline_mode<synchronous>, transform_indices = @transform_3, window_bounds = array<i64: 1, 1024>}, {pipeline_mode = #tpu.pipeline_mode<synchronous>, transform_indices = @transform_4, window_bounds = array<i64: 1, 1024>}, {pipeline_mode = #tpu.pipeline_mode<synchronous>, transform_indices = @transform_5, window_bounds = array<i64: 1, 1024>}, {transform_indices = @transform_6, window_bounds = array<i64: 512, 32>}, {transform_indices = @transform_7, window_bounds = array<i64: 512, 1024>}, {transform_indices = @transform_8, window_bounds = array<i64: 512, 1>}, {pipeline_mode = #tpu.pipeline_mode<synchronous>, transform_indices = @transform_9, window_bounds = array<i64: 48, 1>}, {pipeline_mode = #tpu.pipeline_mode<synchronous>, transform_indices = @transform_10, window_bounds = array<i64: 48, 1>}]} {
    %rem3A = arith.constant 8 : i32
    %rem3A_0 = arith.remsi %arg0, %rem3A : i32
    %eq3A = arith.constant 0 : i32
    %eq3A_1 = arith.cmpi eq, %arg0, %eq3A : i32
    %convert_element_type3A = arith.extui %eq3A_1 : i1 to i32
    %cond3A = arith.constant 0 : i32
    %cond3A_2 = arith.cmpi ne, %convert_element_type3A, %cond3A : i32
    scf.if %cond3A_2 {
      %broadcast_in_dim3A = arith.constant 0.000000e+00 : f32
      %broadcast_in_dim3A_11 = vector.broadcast %broadcast_in_dim3A : f32 to vector<1x32xf32>
      %swap3A = arith.constant 0 : index
      %swap3A_12 = arith.constant 0 : index
      %swap3A_13 = vector.load %arg14[%swap3A, %swap3A_12] : memref<1x32xf32, #tpu.memory_space<vmem>>, vector<1x32xf32>
      tpu.vector_store %arg14[%swap3A, %swap3A_12], %broadcast_in_dim3A_11 {strides = array<i32>} : memref<1x32xf32, #tpu.memory_space<vmem>>, vector<1x32xf32>,
    } else {
    }
    %lt3A = arith.constant 8 : i32
    %lt3A_3 = arith.cmpi slt, %arg0, %lt3A : i32
    %convert_element_type3A_4 = arith.extui %lt3A_3 : i1 to i32
    %cond3A_5 = arith.constant 0 : i32
    %cond3A_6 = arith.cmpi ne, %convert_element_type3A_4, %cond3A_5 : i32
    scf.if %cond3A_6 {
      %get3A = arith.constant 0 : index
      %get3A_11 = arith.constant 0 : index
      %get3A_12 = vector.load %arg2[%get3A, %get3A_11] : memref<512x1024xf32, #tpu.memory_space<vmem>>, vector<512x1024xf32>
      %get3A_13 = arith.constant 0 : index
      %get3A_14 = arith.constant 0 : index
      %get3A_15 = vector.load %arg3[%get3A_13, %get3A_14] : memref<1024x1024xf32, #tpu.memory_space<vmem>>, vector<1024x1024xf32>
      %dot_general3A = arith.constant dense<0.000000e+00> : vector<512x1024xf32>
      %dot_general3A_16 = tpu.matmul %get3A_12, %get3A_15, %dot_general3A {dimension_numbers = #tpu.dot_dimension_numbers<[1], [1], [0], [0], [0, 0, 1, 0], [], []>, transpose_lhs_hint = false} : vector<512x1024xf32>, vector<1024x1024xf32>, vector<512x1024xf32> -> vector<512x1024xf32>
      %get3A_17 = arith.constant 0 : index
      %get3A_18 = arith.constant 0 : index
      %get3A_19 = vector.load %arg4[%get3A_17, %get3A_18] : memref<1x1024xf32, #tpu.memory_space<vmem>>, vector<1x1024xf32>
      %add3A = vector.broadcast %get3A_19 : vector<1x1024xf32> to vector<512x1024xf32>
      %add3A_20 = arith.addf %dot_general3A_16, %add3A : vector<512x1024xf32>
      %get3A_21 = arith.constant 0 : index
      %get3A_22 = arith.constant 0 : index
      %get3A_23 = vector.load %arg1[%get3A_21, %get3A_22] : memref<512x1024xf32, #tpu.memory_space<vmem>>, vector<512x1024xf32>
      %add3A_24 = arith.addf %get3A_23, %add3A_20 : vector<512x1024xf32>
      %reduce_sum3A = arith.constant dense<0.000000e+00> : vector<512xf32>
      %reduce_sum3A_25 = vector.multi_reduction <add>, %add3A_24, %reduce_sum3A [1] : vector<512x1024xf32> to vector<512xf32>
      %broadcast_in_dim3A = vector.shape_cast %reduce_sum3A_25 : vector<512xf32> to vector<512x1xf32>
      %div3A = arith.constant 1.024000e+03 : f32
      %div3A_26 = vector.broadcast %div3A : f32 to vector<512x1xf32>
      %div3A_27 = arith.divf %broadcast_in_dim3A, %div3A_26 : vector<512x1xf32>
      %sub3A = vector.broadcast %div3A_27 : vector<512x1xf32> to vector<512x1024xf32>
      %sub3A_28 = arith.subf %add3A_24, %sub3A : vector<512x1024xf32>
      %mul3A = arith.mulf %sub3A_28, %sub3A_28 : vector<512x1024xf32>
      %reduce_sum3A_29 = arith.constant dense<0.000000e+00> : vector<512xf32>
      %reduce_sum3A_30 = vector.multi_reduction <add>, %mul3A, %reduce_sum3A_29 [1] : vector<512x1024xf32> to vector<512xf32>
      %broadcast_in_dim3A_31 = vector.shape_cast %reduce_sum3A_30 : vector<512xf32> to vector<512x1xf32>
      %div3A_32 = arith.constant 1.024000e+03 : f32
      %div3A_33 = vector.broadcast %div3A_32 : f32 to vector<512x1xf32>
      %div3A_34 = arith.divf %broadcast_in_dim3A_31, %div3A_33 : vector<512x1xf32>
      %add3A_35 = arith.constant 9.99999974E-6 : f32
      %add3A_36 = vector.broadcast %add3A_35 : f32 to vector<512x1xf32>
      %add3A_37 = arith.addf %div3A_34, %add3A_36 : vector<512x1xf32>
      %rsqrt3A = math.rsqrt %add3A_37 : vector<512x1xf32>
      %mul3A_38 = vector.broadcast %rsqrt3A : vector<512x1xf32> to vector<512x1024xf32>
      %mul3A_39 = arith.mulf %sub3A_28, %mul3A_38 : vector<512x1024xf32>
      %get3A_40 = arith.constant 0 : index
      %get3A_41 = arith.constant 0 : index
      %get3A_42 = vector.load %arg5[%get3A_40, %get3A_41] : memref<1x1024xf32, #tpu.memory_space<vmem>>, vector<1x1024xf32>
      %mul3A_43 = vector.broadcast %get3A_42 : vector<1x1024xf32> to vector<512x1024xf32>
      %mul3A_44 = arith.mulf %mul3A_39, %mul3A_43 : vector<512x1024xf32>
      %get3A_45 = arith.constant 0 : index
      %get3A_46 = arith.constant 0 : index
      %get3A_47 = vector.load %arg6[%get3A_45, %get3A_46] : memref<1x1024xf32, #tpu.memory_space<vmem>>, vector<1x1024xf32>
      %add3A_48 = vector.broadcast %get3A_47 : vector<1x1024xf32> to vector<512x1024xf32>
      %add3A_49 = arith.addf %mul3A_44, %add3A_48 : vector<512x1024xf32>
      %swap3A = arith.constant 0 : index
      %swap3A_50 = arith.constant 0 : index
      %swap3A_51 = vector.load %arg8[%swap3A, %swap3A_50] : memref<512x1024xf32, #tpu.memory_space<vmem>>, vector<512x1024xf32>
      tpu.vector_store %arg8[%swap3A, %swap3A_50], %add3A_49 {strides = array<i32>} : memref<512x1024xf32, #tpu.memory_space<vmem>>, vector<512x1024xf32>,
      %get3A_52 = arith.constant 0 : index
      %get3A_53 = arith.constant 0 : index
      %get3A_54 = vector.load %arg7[%get3A_52, %get3A_53] : memref<512x32xf32, #tpu.memory_space<vmem>>, vector<512x32xf32>
      %swap3A_55 = arith.index_cast %rem3A_0 : i32 to index
      %swap3A_56 = arith.constant 0 : index
      %swap3A_57 = arith.constant 0 : index
      %swap3A_58 = vector.load %arg12[%swap3A_55, %swap3A_56, %swap3A_57] : memref<8x512x32xf32, #tpu.memory_space<vmem>>, vector<1x512x32xf32>
      %swap3A_59 = vector.shape_cast %swap3A_58 : vector<1x512x32xf32> to vector<512x32xf32>
      %swap3A_60 = vector.shape_cast %get3A_54 : vector<512x32xf32> to vector<1x512x32xf32>
      tpu.vector_store %arg12[%swap3A_55, %swap3A_56, %swap3A_57], %swap3A_60 {strides = array<i32>} : memref<8x512x32xf32, #tpu.memory_space<vmem>>, vector<1x512x32xf32>,
      %get3A_61 = arith.constant 0 : index
      %get3A_62 = arith.constant 0 : index
      %get3A_63 = vector.load %arg14[%get3A_61, %get3A_62] : memref<1x32xf32, #tpu.memory_space<vmem>>, vector<1x32xf32>
      %swap3A_64 = arith.index_cast %rem3A_0 : i32 to index
      %swap3A_65 = arith.constant 0 : index
      %swap3A_66 = arith.constant 0 : index
      %swap3A_67 = vector.load %arg13[%swap3A_64, %swap3A_65, %swap3A_66] : memref<8x1x32xf32, #tpu.memory_space<vmem>>, vector<1x1x32xf32>
      %swap3A_68 = vector.shape_cast %swap3A_67 : vector<1x1x32xf32> to vector<1x32xf32>
      %swap3A_69 = vector.shape_cast %get3A_63 : vector<1x32xf32> to vector<1x1x32xf32>
      tpu.vector_store %arg13[%swap3A_64, %swap3A_65, %swap3A_66], %swap3A_69 {strides = array<i32>} : memref<8x1x32xf32, #tpu.memory_space<vmem>>, vector<1x1x32xf32>,
      %get3A_70 = arith.constant 0 : index
      %get3A_71 = arith.constant 0 : index
      %get3A_72 = vector.load %arg14[%get3A_70, %get3A_71] : memref<1x32xf32, #tpu.memory_space<vmem>>, vector<1x32xf32>
      %reduce_sum3A_73 = arith.constant dense<0.000000e+00> : vector<32xf32>
      %reduce_sum3A_74 = vector.multi_reduction <add>, %get3A_54, %reduce_sum3A_73 [0] : vector<512x32xf32> to vector<32xf32>
      %broadcast_in_dim3A_75 = vector.shape_cast %reduce_sum3A_74 : vector<32xf32> to vector<1x32xf32>
      %add3A_76 = arith.addf %get3A_72, %broadcast_in_dim3A_75 : vector<1x32xf32>
      %swap3A_77 = arith.constant 0 : index
      %swap3A_78 = arith.constant 0 : index
      %swap3A_79 = vector.load %arg14[%swap3A_77, %swap3A_78] : memref<1x32xf32, #tpu.memory_space<vmem>>, vector<1x32xf32>
      tpu.vector_store %arg14[%swap3A_77, %swap3A_78], %add3A_76 {strides = array<i32>} : memref<1x32xf32, #tpu.memory_space<vmem>>, vector<1x32xf32>,
    } else {
    }
    %ge3A = arith.constant 8 : i32
    %ge3A_7 = arith.cmpi sge, %arg0, %ge3A : i32
    %convert_element_type3A_8 = arith.extui %ge3A_7 : i1 to i32
    %cond3A_9 = arith.constant 0 : i32
    %cond3A_10 = arith.cmpi ne, %convert_element_type3A_8, %cond3A_9 : i32
    scf.if %cond3A_10 {
      %get3A = arith.constant 0 : index
      %get3A_11 = arith.constant 0 : index
      %get3A_12 = vector.load %arg14[%get3A, %get3A_11] : memref<1x32xf32, #tpu.memory_space<vmem>>, vector<1x32xf32>
      %add3A = arith.constant 2.550000e+02 : f32
      %add3A_13 = vector.broadcast %add3A : f32 to vector<1x32xf32>
      %add3A_14 = arith.addf %get3A_12, %add3A_13 : vector<1x32xf32>
      %mul3A = arith.constant 3.906250e-03 : f32
      %mul3A_15 = vector.broadcast %mul3A : f32 to vector<1x32xf32>
      %mul3A_16 = arith.mulf %add3A_14, %mul3A_15 : vector<1x32xf32>
      %floor3A = math.floor %mul3A_16 : vector<1x32xf32>
      %iota3A = tpu.iota {dimensions = array<i32: 0>} : vector<32x32xi32>
      %iota3A_17 = tpu.iota {dimensions = array<i32: 1>} : vector<32x32xi32>
      %lt3A_18 = arith.cmpi slt, %iota3A, %iota3A_17 : vector<32x32xi32>
      %convert_element_type3A_19 = arith.extui %lt3A_18 : vector<32x32xi1> to vector<32x32xi32>
      %convert_element_type3A_20 = arith.sitofp %convert_element_type3A_19 : vector<32x32xi32> to vector<32x32xf32>
      %dot_general3A = arith.constant dense<0.000000e+00> : vector<1x32xf32>
      %dot_general3A_21 = tpu.matmul %floor3A, %convert_element_type3A_20, %dot_general3A {dimension_numbers = #tpu.dot_dimension_numbers<[1], [0], [0], [1], [0, 0, 1, 1], [], []>, transpose_lhs_hint = false} : vector<1x32xf32>, vector<32x32xf32>, vector<1x32xf32> -> vector<1x32xf32>
      %mul3A_22 = arith.constant 2.560000e+02 : f32
      %mul3A_23 = vector.broadcast %mul3A_22 : f32 to vector<1x32xf32>
      %mul3A_24 = arith.mulf %dot_general3A_21, %mul3A_23 : vector<1x32xf32>
      %get3A_25 = arith.index_cast %rem3A_0 : i32 to index
      %get3A_26 = arith.constant 0 : index
      %get3A_27 = arith.constant 0 : index
      %get3A_28 = vector.load %arg12[%get3A_25, %get3A_26, %get3A_27] : memref<8x512x32xf32, #tpu.memory_space<vmem>>, vector<1x512x32xf32>
      %get3A_29 = vector.shape_cast %get3A_28 : vector<1x512x32xf32> to vector<512x32xf32>
      %iota3A_30 = tpu.iota {dimensions = array<i32: 1>} : vector<512x512xi32>
      %iota3A_31 = tpu.iota {dimensions = array<i32: 0>} : vector<512x512xi32>
      %lt3A_32 = arith.cmpi slt, %iota3A_30, %iota3A_31 : vector<512x512xi32>
      %convert_element_type3A_33 = arith.extui %lt3A_32 : vector<512x512xi1> to vector<512x512xi32>
      %convert_element_type3A_34 = arith.sitofp %convert_element_type3A_33 : vector<512x512xi32> to vector<512x512xf32>
      %dot_general3A_35 = arith.constant dense<0.000000e+00> : vector<512x32xf32>
      %dot_general3A_36 = tpu.matmul %convert_element_type3A_34, %get3A_29, %dot_general3A_35 {dimension_numbers = #tpu.dot_dimension_numbers<[1], [0], [0], [1], [0, 0, 1, 1], [], []>, transpose_lhs_hint = false} : vector<512x512xf32>, vector<512x32xf32>, vector<512x32xf32> -> vector<512x32xf32>
      %get3A_37 = arith.index_cast %rem3A_0 : i32 to index
      %get3A_38 = arith.constant 0 : index
      %get3A_39 = arith.constant 0 : index
      %get3A_40 = vector.load %arg13[%get3A_37, %get3A_38, %get3A_39] : memref<8x1x32xf32, #tpu.memory_space<vmem>>, vector<1x1x32xf32>
      %get3A_41 = vector.shape_cast %get3A_40 : vector<1x1x32xf32> to vector<1x32xf32>
      %add3A_42 = vector.broadcast %get3A_41 : vector<1x32xf32> to vector<512x32xf32>
      %add3A_43 = arith.addf %dot_general3A_36, %add3A_42 : vector<512x32xf32>
      %mul3A_44 = arith.mulf %get3A_29, %add3A_43 : vector<512x32xf32>
      %reduce_sum3A = arith.constant dense<0.000000e+00> : vector<512xf32>
      %reduce_sum3A_45 = vector.multi_reduction <add>, %mul3A_44, %reduce_sum3A [1] : vector<512x32xf32> to vector<512xf32>
      %broadcast_in_dim3A = vector.shape_cast %reduce_sum3A_45 : vector<512xf32> to vector<512x1xf32>
      %mul3A_46 = vector.broadcast %mul3A_24 : vector<1x32xf32> to vector<512x32xf32>
      %mul3A_47 = arith.mulf %get3A_29, %mul3A_46 : vector<512x32xf32>
      %reduce_sum3A_48 = arith.constant dense<0.000000e+00> : vector<512xf32>
      %reduce_sum3A_49 = vector.multi_reduction <add>, %mul3A_47, %reduce_sum3A_48 [1] : vector<512x32xf32> to vector<512xf32>
      %broadcast_in_dim3A_50 = vector.shape_cast %reduce_sum3A_49 : vector<512xf32> to vector<512x1xf32>
      %add3A_51 = arith.addf %broadcast_in_dim3A, %broadcast_in_dim3A_50 : vector<512x1xf32>
      %convert_element_type3A_52 = arith.fptosi %add3A_51 : vector<512x1xf32> to vector<512x1xi32>
      %swap3A = arith.constant 0 : index
      %swap3A_53 = arith.constant 0 : index
      %swap3A_54 = vector.load %arg9[%swap3A, %swap3A_53] : memref<512x1xi32, #tpu.memory_space<vmem>>, vector<512x1xi32>
      tpu.vector_store %arg9[%swap3A, %swap3A_53], %convert_element_type3A_52 {strides = array<i32>} : memref<512x1xi32, #tpu.memory_space<vmem>>, vector<512x1xi32>,
      %reduce_sum3A_55 = vector.shape_cast %floor3A : vector<1x32xf32> to vector<1x1x32xf32>
      %reduce_sum3A_56 = arith.constant dense<0.000000e+00> : vector<1xf32>
      %reduce_sum3A_57 = vector.multi_reduction <add>, %reduce_sum3A_55, %reduce_sum3A_56 [1, 2] : vector<1x1x32xf32> to vector<1xf32>
      %reduce_sum3A_58 = vector.shape_cast %reduce_sum3A_57 : vector<1xf32> to vector<1x1x1xf32>
      %reduce_sum3A_59 = vector.extract %reduce_sum3A_58[0, 0, 0] : f32 from vector<1x1x1xf32>
      %iota3A_60 = tpu.iota {dimensions = array<i32: 0>} : vector<48x1xi32>
      %convert_element_type3A_61 = arith.sitofp %iota3A_60 : vector<48x1xi32> to vector<48x1xf32>
      %sub3A = arith.constant 1.000000e+00 : f32
      %sub3A_62 = arith.subf %reduce_sum3A_59, %sub3A : f32
      %min3A = vector.broadcast %sub3A_62 : f32 to vector<48x1xf32>
      %min3A_63 = arith.minimumf %convert_element_type3A_61, %min3A : vector<48x1xf32>
      %ge3A_64 = vector.broadcast %min3A_63 : vector<48x1xf32> to vector<48x32xf32>
      %ge3A_65 = vector.broadcast %dot_general3A_21 : vector<1x32xf32> to vector<48x32xf32>
      %ge3A_66 = arith.cmpf oge, %ge3A_64, %ge3A_65 : vector<48x32xf32>
      %convert_element_type3A_67 = arith.extui %ge3A_66 : vector<48x32xi1> to vector<48x32xi32>
      %convert_element_type3A_68 = arith.sitofp %convert_element_type3A_67 : vector<48x32xi32> to vector<48x32xf32>
      %reduce_sum3A_69 = arith.constant dense<0.000000e+00> : vector<48xf32>
      %reduce_sum3A_70 = vector.multi_reduction <add>, %convert_element_type3A_68, %reduce_sum3A_69 [1] : vector<48x32xf32> to vector<48xf32>
      %broadcast_in_dim3A_71 = vector.shape_cast %reduce_sum3A_70 : vector<48xf32> to vector<48x1xf32>
      %sub3A_72 = arith.constant 1.000000e+00 : f32
      %sub3A_73 = vector.broadcast %sub3A_72 : f32 to vector<48x1xf32>
      %sub3A_74 = arith.subf %broadcast_in_dim3A_71, %sub3A_73 : vector<48x1xf32>
      %convert_element_type3A_75 = arith.fptosi %sub3A_74 : vector<48x1xf32> to vector<48x1xi32>
      %swap3A_76 = arith.constant 0 : index
      %swap3A_77 = arith.constant 0 : index
      %swap3A_78 = vector.load %arg10[%swap3A_76, %swap3A_77] : memref<48x1xi32, #tpu.memory_space<vmem>>, vector<48x1xi32>
      tpu.vector_store %arg10[%swap3A_76, %swap3A_77], %convert_element_type3A_75 {strides = array<i32>} : memref<48x1xi32, #tpu.memory_space<vmem>>, vector<48x1xi32>,
      %lt3A_79 = vector.broadcast %reduce_sum3A_59 : f32 to vector<48x1xf32>
      %lt3A_80 = arith.cmpf olt, %convert_element_type3A_61, %lt3A_79 : vector<48x1xf32>
      %convert_element_type3A_81 = arith.extui %lt3A_80 : vector<48x1xi1> to vector<48x1xi32>
      %swap3A_82 = arith.constant 0 : index
      %swap3A_83 = arith.constant 0 : index
      %swap3A_84 = vector.load %arg11[%swap3A_82, %swap3A_83] : memref<48x1xi32, #tpu.memory_space<vmem>>, vector<48x1xi32>
      tpu.vector_store %arg11[%swap3A_82, %swap3A_83], %convert_element_type3A_81 {strides = array<i32>} : memref<48x1xi32, #tpu.memory_space<vmem>>, vector<48x1xi32>,
    } else {
    }
    return
  }
  func.func @transform_0(%arg0: i32) -> (i32, i32) {
    %lt3A = arith.constant 8 : i32
    %lt3A_0 = arith.cmpi slt, %arg0, %lt3A : i32
    %jit3A = arith.constant 0 : i32
    %select_n3A = arith.select %lt3A_0, %arg0, %jit3A : i32
    %c0_i32 = arith.constant 0 : i32
    %c0_i32_1 = arith.constant 0 : i32
    return %select_n3A, %c0_i32 : i32, i32
  }
  func.func @transform_1(%arg0: i32) -> (i32, i32) {
    %lt3A = arith.constant 8 : i32
    %lt3A_0 = arith.cmpi slt, %arg0, %lt3A : i32
    %jit3A = arith.constant 0 : i32
    %select_n3A = arith.select %lt3A_0, %arg0, %jit3A : i32
    %c0_i32 = arith.constant 0 : i32
    %c0_i32_1 = arith.constant 0 : i32
    return %select_n3A, %c0_i32 : i32, i32
  }
  func.func @transform_2(%arg0: i32) -> (i32, i32) {
    %c0_i32 = arith.constant 0 : i32
    %c0_i32_0 = arith.constant 0 : i32
    %c0_i32_1 = arith.constant 0 : i32
    return %c0_i32, %c0_i32_0 : i32, i32
  }
  func.func @transform_3(%arg0: i32) -> (i32, i32) {
    %c0_i32 = arith.constant 0 : i32
    %c0_i32_0 = arith.constant 0 : i32
    %c0_i32_1 = arith.constant 0 : i32
    return %c0_i32, %c0_i32_0 : i32, i32
  }
  func.func @transform_4(%arg0: i32) -> (i32, i32) {
    %c0_i32 = arith.constant 0 : i32
    %c0_i32_0 = arith.constant 0 : i32
    %c0_i32_1 = arith.constant 0 : i32
    return %c0_i32, %c0_i32_0 : i32, i32
  }
  func.func @transform_5(%arg0: i32) -> (i32, i32) {
    %c0_i32 = arith.constant 0 : i32
    %c0_i32_0 = arith.constant 0 : i32
    %c0_i32_1 = arith.constant 0 : i32
    return %c0_i32, %c0_i32_0 : i32, i32
  }
  func.func @transform_6(%arg0: i32) -> (i32, i32) {
    %lt3A = arith.constant 8 : i32
    %lt3A_0 = arith.cmpi slt, %arg0, %lt3A : i32
    %jit3A = arith.constant 0 : i32
    %select_n3A = arith.select %lt3A_0, %arg0, %jit3A : i32
    %c0_i32 = arith.constant 0 : i32
    %c0_i32_1 = arith.constant 0 : i32
    return %select_n3A, %c0_i32 : i32, i32
  }
  func.func @transform_7(%arg0: i32) -> (i32, i32) {
    %lt3A = arith.constant 8 : i32
    %lt3A_0 = arith.cmpi slt, %arg0, %lt3A : i32
    %jit3A = arith.constant 7 : i32
    %select_n3A = arith.select %lt3A_0, %arg0, %jit3A : i32
    %c0_i32 = arith.constant 0 : i32
    %c0_i32_1 = arith.constant 0 : i32
    return %select_n3A, %c0_i32 : i32, i32
  }
  func.func @transform_8(%arg0: i32) -> (i32, i32) {
    %lt3A = arith.constant 8 : i32
    %lt3A_0 = arith.cmpi slt, %arg0, %lt3A : i32
    %sub3A = arith.constant 8 : i32
    %sub3A_1 = arith.subi %arg0, %sub3A : i32
    %jit3A = arith.constant 0 : i32
    %select_n3A = arith.select %lt3A_0, %jit3A, %sub3A_1 : i32
    %c0_i32 = arith.constant 0 : i32
    %c0_i32_2 = arith.constant 0 : i32
    return %select_n3A, %c0_i32 : i32, i32
  }
  func.func @transform_9(%arg0: i32) -> (i32, i32) {
    %c0_i32 = arith.constant 0 : i32
    %c0_i32_0 = arith.constant 0 : i32
    %c0_i32_1 = arith.constant 0 : i32
    return %c0_i32, %c0_i32_0 : i32, i32
  }
  func.func @transform_10(%arg0: i32) -> (i32, i32) {
    %c0_i32 = arith.constant 0 : i32
    %c0_i32_0 = arith.constant 0 : i32
    %c0_i32_1 = arith.constant 0 : i32
    return %c0_i32, %c0_i32_0 : i32, i32
  }
}

module attributes {stable_mosaic.version = 14 : i64} {
  func.func @_ffn_body(%arg0: i32, %arg1: i32, %arg2: memref<48xi32, #tpu.memory_space<smem>>, %arg3: memref<48xi32, #tpu.memory_space<smem>>, %arg4: memref<256x1024xf32, #tpu.memory_space<vmem>>, %arg5: memref<1x1024x1024xf32, #tpu.memory_space<vmem>>, %arg6: memref<1x1x1x1024xf32, #tpu.memory_space<vmem>>, %arg7: memref<1x1024x1024xf32, #tpu.memory_space<vmem>>, %arg8: memref<1x1x1024xf32, #tpu.memory_space<vmem>>, %arg9: memref<256x1024xf32, #tpu.memory_space<vmem>>, %arg10: memref<256x1024xf32, #tpu.memory_space<vmem>>) attributes {dimension_semantics = [#tpu.dimension_semantics<arbitrary>, #tpu.dimension_semantics<arbitrary>], iteration_bounds = array<i64: 48, 4>, scalar_prefetch = 2 : i64, scratch_operands = 1 : i64, tpu.core_type = #tpu.core_type<tc>, window_params = [{transform_indices = @transform_0, window_bounds = array<i64: 256, 1024>}, {transform_indices = @transform_1, window_bounds = array<i64: 1, 1024, 1024>}, {transform_indices = @transform_2, window_bounds = array<i64: 1, 1, 1, 1024>}, {transform_indices = @transform_3, window_bounds = array<i64: 1, 1024, 1024>}, {transform_indices = @transform_4, window_bounds = array<i64: 1, 1, 1024>}, {transform_indices = @transform_5, window_bounds = array<i64: 256, 1024>}]} {
    %get3A = arith.index_cast %arg0 : i32 to index
    %get3A_0 = memref.load %arg3[%get3A] : memref<48xi32, #tpu.memory_space<smem>>
    %eq3A = arith.constant 1 : i32
    %eq3A_1 = arith.cmpi eq, %get3A_0, %eq3A : i32
    %convert_element_type3A = arith.extui %eq3A_1 : i1 to i32
    %cond3A = arith.constant 0 : i32
    %cond3A_2 = arith.cmpi ne, %convert_element_type3A, %cond3A : i32
    scf.if %cond3A_2 {
      %get3A_3 = arith.constant 0 : index
      %get3A_4 = arith.constant 0 : index
      %get3A_5 = vector.load %arg4[%get3A_3, %get3A_4] : memref<256x1024xf32, #tpu.memory_space<vmem>>, vector<256x1024xf32>
      %get3A_6 = arith.constant 0 : index
      %get3A_7 = arith.constant 0 : index
      %get3A_8 = arith.constant 0 : index
      %get3A_9 = vector.load %arg5[%get3A_6, %get3A_7, %get3A_8] : memref<1x1024x1024xf32, #tpu.memory_space<vmem>>, vector<1x1024x1024xf32>
      %get3A_10 = vector.shape_cast %get3A_9 : vector<1x1024x1024xf32> to vector<1024x1024xf32>
      %dot_general3A = arith.constant dense<0.000000e+00> : vector<256x1024xf32>
      %dot_general3A_11 = tpu.matmul %get3A_5, %get3A_10, %dot_general3A {dimension_numbers = #tpu.dot_dimension_numbers<[1], [0], [0], [1], [0, 0, 1, 1], [], []>, transpose_lhs_hint = false} : vector<256x1024xf32>, vector<1024x1024xf32>, vector<256x1024xf32> -> vector<256x1024xf32>
      %get3A_12 = arith.constant 0 : index
      %get3A_13 = arith.constant 0 : index
      %get3A_14 = arith.constant 0 : index
      %get3A_15 = arith.constant 0 : index
      %get3A_16 = vector.load %arg6[%get3A_12, %get3A_13, %get3A_14, %get3A_15] : memref<1x1x1x1024xf32, #tpu.memory_space<vmem>>, vector<1x1x1x1024xf32>
      %get3A_17 = vector.shape_cast %get3A_16 : vector<1x1x1x1024xf32> to vector<1x1024xf32>
      %add3A = vector.broadcast %get3A_17 : vector<1x1024xf32> to vector<256x1024xf32>
      %add3A_18 = arith.addf %dot_general3A_11, %add3A : vector<256x1024xf32>
      %max3A = arith.constant 0.000000e+00 : f32
      %max3A_19 = vector.broadcast %max3A : f32 to vector<256x1024xf32>
      %max3A_20 = arith.maximumf %add3A_18, %max3A_19 : vector<256x1024xf32>
      %get3A_21 = arith.constant 0 : index
      %get3A_22 = arith.constant 0 : index
      %get3A_23 = arith.constant 0 : index
      %get3A_24 = vector.load %arg7[%get3A_21, %get3A_22, %get3A_23] : memref<1x1024x1024xf32, #tpu.memory_space<vmem>>, vector<1x1024x1024xf32>
      %get3A_25 = vector.shape_cast %get3A_24 : vector<1x1024x1024xf32> to vector<1024x1024xf32>
      %dot_general3A_26 = arith.constant dense<0.000000e+00> : vector<256x1024xf32>
      %dot_general3A_27 = tpu.matmul %max3A_20, %get3A_25, %dot_general3A_26 {dimension_numbers = #tpu.dot_dimension_numbers<[1], [0], [0], [1], [0, 0, 1, 1], [], []>, transpose_lhs_hint = false} : vector<256x1024xf32>, vector<1024x1024xf32>, vector<256x1024xf32> -> vector<256x1024xf32>
      %eq3A_28 = arith.constant 0 : i32
      %eq3A_29 = arith.cmpi eq, %arg1, %eq3A_28 : i32
      %convert_element_type3A_30 = arith.extui %eq3A_29 : i1 to i32
      %cond3A_31 = arith.constant 0 : i32
      %cond3A_32 = arith.cmpi ne, %convert_element_type3A_30, %cond3A_31 : i32
      scf.if %cond3A_32 {
        %swap3A = arith.constant 0 : index
        %swap3A_42 = arith.constant 0 : index
        %swap3A_43 = vector.load %arg10[%swap3A, %swap3A_42] : memref<256x1024xf32, #tpu.memory_space<vmem>>, vector<256x1024xf32>
        tpu.vector_store %arg10[%swap3A, %swap3A_42], %dot_general3A_27 {strides = array<i32>} : memref<256x1024xf32, #tpu.memory_space<vmem>>, vector<256x1024xf32>,
      } else {
      }
      %gt3A = arith.constant 0 : i32
      %gt3A_33 = arith.cmpi sgt, %arg1, %gt3A : i32
      %convert_element_type3A_34 = arith.extui %gt3A_33 : i1 to i32
      %cond3A_35 = arith.constant 0 : i32
      %cond3A_36 = arith.cmpi ne, %convert_element_type3A_34, %cond3A_35 : i32
      scf.if %cond3A_36 {
        %get3A_42 = arith.constant 0 : index
        %get3A_43 = arith.constant 0 : index
        %get3A_44 = vector.load %arg10[%get3A_42, %get3A_43] : memref<256x1024xf32, #tpu.memory_space<vmem>>, vector<256x1024xf32>
        %add3A_45 = arith.addf %get3A_44, %dot_general3A_27 : vector<256x1024xf32>
        %swap3A = arith.constant 0 : index
        %swap3A_46 = arith.constant 0 : index
        %swap3A_47 = vector.load %arg10[%swap3A, %swap3A_46] : memref<256x1024xf32, #tpu.memory_space<vmem>>, vector<256x1024xf32>
        tpu.vector_store %arg10[%swap3A, %swap3A_46], %add3A_45 {strides = array<i32>} : memref<256x1024xf32, #tpu.memory_space<vmem>>, vector<256x1024xf32>,
      } else {
      }
      %eq3A_37 = arith.constant 3 : i32
      %eq3A_38 = arith.cmpi eq, %arg1, %eq3A_37 : i32
      %convert_element_type3A_39 = arith.extui %eq3A_38 : i1 to i32
      %cond3A_40 = arith.constant 0 : i32
      %cond3A_41 = arith.cmpi ne, %convert_element_type3A_39, %cond3A_40 : i32
      scf.if %cond3A_41 {
        %get3A_42 = arith.constant 0 : index
        %get3A_43 = arith.constant 0 : index
        %get3A_44 = vector.load %arg10[%get3A_42, %get3A_43] : memref<256x1024xf32, #tpu.memory_space<vmem>>, vector<256x1024xf32>
        %get3A_45 = arith.constant 0 : index
        %get3A_46 = arith.constant 0 : index
        %get3A_47 = arith.constant 0 : index
        %get3A_48 = vector.load %arg8[%get3A_45, %get3A_46, %get3A_47] : memref<1x1x1024xf32, #tpu.memory_space<vmem>>, vector<1x1x1024xf32>
        %get3A_49 = vector.shape_cast %get3A_48 : vector<1x1x1024xf32> to vector<1x1024xf32>
        %add3A_50 = vector.broadcast %get3A_49 : vector<1x1024xf32> to vector<256x1024xf32>
        %add3A_51 = arith.addf %get3A_44, %add3A_50 : vector<256x1024xf32>
        %swap3A = arith.constant 0 : index
        %swap3A_52 = arith.constant 0 : index
        %swap3A_53 = vector.load %arg9[%swap3A, %swap3A_52] : memref<256x1024xf32, #tpu.memory_space<vmem>>, vector<256x1024xf32>
        tpu.vector_store %arg9[%swap3A, %swap3A_52], %add3A_51 {strides = array<i32>} : memref<256x1024xf32, #tpu.memory_space<vmem>>, vector<256x1024xf32>,
      } else {
      }
    } else {
    }
    return
  }
  func.func @transform_0(%arg0: i32, %arg1: i32, %arg2: memref<48xi32, #tpu.memory_space<smem>>, %arg3: memref<48xi32, #tpu.memory_space<smem>>) -> (i32, i32) {
    %get3A = arith.index_cast %arg0 : i32 to index
    %get3A_0 = memref.load %arg3[%get3A] : memref<48xi32, #tpu.memory_space<smem>>
    %mul3A = arith.muli %arg0, %get3A_0 : i32
    %c0_i32 = arith.constant 0 : i32
    %c0_i32_1 = arith.constant 0 : i32
    return %mul3A, %c0_i32 : i32, i32
  }
  func.func @transform_1(%arg0: i32, %arg1: i32, %arg2: memref<48xi32, #tpu.memory_space<smem>>, %arg3: memref<48xi32, #tpu.memory_space<smem>>) -> (i32, i32, i32) {
    %get3A = arith.index_cast %arg0 : i32 to index
    %get3A_0 = memref.load %arg2[%get3A] : memref<48xi32, #tpu.memory_space<smem>>
    %get3A_1 = arith.index_cast %arg0 : i32 to index
    %get3A_2 = memref.load %arg3[%get3A_1] : memref<48xi32, #tpu.memory_space<smem>>
    %mul3A = arith.muli %arg1, %get3A_2 : i32
    %c0_i32 = arith.constant 0 : i32
    %c0_i32_3 = arith.constant 0 : i32
    return %get3A_0, %c0_i32, %mul3A : i32, i32, i32
  }
  func.func @transform_2(%arg0: i32, %arg1: i32, %arg2: memref<48xi32, #tpu.memory_space<smem>>, %arg3: memref<48xi32, #tpu.memory_space<smem>>) -> (i32, i32, i32, i32) {
    %get3A = arith.index_cast %arg0 : i32 to index
    %get3A_0 = memref.load %arg2[%get3A] : memref<48xi32, #tpu.memory_space<smem>>
    %get3A_1 = arith.index_cast %arg0 : i32 to index
    %get3A_2 = memref.load %arg3[%get3A_1] : memref<48xi32, #tpu.memory_space<smem>>
    %mul3A = arith.muli %arg1, %get3A_2 : i32
    %c0_i32 = arith.constant 0 : i32
    %c0_i32_3 = arith.constant 0 : i32
    %c0_i32_4 = arith.constant 0 : i32
    return %get3A_0, %mul3A, %c0_i32, %c0_i32_3 : i32, i32, i32, i32
  }
  func.func @transform_3(%arg0: i32, %arg1: i32, %arg2: memref<48xi32, #tpu.memory_space<smem>>, %arg3: memref<48xi32, #tpu.memory_space<smem>>) -> (i32, i32, i32) {
    %get3A = arith.index_cast %arg0 : i32 to index
    %get3A_0 = memref.load %arg2[%get3A] : memref<48xi32, #tpu.memory_space<smem>>
    %get3A_1 = arith.index_cast %arg0 : i32 to index
    %get3A_2 = memref.load %arg3[%get3A_1] : memref<48xi32, #tpu.memory_space<smem>>
    %mul3A = arith.muli %arg1, %get3A_2 : i32
    %c0_i32 = arith.constant 0 : i32
    %c0_i32_3 = arith.constant 0 : i32
    return %get3A_0, %mul3A, %c0_i32 : i32, i32, i32
  }
  func.func @transform_4(%arg0: i32, %arg1: i32, %arg2: memref<48xi32, #tpu.memory_space<smem>>, %arg3: memref<48xi32, #tpu.memory_space<smem>>) -> (i32, i32, i32) {
    %get3A = arith.index_cast %arg0 : i32 to index
    %get3A_0 = memref.load %arg2[%get3A] : memref<48xi32, #tpu.memory_space<smem>>
    %c0_i32 = arith.constant 0 : i32
    %c0_i32_1 = arith.constant 0 : i32
    %c0_i32_2 = arith.constant 0 : i32
    return %get3A_0, %c0_i32, %c0_i32_1 : i32, i32, i32
  }
  func.func @transform_5(%arg0: i32, %arg1: i32, %arg2: memref<48xi32, #tpu.memory_space<smem>>, %arg3: memref<48xi32, #tpu.memory_space<smem>>) -> (i32, i32) {
    %c0_i32 = arith.constant 0 : i32
    %c0_i32_0 = arith.constant 0 : i32
    return %arg0, %c0_i32 : i32, i32
  }
}

module attributes {stable_mosaic.version = 14 : i64} {
  func.func @_ln2_body(%arg0: i32, %arg1: memref<512x1024xf32, #tpu.memory_space<vmem>>, %arg2: memref<512x1024xf32, #tpu.memory_space<vmem>>, %arg3: memref<1x1024xf32, #tpu.memory_space<vmem>>, %arg4: memref<1x1024xf32, #tpu.memory_space<vmem>>, %arg5: memref<512x1024xf32, #tpu.memory_space<vmem>>) attributes {dimension_semantics = [#tpu.dimension_semantics<arbitrary>], iteration_bounds = array<i64: 8>, scalar_prefetch = 0 : i64, scratch_operands = 0 : i64, tpu.core_type = #tpu.core_type<tc>, window_params = [{transform_indices = @transform_0, window_bounds = array<i64: 512, 1024>}, {transform_indices = @transform_1, window_bounds = array<i64: 512, 1024>}, {pipeline_mode = #tpu.pipeline_mode<synchronous>, transform_indices = @transform_2, window_bounds = array<i64: 1, 1024>}, {pipeline_mode = #tpu.pipeline_mode<synchronous>, transform_indices = @transform_3, window_bounds = array<i64: 1, 1024>}, {transform_indices = @transform_4, window_bounds = array<i64: 512, 1024>}]} {
    %get3A = arith.constant 0 : index
    %get3A_0 = arith.constant 0 : index
    %get3A_1 = vector.load %arg1[%get3A, %get3A_0] : memref<512x1024xf32, #tpu.memory_space<vmem>>, vector<512x1024xf32>
    %get3A_2 = arith.constant 0 : index
    %get3A_3 = arith.constant 0 : index
    %get3A_4 = vector.load %arg2[%get3A_2, %get3A_3] : memref<512x1024xf32, #tpu.memory_space<vmem>>, vector<512x1024xf32>
    %add3A = arith.addf %get3A_1, %get3A_4 : vector<512x1024xf32>
    %reduce_sum3A = arith.constant dense<0.000000e+00> : vector<512xf32>
    %reduce_sum3A_5 = vector.multi_reduction <add>, %add3A, %reduce_sum3A [1] : vector<512x1024xf32> to vector<512xf32>
    %broadcast_in_dim3A = vector.shape_cast %reduce_sum3A_5 : vector<512xf32> to vector<512x1xf32>
    %div3A = arith.constant 1.024000e+03 : f32
    %div3A_6 = vector.broadcast %div3A : f32 to vector<512x1xf32>
    %div3A_7 = arith.divf %broadcast_in_dim3A, %div3A_6 : vector<512x1xf32>
    %sub3A = vector.broadcast %div3A_7 : vector<512x1xf32> to vector<512x1024xf32>
    %sub3A_8 = arith.subf %add3A, %sub3A : vector<512x1024xf32>
    %mul3A = arith.mulf %sub3A_8, %sub3A_8 : vector<512x1024xf32>
    %reduce_sum3A_9 = arith.constant dense<0.000000e+00> : vector<512xf32>
    %reduce_sum3A_10 = vector.multi_reduction <add>, %mul3A, %reduce_sum3A_9 [1] : vector<512x1024xf32> to vector<512xf32>
    %broadcast_in_dim3A_11 = vector.shape_cast %reduce_sum3A_10 : vector<512xf32> to vector<512x1xf32>
    %div3A_12 = arith.constant 1.024000e+03 : f32
    %div3A_13 = vector.broadcast %div3A_12 : f32 to vector<512x1xf32>
    %div3A_14 = arith.divf %broadcast_in_dim3A_11, %div3A_13 : vector<512x1xf32>
    %add3A_15 = arith.constant 9.99999974E-6 : f32
    %add3A_16 = vector.broadcast %add3A_15 : f32 to vector<512x1xf32>
    %add3A_17 = arith.addf %div3A_14, %add3A_16 : vector<512x1xf32>
    %rsqrt3A = math.rsqrt %add3A_17 : vector<512x1xf32>
    %mul3A_18 = vector.broadcast %rsqrt3A : vector<512x1xf32> to vector<512x1024xf32>
    %mul3A_19 = arith.mulf %sub3A_8, %mul3A_18 : vector<512x1024xf32>
    %get3A_20 = arith.constant 0 : index
    %get3A_21 = arith.constant 0 : index
    %get3A_22 = vector.load %arg3[%get3A_20, %get3A_21] : memref<1x1024xf32, #tpu.memory_space<vmem>>, vector<1x1024xf32>
    %mul3A_23 = vector.broadcast %get3A_22 : vector<1x1024xf32> to vector<512x1024xf32>
    %mul3A_24 = arith.mulf %mul3A_19, %mul3A_23 : vector<512x1024xf32>
    %get3A_25 = arith.constant 0 : index
    %get3A_26 = arith.constant 0 : index
    %get3A_27 = vector.load %arg4[%get3A_25, %get3A_26] : memref<1x1024xf32, #tpu.memory_space<vmem>>, vector<1x1024xf32>
    %add3A_28 = vector.broadcast %get3A_27 : vector<1x1024xf32> to vector<512x1024xf32>
    %add3A_29 = arith.addf %mul3A_24, %add3A_28 : vector<512x1024xf32>
    %swap3A = arith.constant 0 : index
    %swap3A_30 = arith.constant 0 : index
    %swap3A_31 = vector.load %arg5[%swap3A, %swap3A_30] : memref<512x1024xf32, #tpu.memory_space<vmem>>, vector<512x1024xf32>
    tpu.vector_store %arg5[%swap3A, %swap3A_30], %add3A_29 {strides = array<i32>} : memref<512x1024xf32, #tpu.memory_space<vmem>>, vector<512x1024xf32>,
    return
  }
  func.func @transform_0(%arg0: i32) -> (i32, i32) {
    %c0_i32 = arith.constant 0 : i32
    %c0_i32_0 = arith.constant 0 : i32
    return %arg0, %c0_i32 : i32, i32
  }
  func.func @transform_1(%arg0: i32) -> (i32, i32) {
    %c0_i32 = arith.constant 0 : i32
    %c0_i32_0 = arith.constant 0 : i32
    return %arg0, %c0_i32 : i32, i32
  }
  func.func @transform_2(%arg0: i32) -> (i32, i32) {
    %c0_i32 = arith.constant 0 : i32
    %c0_i32_0 = arith.constant 0 : i32
    %c0_i32_1 = arith.constant 0 : i32
    return %c0_i32, %c0_i32_0 : i32, i32
  }
  func.func @transform_3(%arg0: i32) -> (i32, i32) {
    %c0_i32 = arith.constant 0 : i32
    %c0_i32_0 = arith.constant 0 : i32
    %c0_i32_1 = arith.constant 0 : i32
    return %c0_i32, %c0_i32_0 : i32, i32
  }
  func.func @transform_4(%arg0: i32) -> (i32, i32) {
    %c0_i32 = arith.constant 0 : i32
    %c0_i32_0 = arith.constant 0 : i32
    return %arg0, %c0_i32 : i32, i32
  }
}

</mosaic_0001>

<sc_bundles>
// kernel: kernel.12.cloned.1.call-start
scs
__scs_entry_jumppad:
0x0: {  	(pc) =	sbr.rel $0x88, $3  }
0x1: {  	(tag) =	ssettag $0x0;
	lr =	simm.s32 $0x1  }
0x2: {  	[smem:$0x3F92] =	sst lr;
	_ =	strace $0xD0000000  }
0x3: {  	_ = 	snop  }
0x4: {  	_ = 	snop  }
0x5: {  	_ = 	snop  }
0x6: {  	_ = 	snop  }
0x7: {  	_ = 	snop  }
__scs_overlays_trampoline_lowered:
0x8: {  	[smem:$0x3FA1] =	sst s0  }
0x9: {  	[smem:$0x3FA2] =	sst s1  }
0xa: {  	[smem:$0x3FA3] =	sst s2  }
0xb: {  	[smem:$0x3FA4] =	sst s3  }
0xc: {  	[smem:$0x3FA5] =	sst s4  }
0xd: {  	[smem:$0x3FA6] =	sst s5  }
0xe: {  	[smem:$0x3FA7] =	sst s6  }
0xf: {  	[smem:$0x3FA8] =	sst s7  }
0x10: {  	[smem:$0x3FA9] =	sst s8  }
0x11: {  	[smem:$0x3FAA] =	sst s9;
	s0 =	simm.s32 @!p0 $0x0  }
0x12: {  	s1 =	sld [smem:$0x3F90];
	s0 =	simm.s32 @p0 $0x1  }
0x13: {  	[smem:$0x3FAB] =	sst s0;
	s0 =	simm.s32 @!p1 $0x0  }
0x14: {  	s2 =	sld [smem:$0x3F8F];
	s0 =	simm.s32 @p1 $0x1  }
0x15: {  	[smem:$0x3FAC] =	sst s0;
	s0 =	simm.s32 @!p2 $0x0  }
0x16: {  	s3 =	sld [smem:$0x3FDB];
	s0 =	simm.s32 @p2 $0x1  }
0x17: {  	s4 =	simm.s32 $0x1BF5;
	[smem:$0x3FAE] =	sst s0  }
0x18: {  	s0 =	sld [smem:$0x3F91];
	_ =	swait.ge [sflag:s4], $0x0  }
0x19: {  	s7 =	sld [smem:$0x3F92]  }
0x1a: {  	s8 =	sadd.s32 $0xFFFFE003, lr  }
0x1b: {  	s9 =	sadd.s32 $0xFFFFFEF7, lr;
	s5 =	simm.s32 $0xFFFFFFFF;
	p2 =	slt.u32 s8, $0xFFFFF086  }
0x1c: {  	p1 =	slt.u32 s9, $0xF7A;
	s5 =	simm.s32 @!p2 $0x0  }
0x1d: {  	s5 =	simm.s32 @p1 $0x1;
	p0 =	seq.s32 s7, s2  }
0x1e: {  	s7 =	smul.u32 @!p0 $0xF7A, s2;
	p2 =	seq.s32 @!p0 s5, $0x0  }
0x1f: {  	s9 =	smul.u32 $0xF7A, s1;
	s8 =	simm.s32 @!p0 $0x1BF5;
	p2 =	por !p2, p0  }
0x20: {  	[sflag:s8] =	ssyncset.s32 @!p0 $0xFFFFF086;
	s6 =	sadd.s32 @!p0 s3, s7;
	s7 =	simm.s32 @!p0 $0x108  }
0x21: {  	s3 =	sadd.s32 s3, s9;
	s6 =	sadd.s32 @!p0 $0x88, s6;
	s7 =	simm.s32 @p2 $0x1082  }
0x22: {  	[simem:s7], [sflag:s8] =	dma.local @!p0 [hbm:s6], $0xF7A  }
0x23: {  	s9 =	sor.u32 $0xD0000000, s2;
	s6 =	simm.s32 $0x108;
	_ =	swait.ge @!p0 [sflag:s8], $0x0  }
0x24: {  	s3 =	sadd.s32 $0x88, s3;
	s6 =	simm.s32 @!p1 $0x1082;
	[sflag:s4] =	ssyncset.s32 $0xFFFFF086  }
0x25: {  	[simem:s6], [sflag:s4] =	dma.local [hbm:s3], $0xF7A  }
0x26: {  	[smem:$0x3F92] =	sst s1;
	(tag) =	ssettag s2;
	_ =	strace s9  }
0x27: {  	s1 =	sld [smem:$0x3FA2]  }
0x28: {  	s2 =	sld [smem:$0x3FA3]  }
0x29: {  	s4 =	sld [smem:$0x3FA5]  }
0x2a: {  	p0 =	seq.s32 s5, $0x0;
	s5 =	sld [smem:$0x3FA6]  }
0x2b: {  	s6 =	sld [smem:$0x3FA7]  }
0x2c: {  	s7 =	sld [smem:$0x3FA8]  }
0x2d: {  	s3 =	simm.s32 $0x108;
	s8 =	sld [smem:$0x3FA9]  }
0x2e: {  	s3 =	simm.s32 @!p0 $0x1082;
	s9 =	sld [smem:$0x3FAA]  }
0x2f: {  	lr =	sadd.s32 s0, s3;
	s0 =	sld [smem:$0x3FA1]  }
0x30: {  	s3 =	sld [smem:$0x3FA4]  }
0x31: {  	[smem:$0x3FAD] =	sst s10  }
0x32: {  	s10 =	sld [smem:$0x3FAB];
	_ =	sdelay $0x3  }
0x33: {  	p0 =	seq.s32 s10, $0x1;
	s10 =	sld [smem:$0x3FAD];
	_ =	sdelay $0x3  }
0x34: {  	[smem:$0x3FAD] =	sst s10  }
0x35: {  	s10 =	sld [smem:$0x3FAC];
	_ =	sdelay $0x3  }
0x36: {  	p1 =	seq.s32 s10, $0x1;
	s10 =	sld [smem:$0x3FAD];
	_ =	sdelay $0x3  }
0x37: {  	[smem:$0x3FAD] =	sst s10  }
0x38: {  	s10 =	sld [smem:$0x3FAE]  }
0x39: {  	_ = 	snop;
	(pc) =	sbr.ind lr, $3  }
0x3a: {  	_ = 	snop  }
0x3b: {  	_ = 	snop  }
0x3c: {  	p2 =	seq.s32 s10, $0x1;
	s10 =	sld [smem:$0x3FAD]  }
0x3d: {  	_ =	shalt  }
0x3e: {  	_ =	shalt  }
0x3f: {  	_ =	shalt  }
0x40: {  	_ =	shalt  }
0x41: {  	_ =	shalt  }
0x42: {  	_ =	shalt  }
0x43: {  	_ =	shalt  }
0x44: {  	_ =	shalt  }
0x45: {  	_ =	shalt  }
0x46: {  	_ =	shalt  }
0x47: {  	_ =	shalt  }
0x48: {  	_ =	shalt  }
0x49: {  	_ =	shalt  }
0x4a: {  	_ =	shalt  }
0x4b: {  	_ =	shalt  }
0x4c: {  	_ =	shalt  }
0x4d: {  	_ =	shalt  }
0x4e: {  	_ =	shalt  }
0x4f: {  	_ =	shalt  }
0x50: {  	_ =	shalt  }
0x51: {  	_ =	shalt  }
0x52: {  	_ =	shalt  }
0x53: {  	_ =	shalt  }
0x54: {  	_ =	shalt  }
0x55: {  	_ =	shalt  }
0x56: {  	_ =	shalt  }
0x57: {  	_ =	shalt  }
0x58: {  	_ =	shalt  }
0x59: {  	_ =	shalt  }
0x5a: {  	_ =	shalt  }
0x5b: {  	_ =	shalt  }
0x5c: {  	_ =	shalt  }
0x5d: {  	_ =	shalt  }
0x5e: {  	_ =	shalt  }
0x5f: {  	_ =	shalt  }
0x60: {  	_ =	shalt  }
0x61: {  	_ =	shalt  }
0x62: {  	_ =	shalt  }
0x63: {  	_ =	shalt  }
0x64: {  	_ =	shalt  }
0x65: {  	_ =	shalt  }
0x66: {  	_ =	shalt  }
0x67: {  	_ =	shalt  }
0x68: {  	_ =	shalt  }
0x69: {  	_ =	shalt  }
0x6a: {  	_ =	shalt  }
0x6b: {  	_ =	shalt  }
0x6c: {  	_ =	shalt  }
0x6d: {  	_ =	shalt  }
0x6e: {  	_ =	shalt  }
0x6f: {  	_ =	shalt  }
0x70: {  	_ =	shalt  }
0x71: {  	_ =	shalt  }
0x72: {  	_ =	shalt  }
0x73: {  	_ =	shalt  }
0x74: {  	_ =	shalt  }
0x75: {  	_ =	shalt  }
0x76: {  	_ =	shalt  }
0x77: {  	_ =	shalt  }
0x78: {  	_ =	shalt  }
0x79: {  	_ =	shalt  }
0x7a: {  	_ =	shalt  }
0x7b: {  	_ =	shalt  }
0x7c: {  	_ =	shalt  }
0x7d: {  	_ =	shalt  }
0x7e: {  	_ =	shalt  }
0x7f: {  	_ =	shalt  }
0x80: {  	_ =	shalt  }
0x81: {  	_ =	shalt  }
0x82: {  	_ =	shalt  }
0x83: {  	_ =	shalt  }
0x84: {  	_ =	shalt  }
0x85: {  	_ =	shalt  }
0x86: {  	_ =	shalt  }
0x87: {  	_ =	shalt  }
.Lfunc_end0:
.L_simem_size_0:
called_computation.2_lowered:
.L_overlay_start_0:
0x88: {  	s2 =	sld [smem:$0x3FD9]  }
0x89: {  	s3 =	sld [smem:$0x3FFE];
	_ =	sdelay $0x1  }
0x8a: {  	s1 =	srdreg.scid  }
0x8b: {  	s0 =	sand.u32 $0x1, s1  }
0x8c: {  	s17 =	sshll.u32 s0, $0xA;
	s2 =	sadd.s32 s3, s2  }
0x8d: {  	s2 =	sadd.s32 s2, s17  }
0x8e: {  	[smem:$0x3FB9] =	sst s2  }
0x8f: {  	_ = 	snop  }
0x90: {  	s2 =	sld [smem:$0x3FD0];
	(tm) =	ssettm $0x1  }
0x91: {  	s18 =	sld [smem:$0x3FFB];
	_ =	sdelay $0x3  }
0x92: {  	_ =	strace s18  }
0x93: {  	s3 =	sld [smem:$0x3FFC];
	_ =	sdelay $0x3  }
0x94: {  	_ =	strace s3  }
0x95: {  	s3 =	sld [smem:$0x3FFD];
	_ =	sdelay $0x3  }
0x96: {  	_ =	strace s3  }
0x97: {  	_ =	strace $0x8FFFFFFF  }
0x98: {  	s19 =	sld [smem:$0x3FDB];
	_ =	sdelay $0x1  }
0x99: {  	s4 =	simm.s32 $_scs_section_size  }
0x9a: {  	s5 =	simm.s32 $_size__tile_overlayer_lowered;
	s6 =	simm.s32 $_tile_overlayer_lowered  }
0x9b: {  	s22 =	simm.s32 $0x1BFF;
	s21 =	sshll.u32 s6, $0x1;
	s3 =	sadd.s32 s4, s19  }
0x9c: {  	s7 =	simm.s32 $0x0;
	s20 =	sshll.u32 s5, $0x1;
	s5 =	sadd.s32 s21, s3  }
0x9d: {  	[timem:s7], [sflag:s22] =	dma.local [hbm:s5], s20  }
0x9e: {  	_ =	swait.ge [sflag:s22], s20  }
0x9f: {  	s4 =	ssub.s32 $0x0, s20;
	[sflag:s22] =	ssyncset.done $0x0  }
0xa0: {  	[sflag:s22] =	ssyncadd.s32 s4;
	_ =	sdelay $0x1  }
0xa1: {  	s23 =	simm.s32 $0x1B8B  }
0xa2: {  	_ =	swait.ge [sflag:s23], $0x1  }
0xa3: {  	[sflag:s23] =	ssyncset.done $0x0  }
0xa4: {  	s25 =	simm.s32 $0x1B8E;
	s24 =	sld [smem:$0x3FFE];
	[sflag:s23] =	ssyncadd.s32 $0xFFFFFFFF  }
0xa5: {  	s26 =	simm.s32 $execute0_lowered;
	[smem:$0x3FD2] =	sst s25  }
0xa6: {  	s5 =	sshll.u32 s26, $0x1;
	_ =	strace $0x8000004C;
	[dreg:$0x1] =	wrdreg $0xFFFFFFFF  }
0xa7: {  	s28 =	simm.s32 $_size_execute0_lowered;
	s3 =	sadd.s32 s3, s5;
	[dreg:$0x0] =	wrdreg $0x0  }
0xa8: {  	s5 =	sshll.u32 s28, $0x1;
	[dreg:$0x2] =	wrdreg s3  }
0xa9: {  	[dreg:$0x3] =	wrdreg s5  }
0xaa: {  	[dreg:$0x4] =	wrdreg $0xC0  }
0xab: {  	_ =	task [dreg:s7], $0x5FFFF  }
0xac: {  	[dreg:$0x1] =	wrdreg $0xFFFFFFFF  }
0xad: {  	[dreg:$0x0] =	wrdreg $0x60  }
0xae: {  	[dreg:$0x2] =	wrdreg s24  }
0xaf: {  	[dreg:$0x3] =	wrdreg s2  }
0xb0: {  	[dreg:$0x4] =	wrdreg $0x9  }
0xb1: {  	_ =	task.clear_ibuf [dreg:s7], $0x5FFFF;
	_ =	strace $0x9000004C  }
0xb2: {  	s29 =	simm.s32 $0x9;
	_ =	strace $0x8000004E  }
0xb3: {  	_ =	swait.ge [sflag:s29], $0x1  }
0xb4: {  	[sflag:s29] =	ssyncadd.s32 $0xFFFFFFFF  }
0xb5: {  	_ =	strace $0x9000004E  }
0xb6: {  	_ =	sfence  }
0xb7: {  	s30 =	sld [smem:$0x0];
	_ =	sdelay $0x2  }
0xb8: {  	s31 =	sshll.u32 s1, $0xD;
	s1 =	sshrl.u32 s1, $0x2  }
0xb9: {  	s3 =	sand.u32 $0x4000, s31;
	s1 =	sadd.s32 s1, s30  }
0xba: {  	s0 =	sor.u32 s3, s0;
	s1 =	sshll.u32 s1, $0x11  }
0xbb: {  	s0 =	sor.u32 s1, s0  }
0xbc: {  	s0 =	sadd.s32 $0x8F2B, s0  }
0xbd: {  	[sflag:s0] =	ssyncadd.remote.s32 $0x1  }
0xbe: {  	_ =	sfence.sel $0xFFFF  }
0xbf: {  	[dreg:$0x0] =	wrdreg $0xFFFFFFFF;
	(pc) =	sbr.abs _section_cstart, $3  }
0xc0: {  	[dreg:$0x1] =	wrdreg $0xFFFFFFFF  }
0xc1: {  	_ =	task.clear_ibuf [dreg:s7], $0x2FFFF;
	_ =	strace $0x9FFFFFFF  }
0xc2: {  	(tm) =	ssettm $0x7FFFFFFF  }
0xc3: {  	_ =	shalt  }
tec
execute0_lowered:
.L_overlay_start_1:
0x0: {  	(tag) =	ssettag $0x1  }
0x1: {  	s0 =	rddreg [dreg:$0x0]  }
0x2: {  	s1 =	rddreg [dreg:$0x1]  }
0x3: {  	s2 =	srdreg.scid;
	s4 =	stileid.u32;
	s18 =	simm.s32 $0x1  }
0x4: {  	s20 =	simm.s32 $0x880;
	s21 =	simm.s32 $0x1080;
	s28 =	simm.s32 $0x4080  }
0x5: {  	s29 =	simm.s32 $0x4880;
	s30 =	simm.s32 $0x5080;
	s31 =	simm.s32 $0x5880  }
0x6: {  	s11 =	simm.s32 $0x7880;
	s12 =	simm.s32 $0x8080;
	s13 =	simm.s32 $0x8880  }
0x7: {  	s14 =	simm.s32 $0x9080;
	s15 =	simm.s32 $0x9880;
	s16 =	simm.s32 $0xA080  }
0x8: {  	s17 =	simm.s32 $0xA880;
	s3 =	sand.u32 $0x1, s2;
	s2 =	simm.s32 $0x0  }
0x9: {  	s4 =	sshll.u32 s4, $0x8;
	s6 =	sadd.s32 $0x80C00, s0;
	s5 =	sshll.u32 s3, $0x7  }
0xa: {  	[smem:$0x7FF] =	sst s2;
	s22 =	ssub.s32 $0x2, s3;
	s3 =	sadd.s32 $0x200E00, s0  }
0xb: {  	s5 =	sor.u32 s5, s4;
	_ =	strace $0x8000004D;
	s7 =	sshrl.u32 s22, $0x1  }
0xc: {  	s4 =	sadd.s32 $0x200F00, s0;
	s23 =	sshrl.u32 s5, $0x3;
	s7 =	ssub.s32 s22, s7  }
0xd: {  	s24 =	sshll.u32 s5, $0x7;
	s9 =	sor.u32 $0x40, s5;
	s5 =	sadd.s32 $0x201000, s0  }
0xe: {  	s22 =	simm.s32 $0x1880;
	s8 =	sadd.s32 s6, s23;
	s10 =	sshrl.u32 s9, $0x3  }
0xf: {  	s9 =	sshll.u32 s9, $0x7;
	s7 =	smax.u32 s7, $0x1;
	s23 =	simm.s32 $0x2080  }
0x10: {  	[dreg:$0x3] =	wrdreg s8;
	s8 =	sadd.s32 s1, s24;
	s25 =	sadd.s32 s6, s10  }
0x11: {  	s6 =	sadd.s32 $0x201100, s0;
	s26 =	sadd.s32 s1, s9;
	[dreg:$0x4] =	wrdreg s8  }
0x12: {  	v2 =	vlaneseq.u32;
	s0 =	simm.s32 $0x80;
	s24 =	simm.s32 $0x2880;
	[dreg:$0x5] =	wrdreg s25  }
0x13: {  	vm0 =	vmmov $0xffff;
	v1 =	vshrl.u32 v2, $0x3;
	s10 =	simm.s32 $0x7080;
	s9 =	simm.s32 $0xB080;
	[dreg:$0x6] =	wrdreg s26  }
0x14: {  	v0 =	vand.u32 $0x7, v2;
	v2 =	vor.u32 $0x8, v2;
	v1 =	vmul.u32 $0x8, v1;
	s8 =	simm.s32 $0x2;
	s25 =	simm.s32 $0x3080;
	s26 =	simm.s32 $0x3880  }
.LBB2_1:
0x15: {  	s19 =	rddreg [dreg:$0x3]  }
0x16: {  	[tilespmem:s2], [sflag:$0x2] =	stream.linear.gather [hbm4b:s19+s2], $0x40, $0x38;
	[tilespmem:$0x10080] =	vst v63  }
0x17: {  	_ =	swait.ge [sflag:s8], $0x40  }
0x18: {  	[sflag:s8] =	ssyncset.done $0x0  }
0x19: {  	[sflag:s8] =	ssyncadd.s32 $0xFFFFFFC0  }
0x1a: {  	v3 =	vld [tilespmem:$0x0];
	_ =	sdelay $0x4  }
0x1b: {  	v4 =	vshll.u32 v3, $0x3  }
0x1c: {  	v3 =	vand.u32 $0x7, v3;
	v4 =	vand.u32 $0xFFFFFFC0, v4  }
0x1d: {  	v3 =	vor.u32 v3, v4  }
0x1e: {  	v4 =	vperm.xlane v3, v0;
	_ =	sdelay $0x1  }
0x1f: {  	v4 =	vadd.s32 v1, v4;
	_ =	sdelay $0x4  }
0x20: {  	[tilespmem:s0], [sflag:$0x1] =	stream.indirect_vreg.gather [hbm4b:s3+s2], $0x80, v4, vm0, $0xb8;
	[tilespmem:$0x10080] =	vst v63  }
0x21: {  	v3 =	vperm.xlane v3, v2  }
0x22: {  	[tilespmem:s20], [sflag:$0x1] =	stream.indirect_vreg.gather [hbm4b:s4+s2], $0x80, v4, vm0, $0xb8;
	[tilespmem:$0x10080] =	vst v63  }
0x23: {  	v3 =	vadd.s32 v1, v3  }
0x24: {  	[tilespmem:s21], [sflag:$0x1] =	stream.indirect_vreg.gather [hbm4b:s5+s2], $0x80, v4, vm0, $0xb8;
	[tilespmem:$0x10080] =	vst v63  }
0x25: {  	_ = 	snop  }
0x26: {  	[tilespmem:s22], [sflag:$0x1] =	stream.indirect_vreg.gather [hbm4b:s6+s2], $0x80, v4, vm0, $0xb8;
	[tilespmem:$0x10080] =	vst v63  }
0x27: {  	_ = 	snop  }
0x28: {  	[tilespmem:s23], [sflag:$0x1] =	stream.indirect_vreg.gather [hbm4b:s3+s2], $0x80, v3, vm0, $0xb8;
	[tilespmem:$0x10080] =	vst v63  }
0x29: {  	_ = 	snop  }
0x2a: {  	[tilespmem:s24], [sflag:$0x1] =	stream.indirect_vreg.gather [hbm4b:s4+s2], $0x80, v3, vm0, $0xb8;
	[tilespmem:$0x10080] =	vst v63  }
0x2b: {  	_ = 	snop  }
0x2c: {  	[tilespmem:s25], [sflag:$0x1] =	stream.indirect_vreg.gather [hbm4b:s5+s2], $0x80, v3, vm0, $0xb8;
	[tilespmem:$0x10080] =	vst v63  }
0x2d: {  	_ = 	snop  }
0x2e: {  	[tilespmem:s26], [sflag:$0x1] =	stream.indirect_vreg.gather [hbm4b:s6+s2], $0x80, v3, vm0, $0xb8;
	[tilespmem:$0x10080] =	vst v63  }
0x2f: {  	v3 =	vld [tilespmem:$0x10];
	_ =	sdelay $0x4  }
0x30: {  	v57 =	vshll.u32 v3, $0x3  }
0x31: {  	v3 =	vand.u32 $0x7, v3;
	v4 =	vand.u32 $0xFFFFFFC0, v57  }
0x32: {  	v3 =	vor.u32 v3, v4  }
0x33: {  	v4 =	vperm.xlane v3, v0;
	_ =	sdelay $0x1  }
0x34: {  	v4 =	vadd.s32 v1, v4;
	_ =	sdelay $0x4  }
0x35: {  	[tilespmem:s28], [sflag:$0x1] =	stream.indirect_vreg.gather [hbm4b:s3+s2], $0x80, v4, vm0, $0xb8;
	[tilespmem:$0x10080] =	vst v63  }
0x36: {  	v3 =	vperm.xlane v3, v2  }
0x37: {  	[tilespmem:s29], [sflag:$0x1] =	stream.indirect_vreg.gather [hbm4b:s4+s2], $0x80, v4, vm0, $0xb8;
	[tilespmem:$0x10080] =	vst v63  }
0x38: {  	v3 =	vadd.s32 v1, v3  }
0x39: {  	[tilespmem:s30], [sflag:$0x1] =	stream.indirect_vreg.gather [hbm4b:s5+s2], $0x80, v4, vm0, $0xb8;
	[tilespmem:$0x10080] =	vst v63  }
0x3a: {  	_ = 	snop  }
0x3b: {  	[tilespmem:s31], [sflag:$0x1] =	stream.indirect_vreg.gather [hbm4b:s6+s2], $0x80, v4, vm0, $0xb8;
	[tilespmem:$0x10080] =	vst v63  }
0x3c: {  	s1 =	simm.s32 $0x6080  }
0x3d: {  	[tilespmem:s1], [sflag:$0x1] =	stream.indirect_vreg.gather [hbm4b:s3+s2], $0x80, v3, vm0, $0xb8;
	[tilespmem:$0x10080] =	vst v63  }
0x3e: {  	s1 =	simm.s32 $0x6880  }
0x3f: {  	[tilespmem:s1], [sflag:$0x1] =	stream.indirect_vreg.gather [hbm4b:s4+s2], $0x80, v3, vm0, $0xb8;
	[tilespmem:$0x10080] =	vst v63  }
0x40: {  	_ = 	snop  }
0x41: {  	[tilespmem:s10], [sflag:$0x1] =	stream.indirect_vreg.gather [hbm4b:s5+s2], $0x80, v3, vm0, $0xb8;
	[tilespmem:$0x10080] =	vst v63  }
0x42: {  	_ = 	snop  }
0x43: {  	[tilespmem:s11], [sflag:$0x1] =	stream.indirect_vreg.gather [hbm4b:s6+s2], $0x80, v3, vm0, $0xb8;
	[tilespmem:$0x10080] =	vst v63  }
0x44: {  	v3 =	vld [tilespmem:$0x20];
	_ =	sdelay $0x4  }
0x45: {  	v58 =	vshll.u32 v3, $0x3  }
0x46: {  	v3 =	vand.u32 $0x7, v3;
	v4 =	vand.u32 $0xFFFFFFC0, v58  }
0x47: {  	v3 =	vor.u32 v3, v4  }
0x48: {  	v4 =	vperm.xlane v3, v0;
	_ =	sdelay $0x1  }
0x49: {  	v4 =	vadd.s32 v1, v4;
	_ =	sdelay $0x4  }
0x4a: {  	[tilespmem:s12], [sflag:$0x1] =	stream.indirect_vreg.gather [hbm4b:s3+s2], $0x80, v4, vm0, $0xb8;
	[tilespmem:$0x10080] =	vst v63  }
0x4b: {  	v3 =	vperm.xlane v3, v2  }
0x4c: {  	[tilespmem:s13], [sflag:$0x1] =	stream.indirect_vreg.gather [hbm4b:s4+s2], $0x80, v4, vm0, $0xb8;
	[tilespmem:$0x10080] =	vst v63  }
0x4d: {  	v3 =	vadd.s32 v1, v3  }
0x4e: {  	[tilespmem:s14], [sflag:$0x1] =	stream.indirect_vreg.gather [hbm4b:s5+s2], $0x80, v4, vm0, $0xb8;
	[tilespmem:$0x10080] =	vst v63  }
0x4f: {  	_ = 	snop  }
0x50: {  	[tilespmem:s15], [sflag:$0x1] =	stream.indirect_vreg.gather [hbm4b:s6+s2], $0x80, v4, vm0, $0xb8;
	[tilespmem:$0x10080] =	vst v63  }
0x51: {  	_ = 	snop  }
0x52: {  	[tilespmem:s16], [sflag:$0x1] =	stream.indirect_vreg.gather [hbm4b:s3+s2], $0x80, v3, vm0, $0xb8;
	[tilespmem:$0x10080] =	vst v63  }
0x53: {  	_ = 	snop  }
0x54: {  	[tilespmem:s17], [sflag:$0x1] =	stream.indirect_vreg.gather [hbm4b:s4+s2], $0x80, v3, vm0, $0xb8;
	[tilespmem:$0x10080] =	vst v63  }
0x55: {  	_ = 	snop  }
0x56: {  	[tilespmem:s9], [sflag:$0x1] =	stream.indirect_vreg.gather [hbm4b:s5+s2], $0x80, v3, vm0, $0xb8;
	[tilespmem:$0x10080] =	vst v63  }
0x57: {  	s19 =	simm.s32 $0xB880  }
0x58: {  	[tilespmem:s19], [sflag:$0x1] =	stream.indirect_vreg.gather [hbm4b:s6+s2], $0x80, v3, vm0, $0xb8;
	[tilespmem:$0x10080] =	vst v63  }
0x59: {  	v3 =	vld [tilespmem:$0x30];
	_ =	sdelay $0x4  }
0x5a: {  	v59 =	vshll.u32 v3, $0x3  }
0x5b: {  	v3 =	vand.u32 $0x7, v3;
	v4 =	vand.u32 $0xFFFFFFC0, v59  }
0x5c: {  	v3 =	vor.u32 v3, v4  }
0x5d: {  	v4 =	vperm.xlane v3, v0;
	_ =	sdelay $0x1  }
0x5e: {  	v4 =	vadd.s32 v1, v4;
	_ =	sdelay $0x3  }
0x5f: {  	s19 =	simm.s32 $0xC080  }
0x60: {  	[tilespmem:s19], [sflag:$0x1] =	stream.indirect_vreg.gather [hbm4b:s3+s2], $0x80, v4, vm0, $0xb8;
	[tilespmem:$0x10080] =	vst v63  }
0x61: {  	v3 =	vperm.xlane v3, v2;
	s19 =	simm.s32 $0xC880  }
0x62: {  	[tilespmem:s19], [sflag:$0x1] =	stream.indirect_vreg.gather [hbm4b:s4+s2], $0x80, v4, vm0, $0xb8;
	[tilespmem:$0x10080] =	vst v63  }
0x63: {  	v3 =	vadd.s32 v1, v3;
	s19 =	simm.s32 $0xD080  }
0x64: {  	[tilespmem:s19], [sflag:$0x1] =	stream.indirect_vreg.gather [hbm4b:s5+s2], $0x80, v4, vm0, $0xb8;
	[tilespmem:$0x10080] =	vst v63  }
0x65: {  	s19 =	simm.s32 $0xD880  }
0x66: {  	[tilespmem:s19], [sflag:$0x1] =	stream.indirect_vreg.gather [hbm4b:s6+s2], $0x80, v4, vm0, $0xb8;
	[tilespmem:$0x10080] =	vst v63  }
0x67: {  	s19 =	simm.s32 $0xE080  }
0x68: {  	[tilespmem:s19], [sflag:$0x1] =	stream.indirect_vreg.gather [hbm4b:s3+s2], $0x80, v3, vm0, $0xb8;
	[tilespmem:$0x10080] =	vst v63  }
0x69: {  	s19 =	simm.s32 $0xE880  }
0x6a: {  	[tilespmem:s19], [sflag:$0x1] =	stream.indirect_vreg.gather [hbm4b:s4+s2], $0x80, v3, vm0, $0xb8;
	[tilespmem:$0x10080] =	vst v63  }
0x6b: {  	s19 =	simm.s32 $0xF080  }
0x6c: {  	[tilespmem:s19], [sflag:$0x1] =	stream.indirect_vreg.gather [hbm4b:s5+s2], $0x80, v3, vm0, $0xb8;
	[tilespmem:$0x10080] =	vst v63  }
0x6d: {  	s19 =	simm.s32 $0xF880  }
0x6e: {  	[tilespmem:s19], [sflag:$0x1] =	stream.indirect_vreg.gather [hbm4b:s6+s2], $0x80, v3, vm0, $0xb8;
	[tilespmem:$0x10080] =	vst v63  }
0x6f: {  	_ =	swait.ge [sflag:s18], $0x10000  }
0x70: {  	[sflag:s18] =	ssyncset.done $0x0  }
0x71: {  	s19 =	rddreg [dreg:$0x4];
	[sflag:s18] =	ssyncadd.s32 $0xFFFF0000  }
0x72: {  	[hbm4b:s19+s2] =	stream.linear.scatter [tilespmem:s0], [sflag:$0x2], $0x10000, $0x38;
	[tilespmem:$0x10080] =	vst v63  }
0x73: {  	_ =	swait.ge [sflag:s8], $0x10000  }
0x74: {  	[sflag:s8] =	ssyncset.done $0x0  }
0x75: {  	s19 =	rddreg [dreg:$0x5];
	[sflag:s8] =	ssyncadd.s32 $0xFFFF0000  }
0x76: {  	[tilespmem:s2], [sflag:$0x2] =	stream.linear.gather [hbm4b:s19+s2], $0x40, $0x38;
	[tilespmem:$0x10080] =	vst v63  }
0x77: {  	_ =	swait.ge [sflag:s8], $0x40  }
0x78: {  	[sflag:s8] =	ssyncset.done $0x0  }
0x79: {  	[sflag:s8] =	ssyncadd.s32 $0xFFFFFFC0  }
0x7a: {  	v3 =	vld [tilespmem:$0x0];
	_ =	sdelay $0x4  }
0x7b: {  	v60 =	vshll.u32 v3, $0x3  }
0x7c: {  	v3 =	vand.u32 $0x7, v3;
	v4 =	vand.u32 $0xFFFFFFC0, v60  }
0x7d: {  	v3 =	vor.u32 v3, v4  }
0x7e: {  	v4 =	vperm.xlane v3, v0;
	_ =	sdelay $0x1  }
0x7f: {  	v4 =	vadd.s32 v1, v4;
	_ =	sdelay $0x4  }
0x80: {  	[tilespmem:s0], [sflag:$0x1] =	stream.indirect_vreg.gather [hbm4b:s3+s2], $0x80, v4, vm0, $0xb8;
	[tilespmem:$0x10080] =	vst v63  }
0x81: {  	v3 =	vperm.xlane v3, v2  }
0x82: {  	[tilespmem:s20], [sflag:$0x1] =	stream.indirect_vreg.gather [hbm4b:s4+s2], $0x80, v4, vm0, $0xb8;
	[tilespmem:$0x10080] =	vst v63  }
0x83: {  	v3 =	vadd.s32 v1, v3  }
0x84: {  	[tilespmem:s21], [sflag:$0x1] =	stream.indirect_vreg.gather [hbm4b:s5+s2], $0x80, v4, vm0, $0xb8;
	[tilespmem:$0x10080] =	vst v63  }
0x85: {  	_ = 	snop  }
0x86: {  	[tilespmem:s22], [sflag:$0x1] =	stream.indirect_vreg.gather [hbm4b:s6+s2], $0x80, v4, vm0, $0xb8;
	[tilespmem:$0x10080] =	vst v63  }
0x87: {  	_ = 	snop  }
0x88: {  	[tilespmem:s23], [sflag:$0x1] =	stream.indirect_vreg.gather [hbm4b:s3+s2], $0x80, v3, vm0, $0xb8;
	[tilespmem:$0x10080] =	vst v63  }
0x89: {  	_ = 	snop  }
0x8a: {  	[tilespmem:s24], [sflag:$0x1] =	stream.indirect_vreg.gather [hbm4b:s4+s2], $0x80, v3, vm0, $0xb8;
	[tilespmem:$0x10080] =	vst v63  }
0x8b: {  	_ = 	snop  }
0x8c: {  	[tilespmem:s25], [sflag:$0x1] =	stream.indirect_vreg.gather [hbm4b:s5+s2], $0x80, v3, vm0, $0xb8;
	[tilespmem:$0x10080] =	vst v63  }
0x8d: {  	_ = 	snop  }
0x8e: {  	[tilespmem:s26], [sflag:$0x1] =	stream.indirect_vreg.gather [hbm4b:s6+s2], $0x80, v3, vm0, $0xb8;
	[tilespmem:$0x10080] =	vst v63  }
0x8f: {  	v3 =	vld [tilespmem:$0x10];
	_ =	sdelay $0x4  }
0x90: {  	v61 =	vshll.u32 v3, $0x3  }
0x91: {  	v3 =	vand.u32 $0x7, v3;
	v4 =	vand.u32 $0xFFFFFFC0, v61  }
0x92: {  	v3 =	vor.u32 v3, v4  }
0x93: {  	v4 =	vperm.xlane v3, v0;
	_ =	sdelay $0x1  }
0x94: {  	v4 =	vadd.s32 v1, v4;
	_ =	sdelay $0x4  }
0x95: {  	[tilespmem:s28], [sflag:$0x1] =	stream.indirect_vreg.gather [hbm4b:s3+s2], $0x80, v4, vm0, $0xb8;
	[tilespmem:$0x10080] =	vst v63  }
0x96: {  	v3 =	vperm.xlane v3, v2  }
0x97: {  	[tilespmem:s29], [sflag:$0x1] =	stream.indirect_vreg.gather [hbm4b:s4+s2], $0x80, v4, vm0, $0xb8;
	[tilespmem:$0x10080] =	vst v63  }
0x98: {  	v3 =	vadd.s32 v1, v3  }
0x99: {  	[tilespmem:s30], [sflag:$0x1] =	stream.indirect_vreg.gather [hbm4b:s5+s2], $0x80, v4, vm0, $0xb8;
	[tilespmem:$0x10080] =	vst v63  }
0x9a: {  	_ = 	snop  }
0x9b: {  	[tilespmem:s31], [sflag:$0x1] =	stream.indirect_vreg.gather [hbm4b:s6+s2], $0x80, v4, vm0, $0xb8;
	[tilespmem:$0x10080] =	vst v63  }
0x9c: {  	s19 =	simm.s32 $0x6080  }
0x9d: {  	[tilespmem:s19], [sflag:$0x1] =	stream.indirect_vreg.gather [hbm4b:s3+s2], $0x80, v3, vm0, $0xb8;
	[tilespmem:$0x10080] =	vst v63  }
0x9e: {  	_ = 	snop  }
0x9f: {  	[tilespmem:s1], [sflag:$0x1] =	stream.indirect_vreg.gather [hbm4b:s4+s2], $0x80, v3, vm0, $0xb8;
	[tilespmem:$0x10080] =	vst v63  }
0xa0: {  	_ = 	snop  }
0xa1: {  	[tilespmem:s10], [sflag:$0x1] =	stream.indirect_vreg.gather [hbm4b:s5+s2], $0x80, v3, vm0, $0xb8;
	[tilespmem:$0x10080] =	vst v63  }
0xa2: {  	_ = 	snop  }
0xa3: {  	[tilespmem:s11], [sflag:$0x1] =	stream.indirect_vreg.gather [hbm4b:s6+s2], $0x80, v3, vm0, $0xb8;
	[tilespmem:$0x10080] =	vst v63  }
0xa4: {  	v3 =	vld [tilespmem:$0x20];
	_ =	sdelay $0x4  }
0xa5: {  	v62 =	vshll.u32 v3, $0x3  }
0xa6: {  	v3 =	vand.u32 $0x7, v3;
	v4 =	vand.u32 $0xFFFFFFC0, v62  }
0xa7: {  	v3 =	vor.u32 v3, v4  }
0xa8: {  	v4 =	vperm.xlane v3, v0;
	_ =	sdelay $0x1  }
0xa9: {  	v4 =	vadd.s32 v1, v4;
	_ =	sdelay $0x4  }
0xaa: {  	[tilespmem:s12], [sflag:$0x1] =	stream.indirect_vreg.gather [hbm4b:s3+s2], $0x80, v4, vm0, $0xb8;
	[tilespmem:$0x10080] =	vst v63  }
0xab: {  	v3 =	vperm.xlane v3, v2  }
0xac: {  	[tilespmem:s13], [sflag:$0x1] =	stream.indirect_vreg.gather [hbm4b:s4+s2], $0x80, v4, vm0, $0xb8;
	[tilespmem:$0x10080] =	vst v63  }
0xad: {  	v3 =	vadd.s32 v1, v3  }
0xae: {  	[tilespmem:s14], [sflag:$0x1] =	stream.indirect_vreg.gather [hbm4b:s5+s2], $0x80, v4, vm0, $0xb8;
	[tilespmem:$0x10080] =	vst v63  }
0xaf: {  	_ = 	snop  }
0xb0: {  	[tilespmem:s15], [sflag:$0x1] =	stream.indirect_vreg.gather [hbm4b:s6+s2], $0x80, v4, vm0, $0xb8;
	[tilespmem:$0x10080] =	vst v63  }
0xb1: {  	_ = 	snop  }
0xb2: {  	[tilespmem:s16], [sflag:$0x1] =	stream.indirect_vreg.gather [hbm4b:s3+s2], $0x80, v3, vm0, $0xb8;
	[tilespmem:$0x10080] =	vst v63  }
0xb3: {  	_ = 	snop  }
0xb4: {  	[tilespmem:s17], [sflag:$0x1] =	stream.indirect_vreg.gather [hbm4b:s4+s2], $0x80, v3, vm0, $0xb8;
	[tilespmem:$0x10080] =	vst v63  }
0xb5: {  	_ = 	snop  }
0xb6: {  	[tilespmem:s9], [sflag:$0x1] =	stream.indirect_vreg.gather [hbm4b:s5+s2], $0x80, v3, vm0, $0xb8;
	[tilespmem:$0x10080] =	vst v63  }
0xb7: {  	s19 =	simm.s32 $0xB880  }
0xb8: {  	[tilespmem:s19], [sflag:$0x1] =	stream.indirect_vreg.gather [hbm4b:s6+s2], $0x80, v3, vm0, $0xb8;
	[tilespmem:$0x10080] =	vst v63  }
0xb9: {  	v3 =	vld [tilespmem:$0x30];
	_ =	sdelay $0x4  }
0xba: {  	v63 =	vshll.u32 v3, $0x3  }
0xbb: {  	v3 =	vand.u32 $0x7, v3;
	v4 =	vand.u32 $0xFFFFFFC0, v63  }
0xbc: {  	v3 =	vor.u32 v3, v4  }
0xbd: {  	v4 =	vperm.xlane v3, v0;
	_ =	sdelay $0x1  }
0xbe: {  	v4 =	vadd.s32 v1, v4;
	_ =	sdelay $0x3  }
0xbf: {  	s19 =	simm.s32 $0xC080  }
0xc0: {  	[tilespmem:s19], [sflag:$0x1] =	stream.indirect_vreg.gather [hbm4b:s3+s2], $0x80, v4, vm0, $0xb8;
	[tilespmem:$0x10080] =	vst v63  }
0xc1: {  	v3 =	vperm.xlane v3, v2;
	s19 =	simm.s32 $0xC880  }
0xc2: {  	[tilespmem:s19], [sflag:$0x1] =	stream.indirect_vreg.gather [hbm4b:s4+s2], $0x80, v4, vm0, $0xb8;
	[tilespmem:$0x10080] =	vst v63  }
0xc3: {  	v3 =	vadd.s32 v1, v3;
	s19 =	simm.s32 $0xD080  }
0xc4: {  	[tilespmem:s19], [sflag:$0x1] =	stream.indirect_vreg.gather [hbm4b:s5+s2], $0x80, v4, vm0, $0xb8;
	[tilespmem:$0x10080] =	vst v63  }
0xc5: {  	s19 =	simm.s32 $0xD880  }
0xc6: {  	[tilespmem:s19], [sflag:$0x1] =	stream.indirect_vreg.gather [hbm4b:s6+s2], $0x80, v4, vm0, $0xb8;
	[tilespmem:$0x10080] =	vst v63  }
0xc7: {  	s19 =	simm.s32 $0xE080  }
0xc8: {  	[tilespmem:s19], [sflag:$0x1] =	stream.indirect_vreg.gather [hbm4b:s3+s2], $0x80, v3, vm0, $0xb8;
	[tilespmem:$0x10080] =	vst v63  }
0xc9: {  	s19 =	simm.s32 $0xE880  }
0xca: {  	[tilespmem:s19], [sflag:$0x1] =	stream.indirect_vreg.gather [hbm4b:s4+s2], $0x80, v3, vm0, $0xb8;
	[tilespmem:$0x10080] =	vst v63  }
0xcb: {  	s19 =	simm.s32 $0xF080  }
0xcc: {  	[tilespmem:s19], [sflag:$0x1] =	stream.indirect_vreg.gather [hbm4b:s5+s2], $0x80, v3, vm0, $0xb8;
	[tilespmem:$0x10080] =	vst v63  }
0xcd: {  	s19 =	simm.s32 $0xF880  }
0xce: {  	[tilespmem:s19], [sflag:$0x1] =	stream.indirect_vreg.gather [hbm4b:s6+s2], $0x80, v3, vm0, $0xb8;
	[tilespmem:$0x10080] =	vst v63  }
0xcf: {  	_ =	swait.ge [sflag:s18], $0x10000  }
0xd0: {  	p0 =	sne.s32 s7, $0x1;
	[sflag:s18] =	ssyncset.done $0x0  }
.Ltmp0:
0xd1: {  	s1 =	rddreg [dreg:$0x6];
	[sflag:s18] =	ssyncadd.s32 $0xFFFF0000;
	(pc) =	sbr.rel @p0 .LBB2_1-.Ltmp0, $4  }
0xd2: {  	[hbm4b:s1+s2] =	stream.linear.scatter [tilespmem:s0], [sflag:$0x2], $0x10000, $0x38;
	[tilespmem:$0x10080] =	vst v63  }
0xd3: {  	_ =	swait.ge [sflag:s8], $0x10000  }
0xd4: {  	[sflag:s8] =	ssyncset.done $0x0  }
0xd5: {  	s7 =	sadd.s32 $0xFFFFFFFF, s7;
	[sflag:s8] =	ssyncadd.s32 $0xFFFF0000  }
0xd6: {  	_ =	sfence.sel $0x180000  }
0xd7: {  	[bflag:$0x0] =	sbarrier.arrive $0xFFFF  }
0xd8: {  	_ =	strace $0x9000004D  }
0xd9: {  	s0 =	stileid.u32;
	[bflag:$0x2] =	sbarrier.arrive $0xFFFF  }
0xda: {  	p0 =	sne.s32 s0, $0x0;
	s0 =	rddreg [dreg:$0x2]  }
0xdb: {  	s0 =	sadd.s32 @!p0 $0x100000, s0  }
0xdc: {  	[sflag:s0] =	ssyncadd.tile.s32 @!p0 $0x1;
	_ =	shalt  }
.Lfunc_end2:
_tile_overlayer_lowered:
.L_overlay_start_2:
0xdd: {  	(tag) =	ssettag $0x2  }
0xde: {  	s0 =	rddreg [dreg:$0x0];
	s2 =	stileid.u32  }
0xdf: {  	s1 =	rddreg [dreg:$0x1];
	p0 =	sne.s32 s2, $0x0  }
0xe0: {  	s3 =	rddreg [dreg:$0x2];
	[bflag:$0x3] =	sbarrier.arrive $0xFFFF;
	s2 =	simm.s32 @!p0 $0x1C02  }
0xe1: {  	[timem:s3], [sflag:s2] =	dma.local @!p0 [hbm:s0], s1  }
0xe2: {  	s0 =	simm.s32 @!p0 $0x2  }
0xe3: {  	_ =	swait.ge @!p0 [sflag:s0], s1  }
0xe4: {  	s1 =	ssub.s32 @!p0 $0x0, s1;
	[sflag:s0] =	ssyncset.done @!p0 $0x0  }
0xe5: {  	[sflag:s0] =	ssyncadd.s32 @!p0 s1  }
0xe6: {  	[bflag:$0x3] =	sbarrier.arrive $0xFFFF  }
0xe7: {  	_ =	shalt  }

// kernel: kernel.9.cloned.1.call-start
scs
__scs_entry_jumppad:
0x0: {  	(pc) =	sbr.rel $0x88, $3  }
0x1: {  	(tag) =	ssettag $0x0;
	lr =	simm.s32 $0x1  }
0x2: {  	[smem:$0x3F92] =	sst lr;
	_ =	strace $0xD0000000  }
0x3: {  	_ = 	snop  }
0x4: {  	_ = 	snop  }
0x5: {  	_ = 	snop  }
0x6: {  	_ = 	snop  }
0x7: {  	_ = 	snop  }
__scs_overlays_trampoline_lowered:
0x8: {  	[smem:$0x3FA1] =	sst s0  }
0x9: {  	[smem:$0x3FA2] =	sst s1  }
0xa: {  	[smem:$0x3FA3] =	sst s2  }
0xb: {  	[smem:$0x3FA4] =	sst s3  }
0xc: {  	[smem:$0x3FA5] =	sst s4  }
0xd: {  	[smem:$0x3FA6] =	sst s5  }
0xe: {  	[smem:$0x3FA7] =	sst s6  }
0xf: {  	[smem:$0x3FA8] =	sst s7  }
0x10: {  	[smem:$0x3FA9] =	sst s8  }
0x11: {  	[smem:$0x3FAA] =	sst s9;
	s0 =	simm.s32 @!p0 $0x0  }
0x12: {  	s1 =	sld [smem:$0x3F90];
	s0 =	simm.s32 @p0 $0x1  }
0x13: {  	[smem:$0x3FAB] =	sst s0;
	s0 =	simm.s32 @!p1 $0x0  }
0x14: {  	s2 =	sld [smem:$0x3F8F];
	s0 =	simm.s32 @p1 $0x1  }
0x15: {  	[smem:$0x3FAC] =	sst s0;
	s0 =	simm.s32 @!p2 $0x0  }
0x16: {  	s3 =	sld [smem:$0x3FDB];
	s0 =	simm.s32 @p2 $0x1  }
0x17: {  	s4 =	simm.s32 $0x1BF5;
	[smem:$0x3FAE] =	sst s0  }
0x18: {  	s0 =	sld [smem:$0x3F91];
	_ =	swait.ge [sflag:s4], $0x0  }
0x19: {  	s7 =	sld [smem:$0x3F92]  }
0x1a: {  	s8 =	sadd.s32 $0xFFFFE003, lr  }
0x1b: {  	s9 =	sadd.s32 $0xFFFFFEF7, lr;
	s5 =	simm.s32 $0xFFFFFFFF;
	p2 =	slt.u32 s8, $0xFFFFF086  }
0x1c: {  	p1 =	slt.u32 s9, $0xF7A;
	s5 =	simm.s32 @!p2 $0x0  }
0x1d: {  	s5 =	simm.s32 @p1 $0x1;
	p0 =	seq.s32 s7, s2  }
0x1e: {  	s7 =	smul.u32 @!p0 $0xF7A, s2;
	p2 =	seq.s32 @!p0 s5, $0x0  }
0x1f: {  	s9 =	smul.u32 $0xF7A, s1;
	s8 =	simm.s32 @!p0 $0x1BF5;
	p2 =	por !p2, p0  }
0x20: {  	[sflag:s8] =	ssyncset.s32 @!p0 $0xFFFFF086;
	s6 =	sadd.s32 @!p0 s3, s7;
	s7 =	simm.s32 @!p0 $0x108  }
0x21: {  	s3 =	sadd.s32 s3, s9;
	s6 =	sadd.s32 @!p0 $0x88, s6;
	s7 =	simm.s32 @p2 $0x1082  }
0x22: {  	[simem:s7], [sflag:s8] =	dma.local @!p0 [hbm:s6], $0xF7A  }
0x23: {  	s9 =	sor.u32 $0xD0000000, s2;
	s6 =	simm.s32 $0x108;
	_ =	swait.ge @!p0 [sflag:s8], $0x0  }
0x24: {  	s3 =	sadd.s32 $0x88, s3;
	s6 =	simm.s32 @!p1 $0x1082;
	[sflag:s4] =	ssyncset.s32 $0xFFFFF086  }
0x25: {  	[simem:s6], [sflag:s4] =	dma.local [hbm:s3], $0xF7A  }
0x26: {  	[smem:$0x3F92] =	sst s1;
	(tag) =	ssettag s2;
	_ =	strace s9  }
0x27: {  	s1 =	sld [smem:$0x3FA2]  }
0x28: {  	s2 =	sld [smem:$0x3FA3]  }
0x29: {  	s4 =	sld [smem:$0x3FA5]  }
0x2a: {  	p0 =	seq.s32 s5, $0x0;
	s5 =	sld [smem:$0x3FA6]  }
0x2b: {  	s6 =	sld [smem:$0x3FA7]  }
0x2c: {  	s7 =	sld [smem:$0x3FA8]  }
0x2d: {  	s3 =	simm.s32 $0x108;
	s8 =	sld [smem:$0x3FA9]  }
0x2e: {  	s3 =	simm.s32 @!p0 $0x1082;
	s9 =	sld [smem:$0x3FAA]  }
0x2f: {  	lr =	sadd.s32 s0, s3;
	s0 =	sld [smem:$0x3FA1]  }
0x30: {  	s3 =	sld [smem:$0x3FA4]  }
0x31: {  	[smem:$0x3FAD] =	sst s10  }
0x32: {  	s10 =	sld [smem:$0x3FAB];
	_ =	sdelay $0x3  }
0x33: {  	p0 =	seq.s32 s10, $0x1;
	s10 =	sld [smem:$0x3FAD];
	_ =	sdelay $0x3  }
0x34: {  	[smem:$0x3FAD] =	sst s10  }
0x35: {  	s10 =	sld [smem:$0x3FAC];
	_ =	sdelay $0x3  }
0x36: {  	p1 =	seq.s32 s10, $0x1;
	s10 =	sld [smem:$0x3FAD];
	_ =	sdelay $0x3  }
0x37: {  	[smem:$0x3FAD] =	sst s10  }
0x38: {  	s10 =	sld [smem:$0x3FAE]  }
0x39: {  	_ = 	snop;
	(pc) =	sbr.ind lr, $3  }
0x3a: {  	_ = 	snop  }
0x3b: {  	_ = 	snop  }
0x3c: {  	p2 =	seq.s32 s10, $0x1;
	s10 =	sld [smem:$0x3FAD]  }
0x3d: {  	_ =	shalt  }
0x3e: {  	_ =	shalt  }
0x3f: {  	_ =	shalt  }
0x40: {  	_ =	shalt  }
0x41: {  	_ =	shalt  }
0x42: {  	_ =	shalt  }
0x43: {  	_ =	shalt  }
0x44: {  	_ =	shalt  }
0x45: {  	_ =	shalt  }
0x46: {  	_ =	shalt  }
0x47: {  	_ =	shalt  }
0x48: {  	_ =	shalt  }
0x49: {  	_ =	shalt  }
0x4a: {  	_ =	shalt  }
0x4b: {  	_ =	shalt  }
0x4c: {  	_ =	shalt  }
0x4d: {  	_ =	shalt  }
0x4e: {  	_ =	shalt  }
0x4f: {  	_ =	shalt  }
0x50: {  	_ =	shalt  }
0x51: {  	_ =	shalt  }
0x52: {  	_ =	shalt  }
0x53: {  	_ =	shalt  }
0x54: {  	_ =	shalt  }
0x55: {  	_ =	shalt  }
0x56: {  	_ =	shalt  }
0x57: {  	_ =	shalt  }
0x58: {  	_ =	shalt  }
0x59: {  	_ =	shalt  }
0x5a: {  	_ =	shalt  }
0x5b: {  	_ =	shalt  }
0x5c: {  	_ =	shalt  }
0x5d: {  	_ =	shalt  }
0x5e: {  	_ =	shalt  }
0x5f: {  	_ =	shalt  }
0x60: {  	_ =	shalt  }
0x61: {  	_ =	shalt  }
0x62: {  	_ =	shalt  }
0x63: {  	_ =	shalt  }
0x64: {  	_ =	shalt  }
0x65: {  	_ =	shalt  }
0x66: {  	_ =	shalt  }
0x67: {  	_ =	shalt  }
0x68: {  	_ =	shalt  }
0x69: {  	_ =	shalt  }
0x6a: {  	_ =	shalt  }
0x6b: {  	_ =	shalt  }
0x6c: {  	_ =	shalt  }
0x6d: {  	_ =	shalt  }
0x6e: {  	_ =	shalt  }
0x6f: {  	_ =	shalt  }
0x70: {  	_ =	shalt  }
0x71: {  	_ =	shalt  }
0x72: {  	_ =	shalt  }
0x73: {  	_ =	shalt  }
0x74: {  	_ =	shalt  }
0x75: {  	_ =	shalt  }
0x76: {  	_ =	shalt  }
0x77: {  	_ =	shalt  }
0x78: {  	_ =	shalt  }
0x79: {  	_ =	shalt  }
0x7a: {  	_ =	shalt  }
0x7b: {  	_ =	shalt  }
0x7c: {  	_ =	shalt  }
0x7d: {  	_ =	shalt  }
0x7e: {  	_ =	shalt  }
0x7f: {  	_ =	shalt  }
0x80: {  	_ =	shalt  }
0x81: {  	_ =	shalt  }
0x82: {  	_ =	shalt  }
0x83: {  	_ =	shalt  }
0x84: {  	_ =	shalt  }
0x85: {  	_ =	shalt  }
0x86: {  	_ =	shalt  }
0x87: {  	_ =	shalt  }
.Lfunc_end0:
.L_simem_size_0:
called_computation.1_lowered:
.L_overlay_start_0:
0x88: {  	s2 =	sld [smem:$0x3FD9]  }
0x89: {  	s3 =	sld [smem:$0x3FFE];
	_ =	sdelay $0x1  }
0x8a: {  	s1 =	srdreg.scid  }
0x8b: {  	s0 =	sand.u32 $0x1, s1  }
0x8c: {  	s17 =	sshll.u32 s0, $0xA;
	s2 =	sadd.s32 s3, s2  }
0x8d: {  	s2 =	sadd.s32 s2, s17  }
0x8e: {  	[smem:$0x3FB9] =	sst s2  }
0x8f: {  	_ = 	snop  }
0x90: {  	s2 =	sld [smem:$0x3FD0];
	(tm) =	ssettm $0x1  }
0x91: {  	s18 =	sld [smem:$0x3FFB];
	_ =	sdelay $0x3  }
0x92: {  	_ =	strace s18  }
0x93: {  	s3 =	sld [smem:$0x3FFC];
	_ =	sdelay $0x3  }
0x94: {  	_ =	strace s3  }
0x95: {  	s3 =	sld [smem:$0x3FFD];
	_ =	sdelay $0x3  }
0x96: {  	_ =	strace s3  }
0x97: {  	_ =	strace $0x8FFFFFFF  }
0x98: {  	s19 =	sld [smem:$0x3FDB];
	_ =	sdelay $0x1  }
0x99: {  	s4 =	simm.s32 $_scs_section_size  }
0x9a: {  	s5 =	simm.s32 $_size__tile_overlayer_lowered;
	s6 =	simm.s32 $_tile_overlayer_lowered  }
0x9b: {  	s22 =	simm.s32 $0x1BFF;
	s21 =	sshll.u32 s6, $0x1;
	s3 =	sadd.s32 s4, s19  }
0x9c: {  	s7 =	simm.s32 $0x0;
	s20 =	sshll.u32 s5, $0x1;
	s5 =	sadd.s32 s21, s3  }
0x9d: {  	[timem:s7], [sflag:s22] =	dma.local [hbm:s5], s20  }
0x9e: {  	_ =	swait.ge [sflag:s22], s20  }
0x9f: {  	s4 =	ssub.s32 $0x0, s20;
	[sflag:s22] =	ssyncset.done $0x0  }
0xa0: {  	[sflag:s22] =	ssyncadd.s32 s4;
	_ =	sdelay $0x1  }
0xa1: {  	s23 =	simm.s32 $0x1B8B  }
0xa2: {  	_ =	swait.ge [sflag:s23], $0x1  }
0xa3: {  	[sflag:s23] =	ssyncset.done $0x0  }
0xa4: {  	s25 =	simm.s32 $0x1B8E;
	s24 =	sld [smem:$0x3FFE];
	[sflag:s23] =	ssyncadd.s32 $0xFFFFFFFF  }
0xa5: {  	s26 =	simm.s32 $execute0_lowered;
	[smem:$0x3FD2] =	sst s25  }
0xa6: {  	s5 =	sshll.u32 s26, $0x1;
	_ =	strace $0x80000049;
	[dreg:$0x1] =	wrdreg $0xFFFFFFFF  }
0xa7: {  	s28 =	simm.s32 $_size_execute0_lowered;
	s3 =	sadd.s32 s3, s5;
	[dreg:$0x0] =	wrdreg $0x0  }
0xa8: {  	s5 =	sshll.u32 s28, $0x1;
	[dreg:$0x2] =	wrdreg s3  }
0xa9: {  	[dreg:$0x3] =	wrdreg s5  }
0xaa: {  	[dreg:$0x4] =	wrdreg $0xC0  }
0xab: {  	_ =	task [dreg:s7], $0x5FFFF  }
0xac: {  	[dreg:$0x1] =	wrdreg $0xFFFFFFFF  }
0xad: {  	[dreg:$0x0] =	wrdreg $0x60  }
0xae: {  	[dreg:$0x2] =	wrdreg s24  }
0xaf: {  	[dreg:$0x3] =	wrdreg s2  }
0xb0: {  	[dreg:$0x4] =	wrdreg $0x109000  }
0xb1: {  	[dreg:$0x5] =	wrdreg $0x9  }
0xb2: {  	_ =	task.clear_ibuf [dreg:s7], $0x6FFFF;
	_ =	strace $0x90000049  }
0xb3: {  	s29 =	simm.s32 $0x9;
	_ =	strace $0x8000004B  }
0xb4: {  	_ =	swait.ge [sflag:s29], $0x1  }
0xb5: {  	[sflag:s29] =	ssyncadd.s32 $0xFFFFFFFF  }
0xb6: {  	_ =	strace $0x9000004B  }
0xb7: {  	_ =	sfence  }
0xb8: {  	s30 =	sld [smem:$0x0];
	_ =	sdelay $0x2  }
0xb9: {  	s31 =	sshll.u32 s1, $0xD;
	s1 =	sshrl.u32 s1, $0x2  }
0xba: {  	s3 =	sand.u32 $0x4000, s31;
	s1 =	sadd.s32 s1, s30  }
0xbb: {  	s0 =	sor.u32 s3, s0;
	s1 =	sshll.u32 s1, $0x11  }
0xbc: {  	s0 =	sor.u32 s1, s0  }
0xbd: {  	s0 =	sadd.s32 $0x8F2B, s0  }
0xbe: {  	[sflag:s0] =	ssyncadd.remote.s32 $0x1  }
0xbf: {  	_ =	sfence.sel $0xFFFF  }
0xc0: {  	[dreg:$0x0] =	wrdreg $0xFFFFFFFF;
	(pc) =	sbr.abs _section_cstart, $3  }
0xc1: {  	[dreg:$0x1] =	wrdreg $0xFFFFFFFF  }
0xc2: {  	_ =	task.clear_ibuf [dreg:s7], $0x2FFFF;
	_ =	strace $0x9FFFFFFF  }
0xc3: {  	(tm) =	ssettm $0x7FFFFFFF  }
tec
execute0_lowered:
.L_overlay_start_1:
0x0: {  	(tag) =	ssettag $0x1  }
0x1: {  	s0 =	rddreg [dreg:$0x0]  }
0x2: {  	s1 =	rddreg [dreg:$0x1]  }
0x3: {  	s10 =	rddreg [dreg:$0x2]  }
0x4: {  	s3 =	simm.s32 $0x0;
	s9 =	stileid.u32;
	s2 =	srdreg.scid  }
0x5: {  	[smem:$0x7FF] =	sst s3;
	s5 =	smul.u32 $0xC00, s9;
	s2 =	sand.u32 $0x1, s2  }
0x6: {  	s6 =	sadd.s32 $0x80C00, s0;
	s8 =	sshll.u32 s9, $0x1;
	s9 =	sshll.u32 s9, $0x5  }
0x7: {  	s31 =	sadd.s32 $0x80E00, s0;
	_ =	strace $0x8000004A;
	s7 =	ssub.s32 $0x2, s2  }
0x8: {  	s2 =	sor.u32 s2, s8;
	s23 =	sadd.s32 s6, s9;
	s24 =	sadd.s32 s1, s9  }
0x9: {  	s25 =	sor.u32 $0x10, s9;
	s5 =	sshrl.u32 s5, $0x2;
	[dreg:$0x5] =	wrdreg s23  }
0xa: {  	[dreg:$0x6] =	wrdreg s24;
	s26 =	sadd.s32 s6, s25;
	s28 =	smul.u32 $0x180, s2  }
0xb: {  	s29 =	sshrl.u32 s7, $0x1;
	s1 =	sadd.s32 s1, s25;
	[dreg:$0x7] =	wrdreg s26  }
0xc: {  	s2 =	smul.u32 $0xC000, s2;
	s25 =	simm.s32 $0x500;
	[dreg:$0x8] =	wrdreg s1  }
0xd: {  	s5 =	sadd.s32 s5, s10;
	s9 =	ssub.s32 s7, s29;
	[dreg:$0x15] =	wrdreg s25  }
0xe: {  	s26 =	simm.s32 $0x580;
	s29 =	simm.s32 $0x680;
	[dreg:$0x4] =	wrdreg s5  }
0xf: {  	s30 =	sadd.s32 s28, s10;
	s2 =	sadd.s32 s31, s2;
	[dreg:$0x16] =	wrdreg s26  }
0x10: {  	s7 =	sor.u32 $0x40, s28;
	s13 =	sadd.s32 $0x80, s28;
	[dreg:$0x18] =	wrdreg s29  }
0x11: {  	s16 =	sadd.s32 $0xC0, s28;
	s19 =	sadd.s32 $0x100, s28;
	[dreg:$0x9] =	wrdreg s30  }
0x12: {  	s22 =	sadd.s32 $0x140, s28;
	s28 =	simm.s32 $0x600;
	[dreg:$0xa] =	wrdreg s2  }
0x13: {  	s11 =	sadd.s32 s7, s10;
	[dreg:$0x17] =	wrdreg s28  }
0x14: {  	s4 =	sadd.s32 $0xC00, s0;
	s14 =	sadd.s32 s13, s10;
	[dreg:$0xb] =	wrdreg s11  }
0x15: {  	s6 =	sadd.s32 $0xE00, s0;
	s17 =	sadd.s32 s16, s10;
	[dreg:$0xd] =	wrdreg s14  }
0x16: {  	s1 =	simm.s32 $0x900;
	s20 =	sadd.s32 s19, s10;
	[dreg:$0xf] =	wrdreg s17  }
0x17: {  	s5 =	sadd.s32 $0xD00, s0;
	s23 =	sadd.s32 s22, s10;
	[dreg:$0x11] =	wrdreg s20  }
0x18: {  	s2 =	sshll.u32 s7, $0x7;
	s30 =	simm.s32 $0x700;
	[dreg:$0x13] =	wrdreg s23  }
0x19: {  	s12 =	sadd.s32 s31, s2;
	s2 =	sshll.u32 s13, $0x7;
	[dreg:$0x19] =	wrdreg s30  }
0x1a: {  	[dreg:$0xc] =	wrdreg s12;
	s15 =	sadd.s32 s31, s2;
	s2 =	sshll.u32 s16, $0x7  }
0x1b: {  	[dreg:$0xe] =	wrdreg s15;
	s18 =	sadd.s32 s31, s2;
	s2 =	sshll.u32 s19, $0x7  }
0x1c: {  	[dreg:$0x10] =	wrdreg s18;
	s21 =	sadd.s32 s31, s2;
	s2 =	sshll.u32 s22, $0x7  }
0x1d: {  	v3 =	vlaneseq.u32;
	s7 =	sadd.s32 $0xF00, s0;
	[dreg:$0x12] =	wrdreg s21;
	s24 =	sadd.s32 s31, s2  }
0x1e: {  	v0 =	vimm.s32 $0x0;
	vm0 =	vmmov $0xffff;
	v2 =	vshrl.u32 v3, $0x3;
	s13 =	smax.u32 s9, $0x1;
	s31 =	simm.s32 $0x780;
	[dreg:$0x14] =	wrdreg s24  }
0x1f: {  	v1 =	vand.u32 $0x7, v3;
	v3 =	vor.u32 $0x8, v3;
	v2 =	vmul.u32 $0x8, v2;
	s9 =	simm.s32 $0x2;
	[dreg:$0x1a] =	wrdreg s31;
	s24 =	simm.s32 $0x1  }
.LBB2_1:
0x20: {  	[tilespmem:$0x0] =	vst v0  }
0x21: {  	[tilespmem:$0x10] =	vst v0  }
0x22: {  	[tilespmem:$0x20] =	vst v0  }
0x23: {  	[tilespmem:$0x30] =	vst v0  }
0x24: {  	[tilespmem:$0x40] =	vst v0  }
0x25: {  	[tilespmem:$0x50] =	vst v0  }
0x26: {  	[tilespmem:$0x60] =	vst v0  }
0x27: {  	[tilespmem:$0x70] =	vst v0  }
0x28: {  	[tilespmem:$0x80] =	vst v0  }
0x29: {  	[tilespmem:$0x90] =	vst v0  }
0x2a: {  	[tilespmem:$0xA0] =	vst v0  }
0x2b: {  	[tilespmem:$0xB0] =	vst v0  }
0x2c: {  	[tilespmem:$0xC0] =	vst v0  }
0x2d: {  	[tilespmem:$0xD0] =	vst v0  }
0x2e: {  	[tilespmem:$0xE0] =	vst v0  }
0x2f: {  	[tilespmem:$0xF0] =	vst v0  }
0x30: {  	[tilespmem:$0x100] =	vst v0  }
0x31: {  	[tilespmem:$0x110] =	vst v0  }
0x32: {  	[tilespmem:$0x120] =	vst v0  }
0x33: {  	[tilespmem:$0x130] =	vst v0  }
0x34: {  	[tilespmem:$0x140] =	vst v0  }
0x35: {  	[tilespmem:$0x150] =	vst v0  }
0x36: {  	[tilespmem:$0x160] =	vst v0  }
0x37: {  	[tilespmem:$0x170] =	vst v0  }
0x38: {  	[tilespmem:$0x180] =	vst v0  }
0x39: {  	[tilespmem:$0x190] =	vst v0  }
0x3a: {  	[tilespmem:$0x1A0] =	vst v0  }
0x3b: {  	[tilespmem:$0x1B0] =	vst v0  }
0x3c: {  	[tilespmem:$0x1C0] =	vst v0  }
0x3d: {  	[tilespmem:$0x1D0] =	vst v0  }
0x3e: {  	[tilespmem:$0x1E0] =	vst v0  }
0x3f: {  	[tilespmem:$0x1F0] =	vst v0  }
0x40: {  	[tilespmem:$0x200] =	vst v0  }
0x41: {  	[tilespmem:$0x210] =	vst v0  }
0x42: {  	[tilespmem:$0x220] =	vst v0  }
0x43: {  	[tilespmem:$0x230] =	vst v0  }
0x44: {  	[tilespmem:$0x240] =	vst v0  }
0x45: {  	[tilespmem:$0x250] =	vst v0  }
0x46: {  	[tilespmem:$0x260] =	vst v0  }
0x47: {  	[tilespmem:$0x270] =	vst v0  }
0x48: {  	[tilespmem:$0x280] =	vst v0  }
0x49: {  	[tilespmem:$0x290] =	vst v0  }
0x4a: {  	[tilespmem:$0x2A0] =	vst v0  }
0x4b: {  	[tilespmem:$0x2B0] =	vst v0  }
0x4c: {  	[tilespmem:$0x2C0] =	vst v0  }
0x4d: {  	[tilespmem:$0x2D0] =	vst v0  }
0x4e: {  	[tilespmem:$0x2E0] =	vst v0  }
0x4f: {  	s25 =	rddreg [dreg:$0x4];
	[tilespmem:$0x2F0] =	vst v0  }
0x50: {  	[spmem:s25] =	stream.linear.scatter [tilespmem:s3], [sflag:$0x2], $0x300, $0x38;
	[tilespmem:$0x10C00] =	vst v63  }
0x51: {  	_ =	swait.ge [sflag:s9], $0x300  }
0x52: {  	[sflag:s9] =	ssyncset.done $0x0  }
0x53: {  	[sflag:s9] =	ssyncadd.s32 $0xFFFFFD00  }
0x54: {  	[bflag:$0x0] =	sbarrier.arrive $0xFFFF  }
0x55: {  	s28 =	simm.s32 $0x300;
	s23 =	rddreg [dreg:$0x5]  }
0x56: {  	[tilespmem:s28], [sflag:$0x2] =	stream.linear.gather [hbm4b:s23+s3], $0x80, $0x38;
	[tilespmem:$0x10C00] =	vst v63  }
0x57: {  	_ =	swait.ge [sflag:s9], $0x80  }
0x58: {  	[sflag:s9] =	ssyncset.done $0x0  }
0x59: {  	s29 =	simm.s32 $0x400;
	s26 =	rddreg [dreg:$0x6];
	[sflag:s9] =	ssyncadd.s32 $0xFFFFFF80  }
0x5a: {  	[tilespmem:s29], [sflag:$0x2] =	stream.linear.gather [hbm4b:s26+s3], $0x80, $0x38;
	[tilespmem:$0x10C00] =	vst v63  }
0x5b: {  	_ =	swait.ge [sflag:s9], $0x80  }
0x5c: {  	[sflag:s9] =	ssyncset.done $0x0  }
0x5d: {  	[sflag:s9] =	ssyncadd.s32 $0xFFFFFF80  }
0x5e: {  	s30 =	simm.s32 $0x80;
	s26 =	rddreg [dreg:$0x2]  }
0x5f: {  	[spmem:s26] =	stream.indirect.scatter [tilespmem:s29], [sflag:$0x2], $0x1, s28, s30, $0xb8;
	[tilespmem:$0x10C00] =	vst v63  }
0x60: {  	_ =	swait.ge [sflag:s9], $0x80  }
0x61: {  	[sflag:s9] =	ssyncset.done $0x0  }
0x62: {  	s31 =	simm.s32 $0x380;
	s29 =	rddreg [dreg:$0x7];
	[sflag:s9] =	ssyncadd.s32 $0xFFFFFF80  }
0x63: {  	[tilespmem:s31], [sflag:$0x2] =	stream.linear.gather [hbm4b:s29+s3], $0x80, $0x38;
	[tilespmem:$0x10C00] =	vst v63  }
0x64: {  	_ =	swait.ge [sflag:s9], $0x80  }
0x65: {  	[sflag:s9] =	ssyncset.done $0x0  }
0x66: {  	s2 =	simm.s32 $0x480;
	s0 =	rddreg [dreg:$0x8];
	[sflag:s9] =	ssyncadd.s32 $0xFFFFFF80  }
0x67: {  	[tilespmem:s2], [sflag:$0x2] =	stream.linear.gather [hbm4b:s0+s3], $0x80, $0x38;
	[tilespmem:$0x10C00] =	vst v63  }
0x68: {  	_ =	swait.ge [sflag:s9], $0x80  }
0x69: {  	[sflag:s9] =	ssyncset.done $0x0  }
0x6a: {  	[sflag:s9] =	ssyncadd.s32 $0xFFFFFF80  }
0x6b: {  	[spmem:s26] =	stream.indirect.scatter [tilespmem:s2], [sflag:$0x2], $0x1, s31, s30, $0xb8;
	[tilespmem:$0x10C00] =	vst v63  }
0x6c: {  	_ =	swait.ge [sflag:s9], $0x80  }
0x6d: {  	[sflag:s9] =	ssyncset.done $0x0  }
0x6e: {  	[sflag:s9] =	ssyncadd.s32 $0xFFFFFF80  }
0x6f: {  	[bflag:$0x0] =	sbarrier.arrive $0xFFFF  }
0x70: {  	s8 =	rddreg [dreg:$0x9]  }
0x71: {  	s10 =	rddreg [dreg:$0x15]  }
0x72: {  	[tilespmem:s10], [sflag:$0x2] =	stream.linear.gather [spmem:s8], $0x40, $0x38;
	[tilespmem:$0x10C00] =	vst v63  }
0x73: {  	_ =	swait.ge [sflag:s9], $0x40  }
0x74: {  	[sflag:s9] =	ssyncset.done $0x0  }
0x75: {  	[sflag:s9] =	ssyncadd.s32 $0xFFFFFFC0  }
0x76: {  	v4 =	vld [tilespmem:$0x500];
	_ =	sdelay $0x4  }
0x77: {  	v5 =	vshll.u32 v4, $0x3  }
0x78: {  	v4 =	vand.u32 $0x7, v4;
	v5 =	vand.u32 $0xFFFFFFC0, v5  }
0x79: {  	v4 =	vor.u32 v4, v5  }
0x7a: {  	v5 =	vperm.xlane v4, v1;
	_ =	sdelay $0x1  }
0x7b: {  	v5 =	vadd.s32 v2, v5;
	_ =	sdelay $0x4  }
0x7c: {  	[tilespmem:s1], [sflag:$0x1] =	stream.indirect_vreg.gather [hbm4b:s4+s3], $0x80, v5, vm0, $0xb8;
	[tilespmem:$0x10C00] =	vst v63  }
0x7d: {  	s0 =	simm.s32 $0x1100;
	v4 =	vperm.xlane v4, v3  }
0x7e: {  	[tilespmem:s0], [sflag:$0x1] =	stream.indirect_vreg.gather [hbm4b:s5+s3], $0x80, v5, vm0, $0xb8;
	[tilespmem:$0x10C00] =	vst v63  }
0x7f: {  	s11 =	simm.s32 $0x1900;
	v4 =	vadd.s32 v2, v4  }
0x80: {  	[tilespmem:s11], [sflag:$0x1] =	stream.indirect_vreg.gather [hbm4b:s6+s3], $0x80, v5, vm0, $0xb8;
	[tilespmem:$0x10C00] =	vst v63  }
0x81: {  	s12 =	simm.s32 $0x2100  }
0x82: {  	[tilespmem:s12], [sflag:$0x1] =	stream.indirect_vreg.gather [hbm4b:s7+s3], $0x80, v5, vm0, $0xb8;
	[tilespmem:$0x10C00] =	vst v63  }
0x83: {  	s14 =	simm.s32 $0x2900  }
0x84: {  	[tilespmem:s14], [sflag:$0x1] =	stream.indirect_vreg.gather [hbm4b:s4+s3], $0x80, v4, vm0, $0xb8;
	[tilespmem:$0x10C00] =	vst v63  }
0x85: {  	s17 =	simm.s32 $0x3100  }
0x86: {  	[tilespmem:s17], [sflag:$0x1] =	stream.indirect_vreg.gather [hbm4b:s5+s3], $0x80, v4, vm0, $0xb8;
	[tilespmem:$0x10C00] =	vst v63  }
0x87: {  	s18 =	simm.s32 $0x3900  }
0x88: {  	[tilespmem:s18], [sflag:$0x1] =	stream.indirect_vreg.gather [hbm4b:s6+s3], $0x80, v4, vm0, $0xb8;
	[tilespmem:$0x10C00] =	vst v63  }
0x89: {  	s19 =	simm.s32 $0x4100  }
0x8a: {  	[tilespmem:s19], [sflag:$0x1] =	stream.indirect_vreg.gather [hbm4b:s7+s3], $0x80, v4, vm0, $0xb8;
	[tilespmem:$0x10C00] =	vst v63  }
0x8b: {  	v4 =	vld [tilespmem:$0x510];
	_ =	sdelay $0x4  }
0x8c: {  	v5 =	vshll.u32 v4, $0x3  }
0x8d: {  	v4 =	vand.u32 $0x7, v4;
	v5 =	vand.u32 $0xFFFFFFC0, v5  }
0x8e: {  	v4 =	vor.u32 v4, v5  }
0x8f: {  	v5 =	vperm.xlane v4, v1;
	_ =	sdelay $0x1  }
0x90: {  	v5 =	vadd.s32 v2, v5;
	_ =	sdelay $0x3  }
0x91: {  	s20 =	simm.s32 $0x4900  }
0x92: {  	[tilespmem:s20], [sflag:$0x1] =	stream.indirect_vreg.gather [hbm4b:s4+s3], $0x80, v5, vm0, $0xb8;
	[tilespmem:$0x10C00] =	vst v63  }
0x93: {  	s21 =	simm.s32 $0x5100;
	v4 =	vperm.xlane v4, v3  }
0x94: {  	[tilespmem:s21], [sflag:$0x1] =	stream.indirect_vreg.gather [hbm4b:s5+s3], $0x80, v5, vm0, $0xb8;
	[tilespmem:$0x10C00] =	vst v63  }
0x95: {  	s22 =	simm.s32 $0x5900;
	v4 =	vadd.s32 v2, v4  }
0x96: {  	[tilespmem:s22], [sflag:$0x1] =	stream.indirect_vreg.gather [hbm4b:s6+s3], $0x80, v5, vm0, $0xb8;
	[tilespmem:$0x10C00] =	vst v63  }
0x97: {  	s23 =	simm.s32 $0x6100  }
0x98: {  	[tilespmem:s23], [sflag:$0x1] =	stream.indirect_vreg.gather [hbm4b:s7+s3], $0x80, v5, vm0, $0xb8;
	[tilespmem:$0x10C00] =	vst v63  }
0x99: {  	s25 =	simm.s32 $0x6900  }
0x9a: {  	[tilespmem:s25], [sflag:$0x1] =	stream.indirect_vreg.gather [hbm4b:s4+s3], $0x80, v4, vm0, $0xb8;
	[tilespmem:$0x10C00] =	vst v63  }
0x9b: {  	s26 =	simm.s32 $0x7100  }
0x9c: {  	[tilespmem:s26], [sflag:$0x1] =	stream.indirect_vreg.gather [hbm4b:s5+s3], $0x80, v4, vm0, $0xb8;
	[tilespmem:$0x10C00] =	vst v63  }
0x9d: {  	s28 =	simm.s32 $0x7900  }
0x9e: {  	[tilespmem:s28], [sflag:$0x1] =	stream.indirect_vreg.gather [hbm4b:s6+s3], $0x80, v4, vm0, $0xb8;
	[tilespmem:$0x10C00] =	vst v63  }
0x9f: {  	s29 =	simm.s32 $0x8100  }
0xa0: {  	[tilespmem:s29], [sflag:$0x1] =	stream.indirect_vreg.gather [hbm4b:s7+s3], $0x80, v4, vm0, $0xb8;
	[tilespmem:$0x10C00] =	vst v63  }
0xa1: {  	v4 =	vld [tilespmem:$0x520];
	_ =	sdelay $0x4  }
0xa2: {  	v5 =	vshll.u32 v4, $0x3  }
0xa3: {  	v4 =	vand.u32 $0x7, v4;
	v5 =	vand.u32 $0xFFFFFFC0, v5  }
0xa4: {  	v4 =	vor.u32 v4, v5  }
0xa5: {  	v5 =	vperm.xlane v4, v1;
	_ =	sdelay $0x1  }
0xa6: {  	v5 =	vadd.s32 v2, v5;
	_ =	sdelay $0x3  }
0xa7: {  	s30 =	simm.s32 $0x8900  }
0xa8: {  	[tilespmem:s30], [sflag:$0x1] =	stream.indirect_vreg.gather [hbm4b:s4+s3], $0x80, v5, vm0, $0xb8;
	[tilespmem:$0x10C00] =	vst v63  }
0xa9: {  	s31 =	simm.s32 $0x9100;
	v4 =	vperm.xlane v4, v3  }
0xaa: {  	[tilespmem:s31], [sflag:$0x1] =	stream.indirect_vreg.gather [hbm4b:s5+s3], $0x80, v5, vm0, $0xb8;
	[tilespmem:$0x10C00] =	vst v63  }
0xab: {  	s2 =	simm.s32 $0x9900;
	v4 =	vadd.s32 v2, v4  }
0xac: {  	[tilespmem:s2], [sflag:$0x1] =	stream.indirect_vreg.gather [hbm4b:s6+s3], $0x80, v5, vm0, $0xb8;
	[tilespmem:$0x10C00] =	vst v63  }
0xad: {  	s10 =	simm.s32 $0xA100  }
0xae: {  	[tilespmem:s10], [sflag:$0x1] =	stream.indirect_vreg.gather [hbm4b:s7+s3], $0x80, v5, vm0, $0xb8;
	[tilespmem:$0x10C00] =	vst v63  }
0xaf: {  	s11 =	simm.s32 $0xA900  }
0xb0: {  	[tilespmem:s11], [sflag:$0x1] =	stream.indirect_vreg.gather [hbm4b:s4+s3], $0x80, v4, vm0, $0xb8;
	[tilespmem:$0x10C00] =	vst v63  }
0xb1: {  	s12 =	simm.s32 $0xB100  }
0xb2: {  	[tilespmem:s12], [sflag:$0x1] =	stream.indirect_vreg.gather [hbm4b:s5+s3], $0x80, v4, vm0, $0xb8;
	[tilespmem:$0x10C00] =	vst v63  }
0xb3: {  	s20 =	simm.s32 $0xB900  }
0xb4: {  	[tilespmem:s20], [sflag:$0x1] =	stream.indirect_vreg.gather [hbm4b:s6+s3], $0x80, v4, vm0, $0xb8;
	[tilespmem:$0x10C00] =	vst v63  }
0xb5: {  	s26 =	simm.s32 $0xC100  }
0xb6: {  	[tilespmem:s26], [sflag:$0x1] =	stream.indirect_vreg.gather [hbm4b:s7+s3], $0x80, v4, vm0, $0xb8;
	[tilespmem:$0x10C00] =	vst v63  }
0xb7: {  	v4 =	vld [tilespmem:$0x530];
	_ =	sdelay $0x4  }
0xb8: {  	v5 =	vshll.u32 v4, $0x3  }
0xb9: {  	v4 =	vand.u32 $0x7, v4;
	v5 =	vand.u32 $0xFFFFFFC0, v5  }
0xba: {  	v4 =	vor.u32 v4, v5  }
0xbb: {  	v5 =	vperm.xlane v4, v1;
	_ =	sdelay $0x1  }
0xbc: {  	v5 =	vadd.s32 v2, v5;
	_ =	sdelay $0x3  }
0xbd: {  	s28 =	simm.s32 $0xC900  }
0xbe: {  	[tilespmem:s28], [sflag:$0x1] =	stream.indirect_vreg.gather [hbm4b:s4+s3], $0x80, v5, vm0, $0xb8;
	[tilespmem:$0x10C00] =	vst v63  }
0xbf: {  	s30 =	simm.s32 $0xD100;
	v4 =	vperm.xlane v4, v3  }
0xc0: {  	[tilespmem:s30], [sflag:$0x1] =	stream.indirect_vreg.gather [hbm4b:s5+s3], $0x80, v5, vm0, $0xb8;
	[tilespmem:$0x10C00] =	vst v63  }
0xc1: {  	s0 =	simm.s32 $0xD900;
	v4 =	vadd.s32 v2, v4  }
0xc2: {  	[tilespmem:s0], [sflag:$0x1] =	stream.indirect_vreg.gather [hbm4b:s6+s3], $0x80, v5, vm0, $0xb8;
	[tilespmem:$0x10C00] =	vst v63  }
0xc3: {  	s10 =	simm.s32 $0xE100  }
0xc4: {  	[tilespmem:s10], [sflag:$0x1] =	stream.indirect_vreg.gather [hbm4b:s7+s3], $0x80, v5, vm0, $0xb8;
	[tilespmem:$0x10C00] =	vst v63  }
0xc5: {  	s12 =	simm.s32 $0xE900  }
0xc6: {  	[tilespmem:s12], [sflag:$0x1] =	stream.indirect_vreg.gather [hbm4b:s4+s3], $0x80, v4, vm0, $0xb8;
	[tilespmem:$0x10C00] =	vst v63  }
0xc7: {  	s20 =	simm.s32 $0xF100  }
0xc8: {  	[tilespmem:s20], [sflag:$0x1] =	stream.indirect_vreg.gather [hbm4b:s5+s3], $0x80, v4, vm0, $0xb8;
	[tilespmem:$0x10C00] =	vst v63  }
0xc9: {  	s26 =	simm.s32 $0xF900  }
0xca: {  	[tilespmem:s26], [sflag:$0x1] =	stream.indirect_vreg.gather [hbm4b:s6+s3], $0x80, v4, vm0, $0xb8;
	[tilespmem:$0x10C00] =	vst v63  }
0xcb: {  	s28 =	simm.s32 $0x10100  }
0xcc: {  	[tilespmem:s28], [sflag:$0x1] =	stream.indirect_vreg.gather [hbm4b:s7+s3], $0x80, v4, vm0, $0xb8;
	[tilespmem:$0x10C00] =	vst v63  }
0xcd: {  	_ =	swait.ge [sflag:s24], $0x10000  }
0xce: {  	[sflag:s24] =	ssyncset.done $0x0  }
0xcf: {  	s0 =	rddreg [dreg:$0xa];
	[sflag:s24] =	ssyncadd.s32 $0xFFFF0000  }
0xd0: {  	[hbm4b:s0+s3] =	stream.linear.scatter [tilespmem:s1], [sflag:$0x2], $0x10000, $0x38;
	[tilespmem:$0x10C00] =	vst v63  }
0xd1: {  	_ =	swait.ge [sflag:s9], $0x10000  }
0xd2: {  	s12 =	rddreg [dreg:$0xb];
	[sflag:s9] =	ssyncset.done $0x0  }
0xd3: {  	s20 =	rddreg [dreg:$0x16];
	[sflag:s9] =	ssyncadd.s32 $0xFFFF0000  }
0xd4: {  	[tilespmem:s20], [sflag:$0x2] =	stream.linear.gather [spmem:s12], $0x40, $0x38;
	[tilespmem:$0x10C00] =	vst v63  }
0xd5: {  	_ =	swait.ge [sflag:s9], $0x40  }
0xd6: {  	[sflag:s9] =	ssyncset.done $0x0  }
0xd7: {  	[sflag:s9] =	ssyncadd.s32 $0xFFFFFFC0  }
0xd8: {  	v4 =	vld [tilespmem:$0x580];
	_ =	sdelay $0x4  }
0xd9: {  	v5 =	vshll.u32 v4, $0x3  }
0xda: {  	v4 =	vand.u32 $0x7, v4;
	v5 =	vand.u32 $0xFFFFFFC0, v5  }
0xdb: {  	v4 =	vor.u32 v4, v5  }
0xdc: {  	v5 =	vperm.xlane v4, v1;
	_ =	sdelay $0x1  }
0xdd: {  	v5 =	vadd.s32 v2, v5;
	_ =	sdelay $0x4  }
0xde: {  	[tilespmem:s1], [sflag:$0x1] =	stream.indirect_vreg.gather [hbm4b:s4+s3], $0x80, v5, vm0, $0xb8;
	[tilespmem:$0x10C00] =	vst v63  }
0xdf: {  	s8 =	simm.s32 $0x1100;
	v4 =	vperm.xlane v4, v3  }
0xe0: {  	[tilespmem:s8], [sflag:$0x1] =	stream.indirect_vreg.gather [hbm4b:s5+s3], $0x80, v5, vm0, $0xb8;
	[tilespmem:$0x10C00] =	vst v63  }
0xe1: {  	s15 =	simm.s32 $0x1900;
	v4 =	vadd.s32 v2, v4  }
0xe2: {  	[tilespmem:s15], [sflag:$0x1] =	stream.indirect_vreg.gather [hbm4b:s6+s3], $0x80, v5, vm0, $0xb8;
	[tilespmem:$0x10C00] =	vst v63  }
0xe3: {  	s16 =	simm.s32 $0x2100  }
0xe4: {  	[tilespmem:s16], [sflag:$0x1] =	stream.indirect_vreg.gather [hbm4b:s7+s3], $0x80, v5, vm0, $0xb8;
	[tilespmem:$0x10C00] =	vst v63  }
0xe5: {  	s14 =	simm.s32 $0x2900  }
0xe6: {  	[tilespmem:s14], [sflag:$0x1] =	stream.indirect_vreg.gather [hbm4b:s4+s3], $0x80, v4, vm0, $0xb8;
	[tilespmem:$0x10C00] =	vst v63  }
0xe7: {  	s15 =	simm.s32 $0x3100  }
0xe8: {  	[tilespmem:s15], [sflag:$0x1] =	stream.indirect_vreg.gather [hbm4b:s5+s3], $0x80, v4, vm0, $0xb8;
	[tilespmem:$0x10C00] =	vst v63  }
0xe9: {  	s14 =	simm.s32 $0x3900  }
0xea: {  	[tilespmem:s14], [sflag:$0x1] =	stream.indirect_vreg.gather [hbm4b:s6+s3], $0x80, v4, vm0, $0xb8;
	[tilespmem:$0x10C00] =	vst v63  }
0xeb: {  	s18 =	simm.s32 $0x4100  }
0xec: {  	[tilespmem:s18], [sflag:$0x1] =	stream.indirect_vreg.gather [hbm4b:s7+s3], $0x80, v4, vm0, $0xb8;
	[tilespmem:$0x10C00] =	vst v63  }
0xed: {  	v4 =	vld [tilespmem:$0x590];
	_ =	sdelay $0x4  }
0xee: {  	v5 =	vshll.u32 v4, $0x3  }
0xef: {  	v4 =	vand.u32 $0x7, v4;
	v5 =	vand.u32 $0xFFFFFFC0, v5  }
0xf0: {  	v4 =	vor.u32 v4, v5  }
0xf1: {  	v5 =	vperm.xlane v4, v1;
	_ =	sdelay $0x1  }
0xf2: {  	v5 =	vadd.s32 v2, v5;
	_ =	sdelay $0x3  }
0xf3: {  	s17 =	simm.s32 $0x4900  }
0xf4: {  	[tilespmem:s17], [sflag:$0x1] =	stream.indirect_vreg.gather [hbm4b:s4+s3], $0x80, v5, vm0, $0xb8;
	[tilespmem:$0x10C00] =	vst v63  }
0xf5: {  	s19 =	simm.s32 $0x5100;
	v4 =	vperm.xlane v4, v3  }
0xf6: {  	[tilespmem:s19], [sflag:$0x1] =	stream.indirect_vreg.gather [hbm4b:s5+s3], $0x80, v5, vm0, $0xb8;
	[tilespmem:$0x10C00] =	vst v63  }
0xf7: {  	s16 =	simm.s32 $0x5900;
	v4 =	vadd.s32 v2, v4  }
0xf8: {  	[tilespmem:s16], [sflag:$0x1] =	stream.indirect_vreg.gather [hbm4b:s6+s3], $0x80, v5, vm0, $0xb8;
	[tilespmem:$0x10C00] =	vst v63  }
0xf9: {  	s17 =	simm.s32 $0x6100  }
0xfa: {  	[tilespmem:s17], [sflag:$0x1] =	stream.indirect_vreg.gather [hbm4b:s7+s3], $0x80, v5, vm0, $0xb8;
	[tilespmem:$0x10C00] =	vst v63  }
0xfb: {  	s18 =	simm.s32 $0x6900  }
0xfc: {  	[tilespmem:s18], [sflag:$0x1] =	stream.indirect_vreg.gather [hbm4b:s4+s3], $0x80, v4, vm0, $0xb8;
	[tilespmem:$0x10C00] =	vst v63  }
0xfd: {  	s19 =	simm.s32 $0x7100  }
0xfe: {  	[tilespmem:s19], [sflag:$0x1] =	stream.indirect_vreg.gather [hbm4b:s5+s3], $0x80, v4, vm0, $0xb8;
	[tilespmem:$0x10C00] =	vst v63  }
0xff: {  	s20 =	simm.s32 $0x7900  }
0x100: {  	[tilespmem:s20], [sflag:$0x1] =	stream.indirect_vreg.gather [hbm4b:s6+s3], $0x80, v4, vm0, $0xb8;
	[tilespmem:$0x10C00] =	vst v63  }
0x101: {  	s0 =	simm.s32 $0x8100  }
0x102: {  	[tilespmem:s0], [sflag:$0x1] =	stream.indirect_vreg.gather [hbm4b:s7+s3], $0x80, v4, vm0, $0xb8;
	[tilespmem:$0x10C00] =	vst v63  }
0x103: {  	v4 =	vld [tilespmem:$0x5A0];
	_ =	sdelay $0x4  }
0x104: {  	v5 =	vshll.u32 v4, $0x3  }
0x105: {  	v4 =	vand.u32 $0x7, v4;
	v5 =	vand.u32 $0xFFFFFFC0, v5  }
0x106: {  	v4 =	vor.u32 v4, v5  }
0x107: {  	v5 =	vperm.xlane v4, v1;
	_ =	sdelay $0x1  }
0x108: {  	v5 =	vadd.s32 v2, v5;
	_ =	sdelay $0x3  }
0x109: {  	s8 =	simm.s32 $0x8900  }
0x10a: {  	[tilespmem:s8], [sflag:$0x1] =	stream.indirect_vreg.gather [hbm4b:s4+s3], $0x80, v5, vm0, $0xb8;
	[tilespmem:$0x10C00] =	vst v63  }
0x10b: {  	s12 =	simm.s32 $0x9100;
	v4 =	vperm.xlane v4, v3  }
0x10c: {  	[tilespmem:s12], [sflag:$0x1] =	stream.indirect_vreg.gather [hbm4b:s5+s3], $0x80, v5, vm0, $0xb8;
	[tilespmem:$0x10C00] =	vst v63  }
0x10d: {  	s21 =	simm.s32 $0x9900;
	v4 =	vadd.s32 v2, v4  }
0x10e: {  	[tilespmem:s21], [sflag:$0x1] =	stream.indirect_vreg.gather [hbm4b:s6+s3], $0x80, v5, vm0, $0xb8;
	[tilespmem:$0x10C00] =	vst v63  }
0x10f: {  	s22 =	simm.s32 $0xA100  }
0x110: {  	[tilespmem:s22], [sflag:$0x1] =	stream.indirect_vreg.gather [hbm4b:s7+s3], $0x80, v5, vm0, $0xb8;
	[tilespmem:$0x10C00] =	vst v63  }
0x111: {  	s23 =	simm.s32 $0xA900  }
0x112: {  	[tilespmem:s23], [sflag:$0x1] =	stream.indirect_vreg.gather [hbm4b:s4+s3], $0x80, v4, vm0, $0xb8;
	[tilespmem:$0x10C00] =	vst v63  }
0x113: {  	s29 =	simm.s32 $0xB100  }
0x114: {  	[tilespmem:s29], [sflag:$0x1] =	stream.indirect_vreg.gather [hbm4b:s5+s3], $0x80, v4, vm0, $0xb8;
	[tilespmem:$0x10C00] =	vst v63  }
0x115: {  	s25 =	simm.s32 $0xB900  }
0x116: {  	[tilespmem:s25], [sflag:$0x1] =	stream.indirect_vreg.gather [hbm4b:s6+s3], $0x80, v4, vm0, $0xb8;
	[tilespmem:$0x10C00] =	vst v63  }
0x117: {  	s31 =	simm.s32 $0xC100  }
0x118: {  	[tilespmem:s31], [sflag:$0x1] =	stream.indirect_vreg.gather [hbm4b:s7+s3], $0x80, v4, vm0, $0xb8;
	[tilespmem:$0x10C00] =	vst v63  }
0x119: {  	v4 =	vld [tilespmem:$0x5B0];
	_ =	sdelay $0x4  }
0x11a: {  	v5 =	vshll.u32 v4, $0x3  }
0x11b: {  	v4 =	vand.u32 $0x7, v4;
	v5 =	vand.u32 $0xFFFFFFC0, v5  }
0x11c: {  	v4 =	vor.u32 v4, v5  }
0x11d: {  	v5 =	vperm.xlane v4, v1;
	_ =	sdelay $0x1  }
0x11e: {  	v5 =	vadd.s32 v2, v5;
	_ =	sdelay $0x3  }
0x11f: {  	s11 =	simm.s32 $0xC900  }
0x120: {  	[tilespmem:s11], [sflag:$0x1] =	stream.indirect_vreg.gather [hbm4b:s4+s3], $0x80, v5, vm0, $0xb8;
	[tilespmem:$0x10C00] =	vst v63  }
0x121: {  	s2 =	simm.s32 $0xD100;
	v4 =	vperm.xlane v4, v3  }
0x122: {  	[tilespmem:s2], [sflag:$0x1] =	stream.indirect_vreg.gather [hbm4b:s5+s3], $0x80, v5, vm0, $0xb8;
	[tilespmem:$0x10C00] =	vst v63  }
0x123: {  	s30 =	simm.s32 $0xD900;
	v4 =	vadd.s32 v2, v4  }
0x124: {  	[tilespmem:s30], [sflag:$0x1] =	stream.indirect_vreg.gather [hbm4b:s6+s3], $0x80, v5, vm0, $0xb8;
	[tilespmem:$0x10C00] =	vst v63  }
0x125: {  	s26 =	simm.s32 $0xE100  }
0x126: {  	[tilespmem:s26], [sflag:$0x1] =	stream.indirect_vreg.gather [hbm4b:s7+s3], $0x80, v5, vm0, $0xb8;
	[tilespmem:$0x10C00] =	vst v63  }
0x127: {  	s30 =	simm.s32 $0xE900  }
0x128: {  	[tilespmem:s30], [sflag:$0x1] =	stream.indirect_vreg.gather [hbm4b:s4+s3], $0x80, v4, vm0, $0xb8;
	[tilespmem:$0x10C00] =	vst v63  }
0x129: {  	s23 =	simm.s32 $0xF100  }
0x12a: {  	[tilespmem:s23], [sflag:$0x1] =	stream.indirect_vreg.gather [hbm4b:s5+s3], $0x80, v4, vm0, $0xb8;
	[tilespmem:$0x10C00] =	vst v63  }
0x12b: {  	s25 =	simm.s32 $0xF900  }
0x12c: {  	[tilespmem:s25], [sflag:$0x1] =	stream.indirect_vreg.gather [hbm4b:s6+s3], $0x80, v4, vm0, $0xb8;
	[tilespmem:$0x10C00] =	vst v63  }
0x12d: {  	s10 =	simm.s32 $0x10100  }
0x12e: {  	[tilespmem:s10], [sflag:$0x1] =	stream.indirect_vreg.gather [hbm4b:s7+s3], $0x80, v4, vm0, $0xb8;
	[tilespmem:$0x10C00] =	vst v63  }
0x12f: {  	_ =	swait.ge [sflag:s24], $0x10000  }
0x130: {  	[sflag:s24] =	ssyncset.done $0x0  }
0x131: {  	s26 =	rddreg [dreg:$0xc];
	[sflag:s24] =	ssyncadd.s32 $0xFFFF0000  }
0x132: {  	[hbm4b:s26+s3] =	stream.linear.scatter [tilespmem:s1], [sflag:$0x2], $0x10000, $0x38;
	[tilespmem:$0x10C00] =	vst v63  }
0x133: {  	_ =	swait.ge [sflag:s9], $0x10000  }
0x134: {  	s25 =	rddreg [dreg:$0xd];
	[sflag:s9] =	ssyncset.done $0x0  }
0x135: {  	s26 =	rddreg [dreg:$0x17];
	[sflag:s9] =	ssyncadd.s32 $0xFFFF0000  }
0x136: {  	[tilespmem:s26], [sflag:$0x2] =	stream.linear.gather [spmem:s25], $0x40, $0x38;
	[tilespmem:$0x10C00] =	vst v63  }
0x137: {  	_ =	swait.ge [sflag:s9], $0x40  }
0x138: {  	[sflag:s9] =	ssyncset.done $0x0  }
0x139: {  	[sflag:s9] =	ssyncadd.s32 $0xFFFFFFC0  }
0x13a: {  	v4 =	vld [tilespmem:$0x600];
	_ =	sdelay $0x4  }
0x13b: {  	v5 =	vshll.u32 v4, $0x3  }
0x13c: {  	v4 =	vand.u32 $0x7, v4;
	v5 =	vand.u32 $0xFFFFFFC0, v5  }
0x13d: {  	v4 =	vor.u32 v4, v5  }
0x13e: {  	v5 =	vperm.xlane v4, v1;
	_ =	sdelay $0x1  }
0x13f: {  	v5 =	vadd.s32 v2, v5;
	_ =	sdelay $0x4  }
0x140: {  	[tilespmem:s1], [sflag:$0x1] =	stream.indirect_vreg.gather [hbm4b:s4+s3], $0x80, v5, vm0, $0xb8;
	[tilespmem:$0x10C00] =	vst v63  }
0x141: {  	s26 =	simm.s32 $0x1100;
	v4 =	vperm.xlane v4, v3  }
0x142: {  	[tilespmem:s26], [sflag:$0x1] =	stream.indirect_vreg.gather [hbm4b:s5+s3], $0x80, v5, vm0, $0xb8;
	[tilespmem:$0x10C00] =	vst v63  }
0x143: {  	v4 =	vadd.s32 v2, v4;
	s26 =	simm.s32 $0x1900  }
0x144: {  	[tilespmem:s26], [sflag:$0x1] =	stream.indirect_vreg.gather [hbm4b:s6+s3], $0x80, v5, vm0, $0xb8;
	[tilespmem:$0x10C00] =	vst v63  }
0x145: {  	s26 =	simm.s32 $0x2100  }
0x146: {  	[tilespmem:s26], [sflag:$0x1] =	stream.indirect_vreg.gather [hbm4b:s7+s3], $0x80, v5, vm0, $0xb8;
	[tilespmem:$0x10C00] =	vst v63  }
0x147: {  	s26 =	simm.s32 $0x2900  }
0x148: {  	[tilespmem:s26], [sflag:$0x1] =	stream.indirect_vreg.gather [hbm4b:s4+s3], $0x80, v4, vm0, $0xb8;
	[tilespmem:$0x10C00] =	vst v63  }
0x149: {  	_ = 	snop  }
0x14a: {  	[tilespmem:s15], [sflag:$0x1] =	stream.indirect_vreg.gather [hbm4b:s5+s3], $0x80, v4, vm0, $0xb8;
	[tilespmem:$0x10C00] =	vst v63  }
0x14b: {  	_ = 	snop  }
0x14c: {  	[tilespmem:s14], [sflag:$0x1] =	stream.indirect_vreg.gather [hbm4b:s6+s3], $0x80, v4, vm0, $0xb8;
	[tilespmem:$0x10C00] =	vst v63  }
0x14d: {  	s26 =	simm.s32 $0x4100  }
0x14e: {  	[tilespmem:s26], [sflag:$0x1] =	stream.indirect_vreg.gather [hbm4b:s7+s3], $0x80, v4, vm0, $0xb8;
	[tilespmem:$0x10C00] =	vst v63  }
0x14f: {  	v4 =	vld [tilespmem:$0x610];
	_ =	sdelay $0x4  }
0x150: {  	v5 =	vshll.u32 v4, $0x3  }
0x151: {  	v4 =	vand.u32 $0x7, v4;
	v5 =	vand.u32 $0xFFFFFFC0, v5  }
0x152: {  	v4 =	vor.u32 v4, v5  }
0x153: {  	v5 =	vperm.xlane v4, v1;
	_ =	sdelay $0x1  }
0x154: {  	v5 =	vadd.s32 v2, v5;
	_ =	sdelay $0x3  }
0x155: {  	s26 =	simm.s32 $0x4900  }
0x156: {  	[tilespmem:s26], [sflag:$0x1] =	stream.indirect_vreg.gather [hbm4b:s4+s3], $0x80, v5, vm0, $0xb8;
	[tilespmem:$0x10C00] =	vst v63  }
0x157: {  	v4 =	vperm.xlane v4, v3;
	s26 =	simm.s32 $0x5100  }
0x158: {  	[tilespmem:s26], [sflag:$0x1] =	stream.indirect_vreg.gather [hbm4b:s5+s3], $0x80, v5, vm0, $0xb8;
	[tilespmem:$0x10C00] =	vst v63  }
0x159: {  	v4 =	vadd.s32 v2, v4  }
0x15a: {  	[tilespmem:s16], [sflag:$0x1] =	stream.indirect_vreg.gather [hbm4b:s6+s3], $0x80, v5, vm0, $0xb8;
	[tilespmem:$0x10C00] =	vst v63  }
0x15b: {  	_ = 	snop  }
0x15c: {  	[tilespmem:s17], [sflag:$0x1] =	stream.indirect_vreg.gather [hbm4b:s7+s3], $0x80, v5, vm0, $0xb8;
	[tilespmem:$0x10C00] =	vst v63  }
0x15d: {  	_ = 	snop  }
0x15e: {  	[tilespmem:s18], [sflag:$0x1] =	stream.indirect_vreg.gather [hbm4b:s4+s3], $0x80, v4, vm0, $0xb8;
	[tilespmem:$0x10C00] =	vst v63  }
0x15f: {  	_ = 	snop  }
0x160: {  	[tilespmem:s19], [sflag:$0x1] =	stream.indirect_vreg.gather [hbm4b:s5+s3], $0x80, v4, vm0, $0xb8;
	[tilespmem:$0x10C00] =	vst v63  }
0x161: {  	_ = 	snop  }
0x162: {  	[tilespmem:s20], [sflag:$0x1] =	stream.indirect_vreg.gather [hbm4b:s6+s3], $0x80, v4, vm0, $0xb8;
	[tilespmem:$0x10C00] =	vst v63  }
0x163: {  	_ = 	snop  }
0x164: {  	[tilespmem:s0], [sflag:$0x1] =	stream.indirect_vreg.gather [hbm4b:s7+s3], $0x80, v4, vm0, $0xb8;
	[tilespmem:$0x10C00] =	vst v63  }
0x165: {  	v4 =	vld [tilespmem:$0x620];
	_ =	sdelay $0x4  }
0x166: {  	v5 =	vshll.u32 v4, $0x3  }
0x167: {  	v4 =	vand.u32 $0x7, v4;
	v5 =	vand.u32 $0xFFFFFFC0, v5  }
0x168: {  	v4 =	vor.u32 v4, v5  }
0x169: {  	v5 =	vperm.xlane v4, v1;
	_ =	sdelay $0x1  }
0x16a: {  	v5 =	vadd.s32 v2, v5;
	_ =	sdelay $0x4  }
0x16b: {  	[tilespmem:s8], [sflag:$0x1] =	stream.indirect_vreg.gather [hbm4b:s4+s3], $0x80, v5, vm0, $0xb8;
	[tilespmem:$0x10C00] =	vst v63  }
0x16c: {  	v4 =	vperm.xlane v4, v3  }
0x16d: {  	[tilespmem:s12], [sflag:$0x1] =	stream.indirect_vreg.gather [hbm4b:s5+s3], $0x80, v5, vm0, $0xb8;
	[tilespmem:$0x10C00] =	vst v63  }
0x16e: {  	s28 =	simm.s32 $0x9900;
	v4 =	vadd.s32 v2, v4  }
0x16f: {  	[tilespmem:s28], [sflag:$0x1] =	stream.indirect_vreg.gather [hbm4b:s6+s3], $0x80, v5, vm0, $0xb8;
	[tilespmem:$0x10C00] =	vst v63  }
0x170: {  	s26 =	simm.s32 $0xA100  }
0x171: {  	[tilespmem:s26], [sflag:$0x1] =	stream.indirect_vreg.gather [hbm4b:s7+s3], $0x80, v5, vm0, $0xb8;
	[tilespmem:$0x10C00] =	vst v63  }
0x172: {  	s26 =	simm.s32 $0xA900  }
0x173: {  	[tilespmem:s26], [sflag:$0x1] =	stream.indirect_vreg.gather [hbm4b:s4+s3], $0x80, v4, vm0, $0xb8;
	[tilespmem:$0x10C00] =	vst v63  }
0x174: {  	s21 =	simm.s32 $0xB100  }
0x175: {  	[tilespmem:s21], [sflag:$0x1] =	stream.indirect_vreg.gather [hbm4b:s5+s3], $0x80, v4, vm0, $0xb8;
	[tilespmem:$0x10C00] =	vst v63  }
0x176: {  	s22 =	simm.s32 $0xB900  }
0x177: {  	[tilespmem:s22], [sflag:$0x1] =	stream.indirect_vreg.gather [hbm4b:s6+s3], $0x80, v4, vm0, $0xb8;
	[tilespmem:$0x10C00] =	vst v63  }
0x178: {  	s31 =	simm.s32 $0xC100  }
0x179: {  	[tilespmem:s31], [sflag:$0x1] =	stream.indirect_vreg.gather [hbm4b:s7+s3], $0x80, v4, vm0, $0xb8;
	[tilespmem:$0x10C00] =	vst v63  }
0x17a: {  	v4 =	vld [tilespmem:$0x630];
	_ =	sdelay $0x4  }
0x17b: {  	v5 =	vshll.u32 v4, $0x3  }
0x17c: {  	v4 =	vand.u32 $0x7, v4;
	v5 =	vand.u32 $0xFFFFFFC0, v5  }
0x17d: {  	v4 =	vor.u32 v4, v5  }
0x17e: {  	v5 =	vperm.xlane v4, v1;
	_ =	sdelay $0x1  }
0x17f: {  	v5 =	vadd.s32 v2, v5;
	_ =	sdelay $0x3  }
0x180: {  	s26 =	simm.s32 $0xC900  }
0x181: {  	[tilespmem:s26], [sflag:$0x1] =	stream.indirect_vreg.gather [hbm4b:s4+s3], $0x80, v5, vm0, $0xb8;
	[tilespmem:$0x10C00] =	vst v63  }
0x182: {  	s31 =	simm.s32 $0xD100;
	v4 =	vperm.xlane v4, v3  }
0x183: {  	[tilespmem:s31], [sflag:$0x1] =	stream.indirect_vreg.gather [hbm4b:s5+s3], $0x80, v5, vm0, $0xb8;
	[tilespmem:$0x10C00] =	vst v63  }
0x184: {  	s29 =	simm.s32 $0xD900;
	v4 =	vadd.s32 v2, v4  }
0x185: {  	[tilespmem:s29], [sflag:$0x1] =	stream.indirect_vreg.gather [hbm4b:s6+s3], $0x80, v5, vm0, $0xb8;
	[tilespmem:$0x10C00] =	vst v63  }
0x186: {  	s2 =	simm.s32 $0xE100  }
0x187: {  	[tilespmem:s2], [sflag:$0x1] =	stream.indirect_vreg.gather [hbm4b:s7+s3], $0x80, v5, vm0, $0xb8;
	[tilespmem:$0x10C00] =	vst v63  }
0x188: {  	s30 =	simm.s32 $0xE900  }
0x189: {  	[tilespmem:s30], [sflag:$0x1] =	stream.indirect_vreg.gather [hbm4b:s4+s3], $0x80, v4, vm0, $0xb8;
	[tilespmem:$0x10C00] =	vst v63  }
0x18a: {  	s11 =	simm.s32 $0xF100  }
0x18b: {  	[tilespmem:s11], [sflag:$0x1] =	stream.indirect_vreg.gather [hbm4b:s5+s3], $0x80, v4, vm0, $0xb8;
	[tilespmem:$0x10C00] =	vst v63  }
0x18c: {  	s23 =	simm.s32 $0xF900  }
0x18d: {  	[tilespmem:s23], [sflag:$0x1] =	stream.indirect_vreg.gather [hbm4b:s6+s3], $0x80, v4, vm0, $0xb8;
	[tilespmem:$0x10C00] =	vst v63  }
0x18e: {  	s10 =	simm.s32 $0x10100  }
0x18f: {  	[tilespmem:s10], [sflag:$0x1] =	stream.indirect_vreg.gather [hbm4b:s7+s3], $0x80, v4, vm0, $0xb8;
	[tilespmem:$0x10C00] =	vst v63  }
0x190: {  	_ =	swait.ge [sflag:s24], $0x10000  }
0x191: {  	[sflag:s24] =	ssyncset.done $0x0  }
0x192: {  	s23 =	rddreg [dreg:$0xe];
	[sflag:s24] =	ssyncadd.s32 $0xFFFF0000  }
0x193: {  	[hbm4b:s23+s3] =	stream.linear.scatter [tilespmem:s1], [sflag:$0x2], $0x10000, $0x38;
	[tilespmem:$0x10C00] =	vst v63  }
0x194: {  	_ =	swait.ge [sflag:s9], $0x10000  }
0x195: {  	s26 =	rddreg [dreg:$0xf];
	[sflag:s9] =	ssyncset.done $0x0  }
0x196: {  	s23 =	rddreg [dreg:$0x18];
	[sflag:s9] =	ssyncadd.s32 $0xFFFF0000  }
0x197: {  	[tilespmem:s23], [sflag:$0x2] =	stream.linear.gather [spmem:s26], $0x40, $0x38;
	[tilespmem:$0x10C00] =	vst v63  }
0x198: {  	_ =	swait.ge [sflag:s9], $0x40  }
0x199: {  	[sflag:s9] =	ssyncset.done $0x0  }
0x19a: {  	[sflag:s9] =	ssyncadd.s32 $0xFFFFFFC0  }
0x19b: {  	v4 =	vld [tilespmem:$0x680];
	_ =	sdelay $0x4  }
0x19c: {  	v5 =	vshll.u32 v4, $0x3  }
0x19d: {  	v4 =	vand.u32 $0x7, v4;
	v5 =	vand.u32 $0xFFFFFFC0, v5  }
0x19e: {  	v4 =	vor.u32 v4, v5  }
0x19f: {  	v5 =	vperm.xlane v4, v1;
	_ =	sdelay $0x1  }
0x1a0: {  	v5 =	vadd.s32 v2, v5;
	_ =	sdelay $0x4  }
0x1a1: {  	[tilespmem:s1], [sflag:$0x1] =	stream.indirect_vreg.gather [hbm4b:s4+s3], $0x80, v5, vm0, $0xb8;
	[tilespmem:$0x10C00] =	vst v63  }
0x1a2: {  	s26 =	simm.s32 $0x1100;
	v4 =	vperm.xlane v4, v3  }
0x1a3: {  	[tilespmem:s26], [sflag:$0x1] =	stream.indirect_vreg.gather [hbm4b:s5+s3], $0x80, v5, vm0, $0xb8;
	[tilespmem:$0x10C00] =	vst v63  }
0x1a4: {  	s25 =	simm.s32 $0x1900;
	v4 =	vadd.s32 v2, v4  }
0x1a5: {  	[tilespmem:s25], [sflag:$0x1] =	stream.indirect_vreg.gather [hbm4b:s6+s3], $0x80, v5, vm0, $0xb8;
	[tilespmem:$0x10C00] =	vst v63  }
0x1a6: {  	s26 =	simm.s32 $0x2100  }
0x1a7: {  	[tilespmem:s26], [sflag:$0x1] =	stream.indirect_vreg.gather [hbm4b:s7+s3], $0x80, v5, vm0, $0xb8;
	[tilespmem:$0x10C00] =	vst v63  }
0x1a8: {  	s25 =	simm.s32 $0x2900  }
0x1a9: {  	[tilespmem:s25], [sflag:$0x1] =	stream.indirect_vreg.gather [hbm4b:s4+s3], $0x80, v4, vm0, $0xb8;
	[tilespmem:$0x10C00] =	vst v63  }
0x1aa: {  	s15 =	simm.s32 $0x3100  }
0x1ab: {  	[tilespmem:s15], [sflag:$0x1] =	stream.indirect_vreg.gather [hbm4b:s5+s3], $0x80, v4, vm0, $0xb8;
	[tilespmem:$0x10C00] =	vst v63  }
0x1ac: {  	s14 =	simm.s32 $0x3900  }
0x1ad: {  	[tilespmem:s14], [sflag:$0x1] =	stream.indirect_vreg.gather [hbm4b:s6+s3], $0x80, v4, vm0, $0xb8;
	[tilespmem:$0x10C00] =	vst v63  }
0x1ae: {  	s26 =	simm.s32 $0x4100  }
0x1af: {  	[tilespmem:s26], [sflag:$0x1] =	stream.indirect_vreg.gather [hbm4b:s7+s3], $0x80, v4, vm0, $0xb8;
	[tilespmem:$0x10C00] =	vst v63  }
0x1b0: {  	v4 =	vld [tilespmem:$0x690];
	_ =	sdelay $0x4  }
0x1b1: {  	v5 =	vshll.u32 v4, $0x3  }
0x1b2: {  	v4 =	vand.u32 $0x7, v4;
	v5 =	vand.u32 $0xFFFFFFC0, v5  }
0x1b3: {  	v4 =	vor.u32 v4, v5  }
0x1b4: {  	v5 =	vperm.xlane v4, v1;
	_ =	sdelay $0x1  }
0x1b5: {  	v5 =	vadd.s32 v2, v5;
	_ =	sdelay $0x3  }
0x1b6: {  	s26 =	simm.s32 $0x4900  }
0x1b7: {  	[tilespmem:s26], [sflag:$0x1] =	stream.indirect_vreg.gather [hbm4b:s4+s3], $0x80, v5, vm0, $0xb8;
	[tilespmem:$0x10C00] =	vst v63  }
0x1b8: {  	v4 =	vperm.xlane v4, v3;
	s26 =	simm.s32 $0x5100  }
0x1b9: {  	[tilespmem:s26], [sflag:$0x1] =	stream.indirect_vreg.gather [hbm4b:s5+s3], $0x80, v5, vm0, $0xb8;
	[tilespmem:$0x10C00] =	vst v63  }
0x1ba: {  	s16 =	simm.s32 $0x5900;
	v4 =	vadd.s32 v2, v4  }
0x1bb: {  	[tilespmem:s16], [sflag:$0x1] =	stream.indirect_vreg.gather [hbm4b:s6+s3], $0x80, v5, vm0, $0xb8;
	[tilespmem:$0x10C00] =	vst v63  }
0x1bc: {  	s17 =	simm.s32 $0x6100  }
0x1bd: {  	[tilespmem:s17], [sflag:$0x1] =	stream.indirect_vreg.gather [hbm4b:s7+s3], $0x80, v5, vm0, $0xb8;
	[tilespmem:$0x10C00] =	vst v63  }
0x1be: {  	s18 =	simm.s32 $0x6900  }
0x1bf: {  	[tilespmem:s18], [sflag:$0x1] =	stream.indirect_vreg.gather [hbm4b:s4+s3], $0x80, v4, vm0, $0xb8;
	[tilespmem:$0x10C00] =	vst v63  }
0x1c0: {  	s19 =	simm.s32 $0x7100  }
0x1c1: {  	[tilespmem:s19], [sflag:$0x1] =	stream.indirect_vreg.gather [hbm4b:s5+s3], $0x80, v4, vm0, $0xb8;
	[tilespmem:$0x10C00] =	vst v63  }
0x1c2: {  	s20 =	simm.s32 $0x7900  }
0x1c3: {  	[tilespmem:s20], [sflag:$0x1] =	stream.indirect_vreg.gather [hbm4b:s6+s3], $0x80, v4, vm0, $0xb8;
	[tilespmem:$0x10C00] =	vst v63  }
0x1c4: {  	s0 =	simm.s32 $0x8100  }
0x1c5: {  	[tilespmem:s0], [sflag:$0x1] =	stream.indirect_vreg.gather [hbm4b:s7+s3], $0x80, v4, vm0, $0xb8;
	[tilespmem:$0x10C00] =	vst v63  }
0x1c6: {  	v4 =	vld [tilespmem:$0x6A0];
	_ =	sdelay $0x4  }
0x1c7: {  	v5 =	vshll.u32 v4, $0x3  }
0x1c8: {  	v4 =	vand.u32 $0x7, v4;
	v5 =	vand.u32 $0xFFFFFFC0, v5  }
0x1c9: {  	v4 =	vor.u32 v4, v5  }
0x1ca: {  	v5 =	vperm.xlane v4, v1;
	_ =	sdelay $0x1  }
0x1cb: {  	v5 =	vadd.s32 v2, v5;
	_ =	sdelay $0x3  }
0x1cc: {  	s8 =	simm.s32 $0x8900  }
0x1cd: {  	[tilespmem:s8], [sflag:$0x1] =	stream.indirect_vreg.gather [hbm4b:s4+s3], $0x80, v5, vm0, $0xb8;
	[tilespmem:$0x10C00] =	vst v63  }
0x1ce: {  	s12 =	simm.s32 $0x9100;
	v4 =	vperm.xlane v4, v3  }
0x1cf: {  	[tilespmem:s12], [sflag:$0x1] =	stream.indirect_vreg.gather [hbm4b:s5+s3], $0x80, v5, vm0, $0xb8;
	[tilespmem:$0x10C00] =	vst v63  }
0x1d0: {  	s28 =	simm.s32 $0x9900;
	v4 =	vadd.s32 v2, v4  }
0x1d1: {  	[tilespmem:s28], [sflag:$0x1] =	stream.indirect_vreg.gather [hbm4b:s6+s3], $0x80, v5, vm0, $0xb8;
	[tilespmem:$0x10C00] =	vst v63  }
0x1d2: {  	s28 =	simm.s32 $0xA100  }
0x1d3: {  	[tilespmem:s28], [sflag:$0x1] =	stream.indirect_vreg.gather [hbm4b:s7+s3], $0x80, v5, vm0, $0xb8;
	[tilespmem:$0x10C00] =	vst v63  }
0x1d4: {  	s26 =	simm.s32 $0xA900  }
0x1d5: {  	[tilespmem:s26], [sflag:$0x1] =	stream.indirect_vreg.gather [hbm4b:s4+s3], $0x80, v4, vm0, $0xb8;
	[tilespmem:$0x10C00] =	vst v63  }
0x1d6: {  	s21 =	simm.s32 $0xB100  }
0x1d7: {  	[tilespmem:s21], [sflag:$0x1] =	stream.indirect_vreg.gather [hbm4b:s5+s3], $0x80, v4, vm0, $0xb8;
	[tilespmem:$0x10C00] =	vst v63  }
0x1d8: {  	s22 =	simm.s32 $0xB900  }
0x1d9: {  	[tilespmem:s22], [sflag:$0x1] =	stream.indirect_vreg.gather [hbm4b:s6+s3], $0x80, v4, vm0, $0xb8;
	[tilespmem:$0x10C00] =	vst v63  }
0x1da: {  	s28 =	simm.s32 $0xC100  }
0x1db: {  	[tilespmem:s28], [sflag:$0x1] =	stream.indirect_vreg.gather [hbm4b:s7+s3], $0x80, v4, vm0, $0xb8;
	[tilespmem:$0x10C00] =	vst v63  }
0x1dc: {  	v4 =	vld [tilespmem:$0x6B0];
	_ =	sdelay $0x4  }
0x1dd: {  	v5 =	vshll.u32 v4, $0x3  }
0x1de: {  	v4 =	vand.u32 $0x7, v4;
	v5 =	vand.u32 $0xFFFFFFC0, v5  }
0x1df: {  	v4 =	vor.u32 v4, v5  }
0x1e0: {  	v5 =	vperm.xlane v4, v1;
	_ =	sdelay $0x1  }
0x1e1: {  	v5 =	vadd.s32 v2, v5;
	_ =	sdelay $0x3  }
0x1e2: {  	s26 =	simm.s32 $0xC900  }
0x1e3: {  	[tilespmem:s26], [sflag:$0x1] =	stream.indirect_vreg.gather [hbm4b:s4+s3], $0x80, v5, vm0, $0xb8;
	[tilespmem:$0x10C00] =	vst v63  }
0x1e4: {  	s28 =	simm.s32 $0xD100;
	v4 =	vperm.xlane v4, v3  }
0x1e5: {  	[tilespmem:s28], [sflag:$0x1] =	stream.indirect_vreg.gather [hbm4b:s5+s3], $0x80, v5, vm0, $0xb8;
	[tilespmem:$0x10C00] =	vst v63  }
0x1e6: {  	s29 =	simm.s32 $0xD900;
	v4 =	vadd.s32 v2, v4  }
0x1e7: {  	[tilespmem:s29], [sflag:$0x1] =	stream.indirect_vreg.gather [hbm4b:s6+s3], $0x80, v5, vm0, $0xb8;
	[tilespmem:$0x10C00] =	vst v63  }
0x1e8: {  	s2 =	simm.s32 $0xE100  }
0x1e9: {  	[tilespmem:s2], [sflag:$0x1] =	stream.indirect_vreg.gather [hbm4b:s7+s3], $0x80, v5, vm0, $0xb8;
	[tilespmem:$0x10C00] =	vst v63  }
0x1ea: {  	s31 =	simm.s32 $0xE900  }
0x1eb: {  	[tilespmem:s31], [sflag:$0x1] =	stream.indirect_vreg.gather [hbm4b:s4+s3], $0x80, v4, vm0, $0xb8;
	[tilespmem:$0x10C00] =	vst v63  }
0x1ec: {  	s30 =	simm.s32 $0xF100  }
0x1ed: {  	[tilespmem:s30], [sflag:$0x1] =	stream.indirect_vreg.gather [hbm4b:s5+s3], $0x80, v4, vm0, $0xb8;
	[tilespmem:$0x10C00] =	vst v63  }
0x1ee: {  	s11 =	simm.s32 $0xF900  }
0x1ef: {  	[tilespmem:s11], [sflag:$0x1] =	stream.indirect_vreg.gather [hbm4b:s6+s3], $0x80, v4, vm0, $0xb8;
	[tilespmem:$0x10C00] =	vst v63  }
0x1f0: {  	s10 =	simm.s32 $0x10100  }
0x1f1: {  	[tilespmem:s10], [sflag:$0x1] =	stream.indirect_vreg.gather [hbm4b:s7+s3], $0x80, v4, vm0, $0xb8;
	[tilespmem:$0x10C00] =	vst v63  }
0x1f2: {  	_ =	swait.ge [sflag:s24], $0x10000  }
0x1f3: {  	[sflag:s24] =	ssyncset.done $0x0  }
0x1f4: {  	s30 =	rddreg [dreg:$0x10];
	[sflag:s24] =	ssyncadd.s32 $0xFFFF0000  }
0x1f5: {  	[hbm4b:s30+s3] =	stream.linear.scatter [tilespmem:s1], [sflag:$0x2], $0x10000, $0x38;
	[tilespmem:$0x10C00] =	vst v63  }
0x1f6: {  	_ =	swait.ge [sflag:s9], $0x10000  }
0x1f7: {  	s10 =	rddreg [dreg:$0x11];
	[sflag:s9] =	ssyncset.done $0x0  }
0x1f8: {  	s11 =	rddreg [dreg:$0x19];
	[sflag:s9] =	ssyncadd.s32 $0xFFFF0000  }
0x1f9: {  	[tilespmem:s11], [sflag:$0x2] =	stream.linear.gather [spmem:s10], $0x40, $0x38;
	[tilespmem:$0x10C00] =	vst v63  }
0x1fa: {  	_ =	swait.ge [sflag:s9], $0x40  }
0x1fb: {  	[sflag:s9] =	ssyncset.done $0x0  }
0x1fc: {  	[sflag:s9] =	ssyncadd.s32 $0xFFFFFFC0  }
0x1fd: {  	v4 =	vld [tilespmem:$0x700];
	_ =	sdelay $0x4  }
0x1fe: {  	v5 =	vshll.u32 v4, $0x3  }
0x1ff: {  	v4 =	vand.u32 $0x7, v4;
	v5 =	vand.u32 $0xFFFFFFC0, v5  }
0x200: {  	v4 =	vor.u32 v4, v5  }
0x201: {  	v5 =	vperm.xlane v4, v1;
	_ =	sdelay $0x1  }
0x202: {  	v5 =	vadd.s32 v2, v5;
	_ =	sdelay $0x4  }
0x203: {  	[tilespmem:s1], [sflag:$0x1] =	stream.indirect_vreg.gather [hbm4b:s4+s3], $0x80, v5, vm0, $0xb8;
	[tilespmem:$0x10C00] =	vst v63  }
0x204: {  	s26 =	simm.s32 $0x1100;
	v4 =	vperm.xlane v4, v3  }
0x205: {  	[tilespmem:s26], [sflag:$0x1] =	stream.indirect_vreg.gather [hbm4b:s5+s3], $0x80, v5, vm0, $0xb8;
	[tilespmem:$0x10C00] =	vst v63  }
0x206: {  	s30 =	simm.s32 $0x1900;
	v4 =	vadd.s32 v2, v4  }
0x207: {  	[tilespmem:s30], [sflag:$0x1] =	stream.indirect_vreg.gather [hbm4b:s6+s3], $0x80, v5, vm0, $0xb8;
	[tilespmem:$0x10C00] =	vst v63  }
0x208: {  	s11 =	simm.s32 $0x2100  }
0x209: {  	[tilespmem:s11], [sflag:$0x1] =	stream.indirect_vreg.gather [hbm4b:s7+s3], $0x80, v5, vm0, $0xb8;
	[tilespmem:$0x10C00] =	vst v63  }
0x20a: {  	s23 =	simm.s32 $0x2900  }
0x20b: {  	[tilespmem:s23], [sflag:$0x1] =	stream.indirect_vreg.gather [hbm4b:s4+s3], $0x80, v4, vm0, $0xb8;
	[tilespmem:$0x10C00] =	vst v63  }
0x20c: {  	s15 =	simm.s32 $0x3100  }
0x20d: {  	[tilespmem:s15], [sflag:$0x1] =	stream.indirect_vreg.gather [hbm4b:s5+s3], $0x80, v4, vm0, $0xb8;
	[tilespmem:$0x10C00] =	vst v63  }
0x20e: {  	s14 =	simm.s32 $0x3900  }
0x20f: {  	[tilespmem:s14], [sflag:$0x1] =	stream.indirect_vreg.gather [hbm4b:s6+s3], $0x80, v4, vm0, $0xb8;
	[tilespmem:$0x10C00] =	vst v63  }
0x210: {  	s25 =	simm.s32 $0x4100  }
0x211: {  	[tilespmem:s25], [sflag:$0x1] =	stream.indirect_vreg.gather [hbm4b:s7+s3], $0x80, v4, vm0, $0xb8;
	[tilespmem:$0x10C00] =	vst v63  }
0x212: {  	v4 =	vld [tilespmem:$0x710];
	_ =	sdelay $0x4  }
0x213: {  	v5 =	vshll.u32 v4, $0x3  }
0x214: {  	v4 =	vand.u32 $0x7, v4;
	v5 =	vand.u32 $0xFFFFFFC0, v5  }
0x215: {  	v4 =	vor.u32 v4, v5  }
0x216: {  	v5 =	vperm.xlane v4, v1;
	_ =	sdelay $0x1  }
0x217: {  	v5 =	vadd.s32 v2, v5;
	_ =	sdelay $0x3  }
0x218: {  	s26 =	simm.s32 $0x4900  }
0x219: {  	[tilespmem:s26], [sflag:$0x1] =	stream.indirect_vreg.gather [hbm4b:s4+s3], $0x80, v5, vm0, $0xb8;
	[tilespmem:$0x10C00] =	vst v63  }
0x21a: {  	s14 =	simm.s32 $0x5100;
	v4 =	vperm.xlane v4, v3  }
0x21b: {  	[tilespmem:s14], [sflag:$0x1] =	stream.indirect_vreg.gather [hbm4b:s5+s3], $0x80, v5, vm0, $0xb8;
	[tilespmem:$0x10C00] =	vst v63  }
0x21c: {  	s16 =	simm.s32 $0x5900;
	v4 =	vadd.s32 v2, v4  }
0x21d: {  	[tilespmem:s16], [sflag:$0x1] =	stream.indirect_vreg.gather [hbm4b:s6+s3], $0x80, v5, vm0, $0xb8;
	[tilespmem:$0x10C00] =	vst v63  }
0x21e: {  	s17 =	simm.s32 $0x6100  }
0x21f: {  	[tilespmem:s17], [sflag:$0x1] =	stream.indirect_vreg.gather [hbm4b:s7+s3], $0x80, v5, vm0, $0xb8;
	[tilespmem:$0x10C00] =	vst v63  }
0x220: {  	s18 =	simm.s32 $0x6900  }
0x221: {  	[tilespmem:s18], [sflag:$0x1] =	stream.indirect_vreg.gather [hbm4b:s4+s3], $0x80, v4, vm0, $0xb8;
	[tilespmem:$0x10C00] =	vst v63  }
0x222: {  	s19 =	simm.s32 $0x7100  }
0x223: {  	[tilespmem:s19], [sflag:$0x1] =	stream.indirect_vreg.gather [hbm4b:s5+s3], $0x80, v4, vm0, $0xb8;
	[tilespmem:$0x10C00] =	vst v63  }
0x224: {  	s20 =	simm.s32 $0x7900  }
0x225: {  	[tilespmem:s20], [sflag:$0x1] =	stream.indirect_vreg.gather [hbm4b:s6+s3], $0x80, v4, vm0, $0xb8;
	[tilespmem:$0x10C00] =	vst v63  }
0x226: {  	s0 =	simm.s32 $0x8100  }
0x227: {  	[tilespmem:s0], [sflag:$0x1] =	stream.indirect_vreg.gather [hbm4b:s7+s3], $0x80, v4, vm0, $0xb8;
	[tilespmem:$0x10C00] =	vst v63  }
0x228: {  	v4 =	vld [tilespmem:$0x720];
	_ =	sdelay $0x4  }
0x229: {  	v5 =	vshll.u32 v4, $0x3  }
0x22a: {  	v4 =	vand.u32 $0x7, v4;
	v5 =	vand.u32 $0xFFFFFFC0, v5  }
0x22b: {  	v4 =	vor.u32 v4, v5  }
0x22c: {  	v5 =	vperm.xlane v4, v1;
	_ =	sdelay $0x1  }
0x22d: {  	v5 =	vadd.s32 v2, v5;
	_ =	sdelay $0x3  }
0x22e: {  	s8 =	simm.s32 $0x8900  }
0x22f: {  	[tilespmem:s8], [sflag:$0x1] =	stream.indirect_vreg.gather [hbm4b:s4+s3], $0x80, v5, vm0, $0xb8;
	[tilespmem:$0x10C00] =	vst v63  }
0x230: {  	s12 =	simm.s32 $0x9100;
	v4 =	vperm.xlane v4, v3  }
0x231: {  	[tilespmem:s12], [sflag:$0x1] =	stream.indirect_vreg.gather [hbm4b:s5+s3], $0x80, v5, vm0, $0xb8;
	[tilespmem:$0x10C00] =	vst v63  }
0x232: {  	s23 =	simm.s32 $0x9900;
	v4 =	vadd.s32 v2, v4  }
0x233: {  	[tilespmem:s23], [sflag:$0x1] =	stream.indirect_vreg.gather [hbm4b:s6+s3], $0x80, v5, vm0, $0xb8;
	[tilespmem:$0x10C00] =	vst v63  }
0x234: {  	s25 =	simm.s32 $0xA100  }
0x235: {  	[tilespmem:s25], [sflag:$0x1] =	stream.indirect_vreg.gather [hbm4b:s7+s3], $0x80, v5, vm0, $0xb8;
	[tilespmem:$0x10C00] =	vst v63  }
0x236: {  	s26 =	simm.s32 $0xA900  }
0x237: {  	[tilespmem:s26], [sflag:$0x1] =	stream.indirect_vreg.gather [hbm4b:s4+s3], $0x80, v4, vm0, $0xb8;
	[tilespmem:$0x10C00] =	vst v63  }
0x238: {  	s21 =	simm.s32 $0xB100  }
0x239: {  	[tilespmem:s21], [sflag:$0x1] =	stream.indirect_vreg.gather [hbm4b:s5+s3], $0x80, v4, vm0, $0xb8;
	[tilespmem:$0x10C00] =	vst v63  }
0x23a: {  	s22 =	simm.s32 $0xB900  }
0x23b: {  	[tilespmem:s22], [sflag:$0x1] =	stream.indirect_vreg.gather [hbm4b:s6+s3], $0x80, v4, vm0, $0xb8;
	[tilespmem:$0x10C00] =	vst v63  }
0x23c: {  	s23 =	simm.s32 $0xC100  }
0x23d: {  	[tilespmem:s23], [sflag:$0x1] =	stream.indirect_vreg.gather [hbm4b:s7+s3], $0x80, v4, vm0, $0xb8;
	[tilespmem:$0x10C00] =	vst v63  }
0x23e: {  	v4 =	vld [tilespmem:$0x730];
	_ =	sdelay $0x4  }
0x23f: {  	v5 =	vshll.u32 v4, $0x3  }
0x240: {  	v4 =	vand.u32 $0x7, v4;
	v5 =	vand.u32 $0xFFFFFFC0, v5  }
0x241: {  	v4 =	vor.u32 v4, v5  }
0x242: {  	v5 =	vperm.xlane v4, v1;
	_ =	sdelay $0x1  }
0x243: {  	v5 =	vadd.s32 v2, v5;
	_ =	sdelay $0x3  }
0x244: {  	s25 =	simm.s32 $0xC900  }
0x245: {  	[tilespmem:s25], [sflag:$0x1] =	stream.indirect_vreg.gather [hbm4b:s4+s3], $0x80, v5, vm0, $0xb8;
	[tilespmem:$0x10C00] =	vst v63  }
0x246: {  	s26 =	simm.s32 $0xD100;
	v4 =	vperm.xlane v4, v3  }
0x247: {  	[tilespmem:s26], [sflag:$0x1] =	stream.indirect_vreg.gather [hbm4b:s5+s3], $0x80, v5, vm0, $0xb8;
	[tilespmem:$0x10C00] =	vst v63  }
0x248: {  	s28 =	simm.s32 $0xD900;
	v4 =	vadd.s32 v2, v4  }
0x249: {  	[tilespmem:s28], [sflag:$0x1] =	stream.indirect_vreg.gather [hbm4b:s6+s3], $0x80, v5, vm0, $0xb8;
	[tilespmem:$0x10C00] =	vst v63  }
0x24a: {  	s2 =	simm.s32 $0xE100  }
0x24b: {  	[tilespmem:s2], [sflag:$0x1] =	stream.indirect_vreg.gather [hbm4b:s7+s3], $0x80, v5, vm0, $0xb8;
	[tilespmem:$0x10C00] =	vst v63  }
0x24c: {  	s29 =	simm.s32 $0xE900  }
0x24d: {  	[tilespmem:s29], [sflag:$0x1] =	stream.indirect_vreg.gather [hbm4b:s4+s3], $0x80, v4, vm0, $0xb8;
	[tilespmem:$0x10C00] =	vst v63  }
0x24e: {  	s31 =	simm.s32 $0xF100  }
0x24f: {  	[tilespmem:s31], [sflag:$0x1] =	stream.indirect_vreg.gather [hbm4b:s5+s3], $0x80, v4, vm0, $0xb8;
	[tilespmem:$0x10C00] =	vst v63  }
0x250: {  	s29 =	simm.s32 $0xF900  }
0x251: {  	[tilespmem:s29], [sflag:$0x1] =	stream.indirect_vreg.gather [hbm4b:s6+s3], $0x80, v4, vm0, $0xb8;
	[tilespmem:$0x10C00] =	vst v63  }
0x252: {  	s31 =	simm.s32 $0x10100  }
0x253: {  	[tilespmem:s31], [sflag:$0x1] =	stream.indirect_vreg.gather [hbm4b:s7+s3], $0x80, v4, vm0, $0xb8;
	[tilespmem:$0x10C00] =	vst v63  }
0x254: {  	_ =	swait.ge [sflag:s24], $0x10000  }
0x255: {  	[sflag:s24] =	ssyncset.done $0x0  }
0x256: {  	s26 =	rddreg [dreg:$0x12];
	[sflag:s24] =	ssyncadd.s32 $0xFFFF0000  }
0x257: {  	[hbm4b:s26+s3] =	stream.linear.scatter [tilespmem:s1], [sflag:$0x2], $0x10000, $0x38;
	[tilespmem:$0x10C00] =	vst v63  }
0x258: {  	_ =	swait.ge [sflag:s9], $0x10000  }
0x259: {  	s25 =	rddreg [dreg:$0x13];
	[sflag:s9] =	ssyncset.done $0x0  }
0x25a: {  	s26 =	rddreg [dreg:$0x1a];
	[sflag:s9] =	ssyncadd.s32 $0xFFFF0000  }
0x25b: {  	[tilespmem:s26], [sflag:$0x2] =	stream.linear.gather [spmem:s25], $0x40, $0x38;
	[tilespmem:$0x10C00] =	vst v63  }
0x25c: {  	_ =	swait.ge [sflag:s9], $0x40  }
0x25d: {  	[sflag:s9] =	ssyncset.done $0x0  }
0x25e: {  	[sflag:s9] =	ssyncadd.s32 $0xFFFFFFC0  }
0x25f: {  	v4 =	vld [tilespmem:$0x780];
	_ =	sdelay $0x4  }
0x260: {  	v5 =	vshll.u32 v4, $0x3  }
0x261: {  	v4 =	vand.u32 $0x7, v4;
	v5 =	vand.u32 $0xFFFFFFC0, v5  }
0x262: {  	v4 =	vor.u32 v4, v5  }
0x263: {  	v5 =	vperm.xlane v4, v1;
	_ =	sdelay $0x1  }
0x264: {  	v5 =	vadd.s32 v2, v5;
	_ =	sdelay $0x4  }
0x265: {  	[tilespmem:s1], [sflag:$0x1] =	stream.indirect_vreg.gather [hbm4b:s4+s3], $0x80, v5, vm0, $0xb8;
	[tilespmem:$0x10C00] =	vst v63  }
0x266: {  	s26 =	simm.s32 $0x1100;
	v4 =	vperm.xlane v4, v3  }
0x267: {  	[tilespmem:s26], [sflag:$0x1] =	stream.indirect_vreg.gather [hbm4b:s5+s3], $0x80, v5, vm0, $0xb8;
	[tilespmem:$0x10C00] =	vst v63  }
0x268: {  	v4 =	vadd.s32 v2, v4;
	s26 =	simm.s32 $0x1900  }
0x269: {  	[tilespmem:s26], [sflag:$0x1] =	stream.indirect_vreg.gather [hbm4b:s6+s3], $0x80, v5, vm0, $0xb8;
	[tilespmem:$0x10C00] =	vst v63  }
0x26a: {  	s26 =	simm.s32 $0x2100  }
0x26b: {  	[tilespmem:s26], [sflag:$0x1] =	stream.indirect_vreg.gather [hbm4b:s7+s3], $0x80, v5, vm0, $0xb8;
	[tilespmem:$0x10C00] =	vst v63  }
0x26c: {  	s30 =	simm.s32 $0x2900  }
0x26d: {  	[tilespmem:s30], [sflag:$0x1] =	stream.indirect_vreg.gather [hbm4b:s4+s3], $0x80, v4, vm0, $0xb8;
	[tilespmem:$0x10C00] =	vst v63  }
0x26e: {  	s10 =	simm.s32 $0x3100  }
0x26f: {  	[tilespmem:s10], [sflag:$0x1] =	stream.indirect_vreg.gather [hbm4b:s5+s3], $0x80, v4, vm0, $0xb8;
	[tilespmem:$0x10C00] =	vst v63  }
0x270: {  	s15 =	simm.s32 $0x3900  }
0x271: {  	[tilespmem:s15], [sflag:$0x1] =	stream.indirect_vreg.gather [hbm4b:s6+s3], $0x80, v4, vm0, $0xb8;
	[tilespmem:$0x10C00] =	vst v63  }
0x272: {  	s26 =	simm.s32 $0x4100  }
0x273: {  	[tilespmem:s26], [sflag:$0x1] =	stream.indirect_vreg.gather [hbm4b:s7+s3], $0x80, v4, vm0, $0xb8;
	[tilespmem:$0x10C00] =	vst v63  }
0x274: {  	v4 =	vld [tilespmem:$0x790];
	_ =	sdelay $0x4  }
0x275: {  	v5 =	vshll.u32 v4, $0x3  }
0x276: {  	v4 =	vand.u32 $0x7, v4;
	v5 =	vand.u32 $0xFFFFFFC0, v5  }
0x277: {  	v4 =	vor.u32 v4, v5  }
0x278: {  	v5 =	vperm.xlane v4, v1;
	_ =	sdelay $0x1  }
0x279: {  	v5 =	vadd.s32 v2, v5;
	_ =	sdelay $0x3  }
0x27a: {  	s30 =	simm.s32 $0x4900  }
0x27b: {  	[tilespmem:s30], [sflag:$0x1] =	stream.indirect_vreg.gather [hbm4b:s4+s3], $0x80, v5, vm0, $0xb8;
	[tilespmem:$0x10C00] =	vst v63  }
0x27c: {  	s15 =	simm.s32 $0x5100;
	v4 =	vperm.xlane v4, v3  }
0x27d: {  	[tilespmem:s15], [sflag:$0x1] =	stream.indirect_vreg.gather [hbm4b:s5+s3], $0x80, v5, vm0, $0xb8;
	[tilespmem:$0x10C00] =	vst v63  }
0x27e: {  	s14 =	simm.s32 $0x5900;
	v4 =	vadd.s32 v2, v4  }
0x27f: {  	[tilespmem:s14], [sflag:$0x1] =	stream.indirect_vreg.gather [hbm4b:s6+s3], $0x80, v5, vm0, $0xb8;
	[tilespmem:$0x10C00] =	vst v63  }
0x280: {  	s16 =	simm.s32 $0x6100  }
0x281: {  	[tilespmem:s16], [sflag:$0x1] =	stream.indirect_vreg.gather [hbm4b:s7+s3], $0x80, v5, vm0, $0xb8;
	[tilespmem:$0x10C00] =	vst v63  }
0x282: {  	s17 =	simm.s32 $0x6900  }
0x283: {  	[tilespmem:s17], [sflag:$0x1] =	stream.indirect_vreg.gather [hbm4b:s4+s3], $0x80, v4, vm0, $0xb8;
	[tilespmem:$0x10C00] =	vst v63  }
0x284: {  	s18 =	simm.s32 $0x7100  }
0x285: {  	[tilespmem:s18], [sflag:$0x1] =	stream.indirect_vreg.gather [hbm4b:s5+s3], $0x80, v4, vm0, $0xb8;
	[tilespmem:$0x10C00] =	vst v63  }
0x286: {  	s19 =	simm.s32 $0x7900  }
0x287: {  	[tilespmem:s19], [sflag:$0x1] =	stream.indirect_vreg.gather [hbm4b:s6+s3], $0x80, v4, vm0, $0xb8;
	[tilespmem:$0x10C00] =	vst v63  }
0x288: {  	s20 =	simm.s32 $0x8100  }
0x289: {  	[tilespmem:s20], [sflag:$0x1] =	stream.indirect_vreg.gather [hbm4b:s7+s3], $0x80, v4, vm0, $0xb8;
	[tilespmem:$0x10C00] =	vst v63  }
0x28a: {  	v4 =	vld [tilespmem:$0x7A0];
	_ =	sdelay $0x4  }
0x28b: {  	v5 =	vshll.u32 v4, $0x3  }
0x28c: {  	v4 =	vand.u32 $0x7, v4;
	v5 =	vand.u32 $0xFFFFFFC0, v5  }
0x28d: {  	v4 =	vor.u32 v4, v5  }
0x28e: {  	v5 =	vperm.xlane v4, v1;
	_ =	sdelay $0x1  }
0x28f: {  	v5 =	vadd.s32 v2, v5;
	_ =	sdelay $0x3  }
0x290: {  	s0 =	simm.s32 $0x8900  }
0x291: {  	[tilespmem:s0], [sflag:$0x1] =	stream.indirect_vreg.gather [hbm4b:s4+s3], $0x80, v5, vm0, $0xb8;
	[tilespmem:$0x10C00] =	vst v63  }
0x292: {  	s8 =	simm.s32 $0x9100;
	v4 =	vperm.xlane v4, v3  }
0x293: {  	[tilespmem:s8], [sflag:$0x1] =	stream.indirect_vreg.gather [hbm4b:s5+s3], $0x80, v5, vm0, $0xb8;
	[tilespmem:$0x10C00] =	vst v63  }
0x294: {  	s11 =	simm.s32 $0x9900;
	v4 =	vadd.s32 v2, v4  }
0x295: {  	[tilespmem:s11], [sflag:$0x1] =	stream.indirect_vreg.gather [hbm4b:s6+s3], $0x80, v5, vm0, $0xb8;
	[tilespmem:$0x10C00] =	vst v63  }
0x296: {  	s19 =	simm.s32 $0xA100  }
0x297: {  	[tilespmem:s19], [sflag:$0x1] =	stream.indirect_vreg.gather [hbm4b:s7+s3], $0x80, v5, vm0, $0xb8;
	[tilespmem:$0x10C00] =	vst v63  }
0x298: {  	s20 =	simm.s32 $0xA900  }
0x299: {  	[tilespmem:s20], [sflag:$0x1] =	stream.indirect_vreg.gather [hbm4b:s4+s3], $0x80, v4, vm0, $0xb8;
	[tilespmem:$0x10C00] =	vst v63  }
0x29a: {  	s12 =	simm.s32 $0xB100  }
0x29b: {  	[tilespmem:s12], [sflag:$0x1] =	stream.indirect_vreg.gather [hbm4b:s5+s3], $0x80, v4, vm0, $0xb8;
	[tilespmem:$0x10C00] =	vst v63  }
0x29c: {  	s21 =	simm.s32 $0xB900  }
0x29d: {  	[tilespmem:s21], [sflag:$0x1] =	stream.indirect_vreg.gather [hbm4b:s6+s3], $0x80, v4, vm0, $0xb8;
	[tilespmem:$0x10C00] =	vst v63  }
0x29e: {  	s25 =	simm.s32 $0xC100  }
0x29f: {  	[tilespmem:s25], [sflag:$0x1] =	stream.indirect_vreg.gather [hbm4b:s7+s3], $0x80, v4, vm0, $0xb8;
	[tilespmem:$0x10C00] =	vst v63  }
0x2a0: {  	v4 =	vld [tilespmem:$0x7B0];
	_ =	sdelay $0x4  }
0x2a1: {  	v5 =	vshll.u32 v4, $0x3  }
0x2a2: {  	v4 =	vand.u32 $0x7, v4;
	v5 =	vand.u32 $0xFFFFFFC0, v5  }
0x2a3: {  	v4 =	vor.u32 v4, v5  }
0x2a4: {  	v5 =	vperm.xlane v4, v1;
	_ =	sdelay $0x1  }
0x2a5: {  	v5 =	vadd.s32 v2, v5;
	_ =	sdelay $0x3  }
0x2a6: {  	s26 =	simm.s32 $0xC900  }
0x2a7: {  	[tilespmem:s26], [sflag:$0x1] =	stream.indirect_vreg.gather [hbm4b:s4+s3], $0x80, v5, vm0, $0xb8;
	[tilespmem:$0x10C00] =	vst v63  }
0x2a8: {  	s30 =	simm.s32 $0xD100;
	v4 =	vperm.xlane v4, v3  }
0x2a9: {  	[tilespmem:s30], [sflag:$0x1] =	stream.indirect_vreg.gather [hbm4b:s5+s3], $0x80, v5, vm0, $0xb8;
	[tilespmem:$0x10C00] =	vst v63  }
0x2aa: {  	s23 =	simm.s32 $0xD900;
	v4 =	vadd.s32 v2, v4  }
0x2ab: {  	[tilespmem:s23], [sflag:$0x1] =	stream.indirect_vreg.gather [hbm4b:s6+s3], $0x80, v5, vm0, $0xb8;
	[tilespmem:$0x10C00] =	vst v63  }
0x2ac: {  	s22 =	simm.s32 $0xE100  }
0x2ad: {  	[tilespmem:s22], [sflag:$0x1] =	stream.indirect_vreg.gather [hbm4b:s7+s3], $0x80, v5, vm0, $0xb8;
	[tilespmem:$0x10C00] =	vst v63  }
0x2ae: {  	s2 =	simm.s32 $0xE900  }
0x2af: {  	[tilespmem:s2], [sflag:$0x1] =	stream.indirect_vreg.gather [hbm4b:s4+s3], $0x80, v4, vm0, $0xb8;
	[tilespmem:$0x10C00] =	vst v63  }
0x2b0: {  	s28 =	simm.s32 $0xF100  }
0x2b1: {  	[tilespmem:s28], [sflag:$0x1] =	stream.indirect_vreg.gather [hbm4b:s5+s3], $0x80, v4, vm0, $0xb8;
	[tilespmem:$0x10C00] =	vst v63  }
0x2b2: {  	s29 =	simm.s32 $0xF900  }
0x2b3: {  	[tilespmem:s29], [sflag:$0x1] =	stream.indirect_vreg.gather [hbm4b:s6+s3], $0x80, v4, vm0, $0xb8;
	[tilespmem:$0x10C00] =	vst v63  }
0x2b4: {  	s31 =	simm.s32 $0x10100  }
0x2b5: {  	[tilespmem:s31], [sflag:$0x1] =	stream.indirect_vreg.gather [hbm4b:s7+s3], $0x80, v4, vm0, $0xb8;
	[tilespmem:$0x10C00] =	vst v63  }
0x2b6: {  	_ =	swait.ge [sflag:s24], $0x10000  }
0x2b7: {  	p0 =	sne.s32 s13, $0x1;
	[sflag:s24] =	ssyncset.done $0x0  }
.Ltmp0:
0x2b8: {  	s31 =	rddreg [dreg:$0x14];
	[sflag:s24] =	ssyncadd.s32 $0xFFFF0000;
	(pc) =	sbr.rel @p0 .LBB2_1-.Ltmp0, $4  }
0x2b9: {  	[hbm4b:s31+s3] =	stream.linear.scatter [tilespmem:s1], [sflag:$0x2], $0x10000, $0x38;
	[tilespmem:$0x10C00] =	vst v63  }
0x2ba: {  	_ =	swait.ge [sflag:s9], $0x10000  }
0x2bb: {  	[sflag:s9] =	ssyncset.done $0x0  }
0x2bc: {  	s13 =	sadd.s32 $0xFFFFFFFF, s13;
	[sflag:s9] =	ssyncadd.s32 $0xFFFF0000  }
0x2bd: {  	_ =	sfence.sel $0x180000  }
0x2be: {  	[bflag:$0x0] =	sbarrier.arrive $0xFFFF  }
0x2bf: {  	_ =	strace $0x9000004A  }
0x2c0: {  	s0 =	stileid.u32;
	[bflag:$0x2] =	sbarrier.arrive $0xFFFF  }
0x2c1: {  	p0 =	sne.s32 s0, $0x0;
	s0 =	rddreg [dreg:$0x3]  }
0x2c2: {  	s0 =	sadd.s32 @!p0 $0x100000, s0  }
0x2c3: {  	[sflag:s0] =	ssyncadd.tile.s32 @!p0 $0x1;
	_ =	shalt  }
.Lfunc_end2:
_tile_overlayer_lowered:
.L_overlay_start_2:
0x2c4: {  	(tag) =	ssettag $0x2  }
0x2c5: {  	s0 =	rddreg [dreg:$0x0];
	s2 =	stileid.u32  }
0x2c6: {  	s1 =	rddreg [dreg:$0x1];
	p0 =	sne.s32 s2, $0x0  }
0x2c7: {  	s3 =	rddreg [dreg:$0x2];
	[bflag:$0x3] =	sbarrier.arrive $0xFFFF;
	s2 =	simm.s32 @!p0 $0x1C02  }
0x2c8: {  	[timem:s3], [sflag:s2] =	dma.local @!p0 [hbm:s0], s1  }
0x2c9: {  	s0 =	simm.s32 @!p0 $0x2  }
0x2ca: {  	_ =	swait.ge @!p0 [sflag:s0], s1  }
0x2cb: {  	s1 =	ssub.s32 @!p0 $0x0, s1;
	[sflag:s0] =	ssyncset.done @!p0 $0x0  }
0x2cc: {  	[sflag:s0] =	ssyncadd.s32 @!p0 s1  }
0x2cd: {  	[bflag:$0x3] =	sbarrier.arrive $0xFFFF  }
0x2ce: {  	_ =	shalt  }

// kernel: sparse-core-data-format-call.cloned.1.call-start
scs
called_computation_lowered:
.L_overlay_start_0:
0x0: {  	s1 =	sld [smem:$0x3FD9]  }
0x1: {  	s2 =	sld [smem:$0x3FFE];
	_ =	sdelay $0x1  }
0x2: {  	s3 =	srdreg.scid  }
0x3: {  	s0 =	sand.u32 $0x1, s3  }
0x4: {  	s17 =	sshll.u32 s0, $0xA;
	s1 =	sadd.s32 s2, s1  }
0x5: {  	s1 =	sadd.s32 s1, s17  }
0x6: {  	[smem:$0x3FB9] =	sst s1  }
0x7: {  	_ = 	snop  }
0x8: {  	(tm) =	ssettm $0x1  }
0x9: {  	s18 =	sld [smem:$0x3FFB];
	_ =	sdelay $0x3  }
0xa: {  	_ =	strace s18  }
0xb: {  	s1 =	sld [smem:$0x3FFC];
	_ =	sdelay $0x3  }
0xc: {  	_ =	strace s1  }
0xd: {  	s1 =	sld [smem:$0x3FFD];
	_ =	sdelay $0x3  }
0xe: {  	_ =	strace s1  }
0xf: {  	_ =	strace $0x8FFFFFFF  }
0x10: {  	s19 =	sld [smem:$0x3FDB];
	_ =	sdelay $0x1  }
0x11: {  	s20 =	simm.s32 $_scs_section_size  }
0x12: {  	s4 =	simm.s32 $_size__tile_overlayer_lowered;
	s5 =	simm.s32 $_tile_overlayer_lowered  }
0x13: {  	s23 =	simm.s32 $0x1BFF;
	s22 =	sshll.u32 s5, $0x1;
	s1 =	sadd.s32 s20, s19  }
0x14: {  	s6 =	simm.s32 $0x0;
	s21 =	sshll.u32 s4, $0x1;
	s4 =	sadd.s32 s22, s1  }
0x15: {  	[timem:s6], [sflag:s23] =	dma.local [hbm:s4], s21  }
0x16: {  	_ =	swait.ge [sflag:s23], s21  }
0x17: {  	s2 =	ssub.s32 $0x0, s21;
	[sflag:s23] =	ssyncset.done $0x0  }
0x18: {  	[sflag:s23] =	ssyncadd.s32 s2;
	_ =	sdelay $0x1  }
0x19: {  	s24 =	simm.s32 $0x1B8B  }
0x1a: {  	_ =	swait.ge [sflag:s24], $0x1  }
0x1b: {  	[sflag:s24] =	ssyncset.done $0x0  }
0x1c: {  	s26 =	simm.s32 $0x1B8E;
	s25 =	sld [smem:$0x3FFE];
	[sflag:s24] =	ssyncadd.s32 $0xFFFFFFFF  }
0x1d: {  	s27 =	simm.s32 $execute0_lowered;
	[smem:$0x3FD2] =	sst s26  }
0x1e: {  	s4 =	sshll.u32 s27, $0x1;
	_ =	strace $0x80000046;
	[dreg:$0x1] =	wrdreg $0xFFFFFFFF  }
0x1f: {  	s28 =	simm.s32 $_size_execute0_lowered;
	s1 =	sadd.s32 s1, s4;
	[dreg:$0x0] =	wrdreg $0x0  }
0x20: {  	s4 =	sshll.u32 s28, $0x1;
	[dreg:$0x2] =	wrdreg s1  }
0x21: {  	[dreg:$0x3] =	wrdreg s4  }
0x22: {  	[dreg:$0x4] =	wrdreg $0xC0  }
0x23: {  	_ =	task [dreg:s6], $0x5FFFF  }
0x24: {  	[dreg:$0x1] =	wrdreg $0xFFFFFFFF  }
0x25: {  	[dreg:$0x0] =	wrdreg $0x60  }
0x26: {  	[dreg:$0x2] =	wrdreg s25  }
0x27: {  	[dreg:$0x3] =	wrdreg $0x9  }
0x28: {  	_ =	task.clear_ibuf [dreg:s6], $0x4FFFF;
	_ =	strace $0x90000046  }
0x29: {  	s29 =	simm.s32 $0x9;
	_ =	strace $0x80000048  }
0x2a: {  	_ =	swait.ge [sflag:s29], $0x1  }
0x2b: {  	[sflag:s29] =	ssyncadd.s32 $0xFFFFFFFF  }
0x2c: {  	_ =	strace $0x90000048  }
0x2d: {  	_ =	sfence  }
0x2e: {  	s30 =	sld [smem:$0x0];
	_ =	sdelay $0x2  }
0x2f: {  	s31 =	sshll.u32 s3, $0xD;
	s3 =	sshrl.u32 s3, $0x2  }
0x30: {  	s2 =	sand.u32 $0x4000, s31;
	s1 =	sadd.s32 s3, s30  }
0x31: {  	s0 =	sor.u32 s2, s0;
	s1 =	sshll.u32 s1, $0x11  }
0x32: {  	s0 =	sor.u32 s1, s0  }
0x33: {  	s0 =	sadd.s32 $0x8F2B, s0  }
0x34: {  	[sflag:s0] =	ssyncadd.remote.s32 $0x1  }
0x35: {  	_ =	sfence.sel $0xFFFF  }
0x36: {  	[dreg:$0x0] =	wrdreg $0xFFFFFFFF;
	(pc) =	sbr.abs _section_cstart, $3  }
0x37: {  	[dreg:$0x1] =	wrdreg $0xFFFFFFFF  }
0x38: {  	_ =	task.clear_ibuf [dreg:s6], $0x2FFFF;
	_ =	strace $0x9FFFFFFF  }
0x39: {  	(tm) =	ssettm $0x7FFFFFFF  }
tec
execute0_lowered:
.L_overlay_start_1:
0x0: {  	(tag) =	ssettag $0x1  }
0x1: {  	s0 =	srdreg.scid  }
0x2: {  	s1 =	sshll.u32 s0, $0x4  }
0x3: {  	s0 =	stileid.u32;
	s1 =	sand.u32 $0x10, s1  }
0x4: {  	s6 =	rddreg [dreg:$0x0];
	_ =	strace $0x80000047;
	s1 =	sor.u32 s0, s1  }
0x5: {  	s31 =	simm.s32 $0x2;
	s15 =	simm.s32 $0x0;
	s2 =	sshll.u32 s1, $0x3  }
0x6: {  	s8 =	simm.s32 $0x800;
	s9 =	simm.s32 $0x80000;
	s1 =	ssub.s32 $0x800, s2  }
0x7: {  	s10 =	simm.s32 $0x0;
	s16 =	simm.s32 $0x0;
	s3 =	sand.u32 $0xF8, s1  }
0x8: {  	s17 =	simm.s32 $0x0;
	p0 =	sne.s32 s3, $0x0;
	s3 =	simm.s32 $0x1  }
.Ltmp0:
0x9: {  	s1 =	sshrl.u32 s1, $0x8;
	s3 =	simm.s32 @!p0 $0x0;
	(pc) =	sbr.rel .LBB1_1-.Ltmp0, $4  }
0xa: {  	s11 =	simm.s32 $0x0;
	s12 =	simm.s32 $0x0;
	s1 =	sadd.s32 s3, s1  }
0xb: {  	s14 =	simm.s32 $0x0;
	s3 =	simm.s32 $0x1;
	s4 =	smul.u32 $0x3, s1  }
0xc: {  	s5 =	sadd.s32 $0x180C00, s6;
	s6 =	sadd.s32 $0xC00, s6;
	[sflag:s3] =	ssyncpa.u1 $0x0  }
0xd: {  	s13 =	smov.u32 s2;
	[sflag:s31] =	ssyncpa.u1 $0x0;
	s7 =	sadd.s32 $0x1, s4  }
.LBB1_9:
0xe: {  	s1 =	sadd.s32 $0x1, s11  }
0xf: {  	s15 =	sadd.s32 $0x2, s12;
	s18 =	smov.u32 s12;
	p1 =	sgt.s32 s1, $0x2  }
0x10: {  	s18 =	smov.u32 @p1 s15  }
0x11: {  	s20 =	smov.u32 s13;
	s15 =	sadd.s32 $0x100, s13;
	p2 =	sgt.s32 s18, $0x1  }
0x12: {  	s20 =	smov.u32 @p2 s15  }
0x13: {  	s1 =	simm.s32 @p1 $0x0;
	p1 =	sgt.s32 s20, $0x7FF  }
0x14: {  	p0 =	slt.u32 s14, $0x2;
	s20 =	smov.u32 @p1 s2;
	p1 =	sne.s32 s14, s7  }
.Ltmp1:
0x15: {  	s19 =	simm.s32 @!p0 $0x2;
	(pc) =	sbr.rel @!p1 .LBB1_10-.Ltmp1, $4  }
0x16: {  	s16 =	smov.u32 s12;
	s17 =	smov.u32 s13;
	_ =	swait.ge @!p0 [sflag:s19], $0x4000  }
0x17: {  	s10 =	sadd.s32 $0x4000, s10;
	[sflag:s19] =	ssyncset.done @!p0 $0x0;
	s18 =	simm.s32 @p2 $0x0  }
0x18: {  	s15 =	smov.u32 s11;
	[sflag:s19] =	ssyncadd.s32 @!p0 $0xFFFFC000;
	s11 =	smov.u32 s1  }
0x19: {  	s12 =	smov.u32 s18;
	s14 =	sadd.s32 $0x1, s14;
	s13 =	smov.u32 s20  }
.LBB1_1:
0x1a: {  	p0 =	sge.u32 s14, s4  }
0x1b: {  	s1 =	smul.u32 @!p0 $0x300, s13  }
0x1c: {  	s18 =	sxor.u32 @!p0 $0xFFFFFFFF, s14;
	s19 =	smul.u32 @!p0 $0x180, s12  }
0x1d: {  	s31 =	sadd.s32 $0xFFFFFFFF, s14;
	s18 =	sshll.u32 @!p0 s18, $0xE;
	s1 =	sadd.s32 @!p0 s5, s1  }
0x1e: {  	s20 =	sshll.u32 @!p0 s11, $0x7;
	s18 =	sand.u32 @!p0 $0x4000, s18;
	s1 =	sadd.s32 @!p0 s19, s1  }
0x1f: {  	s19 =	simm.s32 @!p0 $0x400;
	s1 =	sadd.s32 @!p0 s20, s1;
	s20 =	simm.s32 @!p0 $0xC00  }
0x20: {  	[tilespmem:s18], [sflag:$0x1] =	stream.strided.gather @!p0 [hbm4b:s1+s19], $0x4000, s20, s19, $0x38;
	[tilespmem:$0x10000] =	vst v63  }
0x21: {  	p0 =	sge.u32 s31, s4  }
.Ltmp2:
0x22: {  	_ = 	snop;
	(pc) =	sbr.rel @p0 .LBB1_9-.Ltmp2, $1  }
0x23: {  	_ =	sdelay $0x3  }
0x24: {  	s1 =	sshll.u32 s10, $0x2;
	_ =	swait.ge [sflag:s3], $0x4000;
	s18 =	sshll.u32 s14, $0xE  }
0x25: {  	s23 =	simm.s32 $0x0;
	p0 =	por $0x0, $0x0;
	s24 =	simm.s32 $0x0  }
0x26: {  	s1 =	sand.u32 $0x10000, s1;
	[sflag:s3] =	ssyncset.done $0x0;
	s21 =	sand.u32 $0x4000, s18  }
0x27: {  	s1 =	sshrl.u32 s1, $0x2;
	[sflag:s3] =	ssyncadd.s32 $0xFFFFC000;
	s18 =	sor.u32 $0x8000, s21  }
0x28: {  	s19 =	sor.u32 $0x40, s1;
	s20 =	sor.u32 $0x8000, s1;
	s22 =	sadd.s32 $0x8400, s1  }
.LBB1_3:
0x29: {  	s1 =	simm.s32 $0x1  }
0x2a: {  	s25 =	sshll.u32 s23, $0x2;
	s1 =	simm.s32 @!p0 $0x0  }
0x2b: {  	s25 =	sand.u32 $0xFFFFFC00, s25;
	s1 =	sshll.u32 s1, $0x9  }
0x2c: {  	s1 =	sor.u32 s1, s25  }
0x2d: {  	p2 =	por $0x1, $0x1;
	s1 =	sshrl.u32 s1, $0x2  }
0x2e: {  	s25 =	sshll.u32 s24, $0xB;
	s26 =	sadd.s32 s1, s22;
	s1 =	simm.s32 $0x0  }
.LBB1_4:
0x2f: {  	s27 =	sshll.u32 s1, $0xA  }
0x30: {  	s28 =	sor.u32 s25, s27;
	s27 =	sand.u32 $0x3FFFFC00, s27  }
0x31: {  	s29 =	sadd.s32 s27, s19  }
0x32: {  	v1 =	vld [tilespmem:s29+$0xFFFFFFD0]  }
0x33: {  	v2 =	vld [tilespmem:s29+$0x230]  }
0x34: {  	v4 =	vld [tilespmem:s29+$0xFFFFFFE0]  }
0x35: {  	v0 =	vmov s28;
	s28 =	simm.s32 $0x0;
	v7 =	vld [tilespmem:s29+$0xFFFFFFF0]  }
0x36: {  	s1 =	sshll.u32 s1, $0xD;
	s27 =	sand.u32 $0x100, s28;
	v8 =	vld [tilespmem:s29+$0x0]  }
0x37: {  	s1 =	sand.u32 $0x3FFFE000, s1;
	s28 =	sand.u32 $0x80, s28;
	v9 =	vld [tilespmem:s29+$0x10];
	s27 =	sadd.s32 s27, s21  }
0x38: {  	v10 =	vld [tilespmem:s29+$0x20];
	s27 =	sadd.s32 s28, s27;
	s28 =	sadd.s32 s1, s20  }
0x39: {  	v11 =	vld [tilespmem:s29+$0x30];
	[tilespmem:s28+$0x470] =	vst v2  }
0x3a: {  	v3 =	vld.idx.msk [tilespmem:v0+s27+$0x200 ss:$0x1], $0xffff;
	[tilespmem:s28+$0x10] =	vst v1  }
0x3b: {  	v6 =	vld [tilespmem:s29+$0x1D0];
	[tilespmem:s28+$0x20] =	vst v4  }
0x3c: {  	v5 =	vld [tilespmem:s29+$0x1E0];
	[tilespmem:s28+$0x30] =	vst v7  }
0x3d: {  	[tilespmem:s28+$0x40] =	vst v8;
	v4 =	vld [tilespmem:s29+$0x200]  }
0x3e: {  	s27 =	sadd.s32 s1, s26;
	[tilespmem:s28+$0x50] =	vst v9;
	v1 =	vld [tilespmem:s29+$0x210]  }
0x3f: {  	[tilespmem:s27+$0x0] =	vst v3;
	v3 =	vld [tilespmem:s29+$0x1F0]  }
0x40: {  	s30 =	simm.s32 $0x80;
	p1 =	por p2, p2;
	[tilespmem:s28+$0x60] =	vst v10;
	v2 =	vld [tilespmem:s29+$0x220]  }
0x41: {  	s31 =	simm.s32 $0x100;
	s1 =	sand.u32 $0x100, s30;
	v7 =	vld [tilespmem:s29+$0xFFFFFFC0];
	[tilespmem:s28+$0x70] =	vst v11;
	s29 =	sadd.s32 $0x80, s29  }
.LBB1_5:
0x42: {  	p2 =	sne.s32 s31, $0x180;
	v8 =	vld [tilespmem:s29+$0xFFFFFFD0];
	s30 =	sand.u32 $0x80, s30;
	s1 =	sadd.s32 s1, s21;
	[tilespmem:s28+$0x410] =	vst v6  }
0x43: {  	s1 =	sadd.s32 s30, s1;
	v6 =	vld [tilespmem:s29+$0x230];
	[tilespmem:s28+$0x420] =	vst v5;
	s30 =	smov.u32 s31  }
0x44: {  	v5 =	vld.idx.msk [tilespmem:v0+s1+$0x200 ss:$0x1], $0xffff;
	[tilespmem:s28+$0x430] =	vst v3  }
0x45: {  	v3 =	vld [tilespmem:s29+$0xFFFFFFE0];
	[tilespmem:s28+$0x440] =	vst v4  }
0x46: {  	v4 =	vld [tilespmem:s29+$0xFFFFFFF0];
	[tilespmem:s28+$0x0] =	vst v7  }
0x47: {  	v7 =	vld [tilespmem:s29+$0x0];
	[tilespmem:s28+$0x450] =	vst v1  }
0x48: {  	v1 =	vld [tilespmem:s29+$0x10];
	[tilespmem:s28+$0x460] =	vst v2;
	s28 =	sadd.s32 $0x800, s28  }
0x49: {  	s27 =	sadd.s32 $0x800, s27;
	v2 =	vld [tilespmem:s29+$0x20];
	[tilespmem:s28+$0x470] =	vst v6  }
0x4a: {  	v9 =	vld [tilespmem:s29+$0x30];
	[tilespmem:s27+$0x0] =	vst v5  }
0x4b: {  	[tilespmem:s28+$0x10] =	vst v8;
	v6 =	vld [tilespmem:s29+$0x1D0]  }
0x4c: {  	[tilespmem:s28+$0x20] =	vst v3;
	v5 =	vld [tilespmem:s29+$0x1E0]  }
.Ltmp3:
0x4d: {  	[tilespmem:s28+$0x30] =	vst v4;
	v3 =	vld [tilespmem:s29+$0x1F0];
	(pc) =	sbr.rel @p2 .LBB1_5-.Ltmp3, $4  }
0x4e: {  	[tilespmem:s28+$0x40] =	vst v7;
	v4 =	vld [tilespmem:s29+$0x200]  }
0x4f: {  	[tilespmem:s28+$0x50] =	vst v1;
	v1 =	vld [tilespmem:s29+$0x210]  }
0x50: {  	[tilespmem:s28+$0x60] =	vst v2;
	v2 =	vld [tilespmem:s29+$0x220]  }
0x51: {  	s31 =	sadd.s32 $0x80, s31;
	s1 =	sand.u32 $0x100, s30;
	v7 =	vld [tilespmem:s29+$0xFFFFFFC0];
	[tilespmem:s28+$0x70] =	vst v9;
	s29 =	sadd.s32 $0x80, s29  }
0x52: {  	[tilespmem:s28+$0x410] =	vst v6  }
0x53: {  	[tilespmem:s28+$0x420] =	vst v5  }
0x54: {  	v49 =	vld [tilespmem:s29+$0x230];
	[tilespmem:s28+$0x430] =	vst v3  }
0x55: {  	v50 =	vld [tilespmem:s29+$0xFFFFFFD0];
	[tilespmem:s28+$0x440] =	vst v4  }
0x56: {  	v51 =	vld [tilespmem:s29+$0xFFFFFFE0];
	[tilespmem:s28+$0x450] =	vst v1  }
0x57: {  	v52 =	vld [tilespmem:s29+$0xFFFFFFF0];
	[tilespmem:s28+$0x460] =	vst v2  }
0x58: {  	s31 =	sadd.s32 $0x800, s28;
	v53 =	vld [tilespmem:s29+$0x0];
	[tilespmem:s28+$0x0] =	vst v7  }
0x59: {  	v54 =	vld [tilespmem:s29+$0x10];
	[tilespmem:s31+$0x470] =	vst v49  }
0x5a: {  	v55 =	vld [tilespmem:s29+$0x20];
	[tilespmem:s31+$0x10] =	vst v50  }
0x5b: {  	v56 =	vld [tilespmem:s29+$0x30];
	[tilespmem:s31+$0x20] =	vst v51  }
0x5c: {  	v57 =	vld [tilespmem:s29+$0x1D0];
	[tilespmem:s31+$0x30] =	vst v52  }
0x5d: {  	v58 =	vld [tilespmem:s29+$0x1E0];
	[tilespmem:s31+$0x40] =	vst v53  }
0x5e: {  	v59 =	vld [tilespmem:s29+$0x1F0];
	[tilespmem:s31+$0x50] =	vst v54  }
0x5f: {  	v60 =	vld [tilespmem:s29+$0x200];
	[tilespmem:s31+$0x60] =	vst v55  }
0x60: {  	v61 =	vld [tilespmem:s29+$0xFFFFFFC0];
	[tilespmem:s31+$0x70] =	vst v56  }
0x61: {  	s30 =	sand.u32 $0x80, s30;
	s1 =	sadd.s32 s1, s21;
	v62 =	vld [tilespmem:s29+$0x210];
	[tilespmem:s31+$0x410] =	vst v57  }
0x62: {  	v63 =	vld [tilespmem:s29+$0x220];
	s1 =	sadd.s32 s30, s1;
	[tilespmem:s31+$0x420] =	vst v58  }
0x63: {  	v0 =	vld.idx.msk [tilespmem:v0+s1+$0x200 ss:$0x1], $0xffff;
	[tilespmem:s31+$0x430] =	vst v59  }
.Ltmp4:
0x64: {  	[tilespmem:s31+$0x440] =	vst v60;
	(pc) =	sbr.rel @p1 .LBB1_4-.Ltmp4, $4  }
0x65: {  	[tilespmem:s31+$0x0] =	vst v61  }
0x66: {  	[tilespmem:s31+$0x450] =	vst v62  }
0x67: {  	s27 =	sadd.s32 $0x800, s27;
	[tilespmem:s31+$0x460] =	vst v63  }
0x68: {  	p2 =	por $0x0, $0x0;
	s1 =	simm.s32 $0x1;
	[tilespmem:s27+$0x0] =	vst v0  }
0x69: {  	s24 =	sadd.s32 $0x1, s24  }
0x6a: {  	p1 =	sne.s32 s24, $0x8  }
.Ltmp5:
0x6b: {  	_ = 	snop;
	(pc) =	sbr.rel @p1 .LBB1_3-.Ltmp5, $3  }
0x6c: {  	_ =	sdelay $0x1  }
0x6d: {  	s19 =	sadd.s32 $0x800, s19  }
0x6e: {  	s23 =	sadd.s32 $0x80, s23;
	p0 =	por !p0, !p0;
	s20 =	sadd.s32 $0x80, s20  }
0x6f: {  	s1 =	sshll.u32 s17, $0x8;
	s31 =	sshll.u32 s17, $0x7;
	s16 =	sshll.u32 s16, $0x12  }
.Ltmp6:
0x70: {  	s1 =	sand.u32 $0x7F800, s1;
	s17 =	sand.u32 $0x380, s31;
	(pc) =	sbr.rel .LBB1_9-.Ltmp6, $4  }
0x71: {  	s15 =	sshll.u32 s15, $0x13;
	s16 =	sadd.s32 s6, s16;
	s1 =	sor.u32 s17, s1  }
0x72: {  	s15 =	sadd.s32 s15, s16;
	s1 =	sshrl.u32 s1, $0x3  }
0x73: {  	s1 =	sadd.s32 s1, s15  }
0x74: {  	[hbm4b:s1+s8] =	stream.strided.scatter [tilespmem:s18], [sflag:$0x2], $0x4000, s9, s8, $0x38;
	[tilespmem:$0x10000] =	vst v63  }
.LBB1_10:
0x75: {  	_ =	sfence.sel $0x180000  }
0x76: {  	s1 =	simm.s32 $0x1;
	[bflag:$0x0] =	sbarrier.arrive $0xFFFF  }
0x77: {  	s31 =	simm.s32 $0x2;
	[sflag:s1] =	ssyncpa.u1 $0x1  }
0x78: {  	[sflag:s31] =	ssyncpa.u1 $0x1  }
0x79: {  	_ =	strace $0x90000047  }
0x7a: {  	[bflag:$0x2] =	sbarrier.arrive $0xFFFF  }
0x7b: {  	p0 =	sne.s32 s0, $0x0;
	s0 =	rddreg [dreg:$0x1]  }
0x7c: {  	s0 =	sadd.s32 @!p0 $0x100000, s0  }
0x7d: {  	[sflag:s0] =	ssyncadd.tile.s32 @!p0 $0x1;
	_ =	shalt  }
.Lfunc_end1:
_tile_overlayer_lowered:
.L_overlay_start_2:
0x7e: {  	(tag) =	ssettag $0x2  }
0x7f: {  	s0 =	rddreg [dreg:$0x0];
	s2 =	stileid.u32  }
0x80: {  	s1 =	rddreg [dreg:$0x1];
	p0 =	sne.s32 s2, $0x0  }
0x81: {  	s3 =	rddreg [dreg:$0x2];
	[bflag:$0x3] =	sbarrier.arrive $0xFFFF;
	s2 =	simm.s32 @!p0 $0x1C01  }
0x82: {  	[timem:s3], [sflag:s2] =	dma.local @!p0 [hbm:s0], s1  }
0x83: {  	s0 =	simm.s32 @!p0 $0x1  }
0x84: {  	_ =	swait.ge @!p0 [sflag:s0], s1  }
0x85: {  	s1 =	ssub.s32 @!p0 $0x0, s1;
	[sflag:s0] =	ssyncset.done @!p0 $0x0  }
0x86: {  	[sflag:s0] =	ssyncadd.s32 @!p0 s1  }
0x87: {  	[bflag:$0x3] =	sbarrier.arrive $0xFFFF  }
0x88: {  	_ =	shalt  }

</sc_bundles>
